<compile_context>
chip_gen: v7x
topology: tpu7x:2x2x1
jax: 0.10.2.dev20260603
libtpu: 0.0.44.dev20260713+nightly
codegen_flags: <defaults>
</compile_context>

<pallas_src>
import functools

import jax
import jax.numpy as jnp
from jax import lax
from jax.experimental import pallas as pl
from jax.experimental.pallas import tpu as pltpu
from jax.experimental.pallas import tpu_sc as plsc

N = 10000
E = 320000
D = 128
ED = 16
G = 64
Q = 3
K = 512
FD = 256
EPS = 1e-5

NC = 2
NS = 16
NW = NC * NS
L = 16
C = 128
NCHUNK = E // C
NH = N // 2




def _xlxr_body(x_ref, WlT_ref, bl_ref, WrT_ref, br_ref, xl_ref, xr_ref):
    xb = x_ref[...]
    xl_ref[...] = jnp.dot(xb, WlT_ref[...], preferred_element_type=jnp.float32) + bl_ref[...]
    xr_ref[...] = jnp.dot(xb, WrT_ref[...], preferred_element_type=jnp.float32) + br_ref[...]


def _xlxr(x, W_l, b_l, W_r, b_r):
    B = 1000
    return pl.pallas_call(
        _xlxr_body,
        grid=(N // B,),
        in_specs=[
            pl.BlockSpec((B, D), lambda i: (i, 0)),
            pl.BlockSpec((D, D), lambda i: (0, 0)),
            pl.BlockSpec((1, D), lambda i: (0, 0)),
            pl.BlockSpec((D, D), lambda i: (0, 0)),
            pl.BlockSpec((1, D), lambda i: (0, 0)),
        ],
        out_specs=(
            pl.BlockSpec((B, D), lambda i: (i, 0)),
            pl.BlockSpec((B, D), lambda i: (i, 0)),
        ),
        out_shape=(
            jax.ShapeDtypeStruct((N, D), jnp.float32),
            jax.ShapeDtypeStruct((N, D), jnp.float32),
        ),
    )(x, W_l.T, b_l.reshape(1, D), W_r.T, b_r.reshape(1, D))



def _e0_body(ea_ref, WeT_ref, e0_ref):
    e0_ref[...] = jnp.dot(ea_ref[...], WeT_ref[...], preferred_element_type=jnp.float32)


def _e0(edge_attr, W_e):
    B = 2000
    return pl.pallas_call(
        _e0_body,
        grid=(E // B,),
        in_specs=[
            pl.BlockSpec((B, ED), lambda i: (i, 0)),
            pl.BlockSpec((ED, D), lambda i: (0, 0)),
        ],
        out_specs=pl.BlockSpec((B, D), lambda i: (i, 0)),
        out_shape=jax.ShapeDtypeStruct((E, D), jnp.float32),
    )(edge_attr, W_e.T)



_LOG2E = 1.4426950408889634
_LN2_HI = 0.693359375
_LN2_LO = -2.1219444005469057e-4
_RND = 12582912.0


def _exp_f32(x):
    t = x * _LOG2E
    ki = (t + jnp.where(t >= 0.0, 0.5, -0.5)).astype(jnp.int32)
    kf = ki.astype(jnp.float32)
    r = (x - kf * _LN2_HI) - kf * _LN2_LO
    p = 1.0 / 720.0
    for c in (1.0 / 120.0, 1.0 / 24.0, 1.0 / 6.0, 0.5, 1.0, 1.0):
        p = p * r + c
    scale = plsc.bitcast(lax.shift_left(ki + 127, 23), jnp.float32)
    return p * scale


def _worker_id():
    return lax.axis_index("s") * NC + lax.axis_index("c")


def _sc_mesh():
    return plsc.VectorSubcoreMesh(core_axis_name="c", subcore_axis_name="s")



def _sc0_body(dst_hbm, ea_hbm, lat_hbm, dst_v, ea_v, lat_acc, sem):
    wid = _worker_id()
    iota16 = lax.broadcasted_iota(jnp.int32, (L,), 0)
    zero16 = jnp.zeros((L,), jnp.float32)
    nt = NCHUNK // NW + jnp.where(wid < NCHUNK % NW, 1, 0)

    for h in range(2):
        def zbody(i, _):
            lat_acc[pl.ds(i * L, L)] = zero16
            return 0

        lax.fori_loop(0, (NH + 1) * ED // L, zbody, 0)

        def chunk(t, _):
            ci = wid + t * NW
            base = pl.multiple_of(ci * C, C)
            pltpu.sync_copy(dst_hbm.at[pl.ds(base, C)], dst_v)
            pltpu.sync_copy(ea_hbm.at[pl.ds(base, C)], ea_v)

            def cbody(c, _):
                csp = jnp.full((L,), c, jnp.int32)
                dspl = plsc.load_gather(dst_v, [csp])
                local = dspl - (h * NH)
                ok = (local >= 0) & (local < NH)
                slot = jnp.where(ok, local, NH)
                idx = slot * ED + iota16
                cur = plsc.load_gather(lat_acc, [idx])
                plsc.store_scatter(lat_acc, [idx], cur + ea_v[c, :])
                return 0

            lax.fori_loop(0, C, cbody, 0)
            return 0

        lax.fori_loop(0, nt, chunk, 0)
        pltpu.sync_copy(
            lat_acc.at[pl.ds(0, NH * ED)],
            lat_hbm.at[pl.ds((wid * 2 + h) * NH * ED, NH * ED)])


def _sc0(dst, edge_attr):
    fn = functools.partial(
        pl.kernel, _sc0_body, mesh=_sc_mesh(),
        compiler_params=pltpu.CompilerParams(needs_layout_passes=False),
        out_type=jax.ShapeDtypeStruct((NW * N * ED,), jnp.float32),
        scratch_types=[
            pltpu.VMEM((C,), jnp.int32),
            pltpu.VMEM((C, ED), jnp.float32),
            pltpu.VMEM(((NH + 1) * ED,), jnp.float32),
            pltpu.SemaphoreType.DMA,
        ],
    )()
    return fn(dst, edge_attr)



def _sc1_body(xl_hbm, xr_hbm, e0_hbm, src_hbm, dst_hbm, att_hbm,
              a_hbm, zparts_hbm, cntparts_hbm,
              src_v, dst_v, e0_v, xs_v, xr_v, S_v, a_v, z_acc,
              cnt_acc, att_v, sem):
    wid = _worker_id()

    zero16 = jnp.zeros((L,), jnp.float32)

    def zbody(i, _):
        z_acc[pl.ds(i * L, L)] = zero16
        cnt_acc[pl.ds(i * L, L)] = zero16
        return 0

    lax.fori_loop(0, (N + L) // L, zbody, 0)

    pltpu.sync_copy(att_hbm, att_v)
    att_b = [att_v[pl.ds(b * L, L)] for b in range(D // L)]
    iota16 = lax.broadcasted_iota(jnp.int32, (L,), 0)
    ones16 = jnp.full((L,), 1.0, jnp.float32)

    nt = NCHUNK // NW + jnp.where(wid < NCHUNK % NW, 1, 0)

    def chunk(t, _):
        ci = wid + t * NW
        base = pl.multiple_of(ci * C, C)
        pltpu.sync_copy(src_hbm.at[pl.ds(base, C)], src_v)
        pltpu.sync_copy(dst_hbm.at[pl.ds(base, C)], dst_v)
        pltpu.sync_copy(e0_hbm.at[pl.ds(base, C)], e0_v)
        pltpu.async_copy(xl_hbm.at[src_v], xs_v, sem).wait()
        pltpu.async_copy(xr_hbm.at[dst_v], xr_v, sem).wait()

        def cbody(c, _):
            for b in range(D // L):
                sl = pl.ds(b * L, L)
                v = xs_v[c, sl] + xr_v[c, sl] + e0_v[c, sl]
                v = jnp.maximum(v, 0.2 * v)
                p = v * att_b[b]
                acc = p if b == 0 else acc + p
            S_v[pl.ds(c * L, L)] = acc
            return 0

        lax.fori_loop(0, C, cbody, 0)

        def gbody(g, _):
            cols = iota16 * L + g * (L * L)
            logit = plsc.load_gather(S_v, [cols])
            for k in range(1, L):
                logit = logit + plsc.load_gather(S_v, [cols + k])
            a16 = _exp_f32(logit)
            a_v[pl.ds(g * L, L)] = a16
            return 0

        lax.fori_loop(0, C // L, gbody, 0)

        def sbody(c, _):
            csp = jnp.full((L,), c, jnp.int32)
            dspl = plsc.load_gather(dst_v, [csp])
            aspl = plsc.load_gather(a_v, [csp])
            idx = jnp.where(iota16 == 0, dspl, N)
            zc = plsc.load_gather(z_acc, [idx])
            plsc.store_scatter(z_acc, [idx], zc + aspl)
            cc = plsc.load_gather(cnt_acc, [idx])
            plsc.store_scatter(cnt_acc, [idx], cc + ones16)
            return 0

        lax.fori_loop(0, C, sbody, 0)

        pltpu.sync_copy(a_v, a_hbm.at[pl.ds(base, C)])
        return 0

    lax.fori_loop(0, nt, chunk, 0)

    pltpu.sync_copy(z_acc.at[pl.ds(0, N)],
                    zparts_hbm.at[pl.ds(wid * N, N)])
    pltpu.sync_copy(cnt_acc.at[pl.ds(0, N)],
                    cntparts_hbm.at[pl.ds(wid * N, N)])


def _sc1(xl, xr, e0, src, dst, att):
    fn = functools.partial(
        pl.kernel, _sc1_body, mesh=_sc_mesh(),
        compiler_params=pltpu.CompilerParams(needs_layout_passes=False),
        out_type=(
            jax.ShapeDtypeStruct((E,), jnp.float32),
            jax.ShapeDtypeStruct((NW * N,), jnp.float32),
            jax.ShapeDtypeStruct((NW * N,), jnp.float32),
        ),
        scratch_types=[
            pltpu.VMEM((C,), jnp.int32),
            pltpu.VMEM((C,), jnp.int32),
            pltpu.VMEM((C, D), jnp.float32),
            pltpu.VMEM((C, D), jnp.float32),
            pltpu.VMEM((C, D), jnp.float32),
            pltpu.VMEM((C * L,), jnp.float32),
            pltpu.VMEM((C,), jnp.float32),
            pltpu.VMEM((N + L,), jnp.float32),
            pltpu.VMEM((N + L,), jnp.float32),
            pltpu.VMEM((D,), jnp.float32),
            pltpu.SemaphoreType.DMA,
        ],
    )()
    return fn(xl, xr, e0, src, dst, att)



def _merge_body(xT_ref, Wl_ref, blc_ref, Wr_ref, brc_ref, latT_ref, cntp_ref,
                zp_ref, We_ref, attc_ref, rz_ref, wd_ref):
    xT = xT_ref[...]
    xlT = jnp.dot(Wl_ref[...], xT, preferred_element_type=jnp.float32) + blc_ref[...]
    xrT = jnp.dot(Wr_ref[...], xT, preferred_element_type=jnp.float32) + brc_ref[...]
    cnt = jnp.sum(cntp_ref[...], axis=0, keepdims=True)
    rc = 1.0 / jnp.maximum(cnt, 1.0)
    laT = jnp.sum(latT_ref[...], axis=0) * rc
    hl = xlT + xrT + jnp.dot(We_ref[...], laT, preferred_element_type=jnp.float32)
    hl = jnp.maximum(hl, 0.2 * hl)
    al = jnp.exp(jnp.sum(hl * attc_ref[...], axis=0, keepdims=True))
    z = jnp.sum(zp_ref[...], axis=0, keepdims=True) + al
    rz = 1.0 / z
    rz_ref[...] = rz
    wd_ref[...] = al * rz


def _merge(x, W_l, b_l, W_r, b_r, latT, cntparts, zparts, W_e, att):
    return pl.pallas_call(
        _merge_body,
        out_shape=(
            jax.ShapeDtypeStruct((1, N), jnp.float32),
            jax.ShapeDtypeStruct((1, N), jnp.float32),
        ),
    )(x.T, W_l, b_l.reshape(D, 1), W_r, b_r.reshape(D, 1), latT,
      cntparts, zparts, W_e, att.reshape(D, 1))



def _sc2_body(rz_hbm, batch_hbm, a_hbm, src_hbm, dst_hbm,
              W_hbm,
              Wslab, rz_v, batch_v, a_v, src_v, dst_v, sem):
    wid = _worker_id()
    g0 = wid * (G // NW)

    zero16 = jnp.zeros((L,), jnp.float32)

    def zbody(i, _):
        Wslab[pl.ds(i * L, L)] = zero16
        return 0

    lax.fori_loop(0, ((G // NW) * N + ED) // L, zbody, 0)

    pltpu.sync_copy(rz_hbm, rz_v)
    pltpu.sync_copy(batch_hbm, batch_v)

    def chunk(t, _):
        base = pl.multiple_of(t * C, C)
        pltpu.sync_copy(a_hbm.at[pl.ds(base, C)], a_v)
        pltpu.sync_copy(src_hbm.at[pl.ds(base, C)], src_v)
        pltpu.sync_copy(dst_hbm.at[pl.ds(base, C)], dst_v)

        def gbody(g, _):
            sl = pl.ds(g * L, L)
            d16 = dst_v[sl]
            s16 = src_v[sl]
            a16 = a_v[sl]
            rz16 = plsc.load_gather(rz_v, [d16])
            gid16 = plsc.load_gather(batch_v, [d16])
            loc = gid16 - g0
            ok = (loc >= 0) & (loc < (G // NW))
            w16 = a16 * rz16
            flat = jnp.where(ok, loc * N + s16, (G // NW) * N)
            plsc.addupdate_scatter(Wslab, [flat], w16)
            return 0

        lax.fori_loop(0, C // L, gbody, 0)
        return 0

    lax.fori_loop(0, NCHUNK, chunk, 0)
    pltpu.sync_copy(Wslab.at[pl.ds(0, (G // NW) * N)],
                    W_hbm.at[pl.ds(g0 * N, (G // NW) * N)])


def _sc2(rz, batch, a, src, dst):
    fn = functools.partial(
        pl.kernel, _sc2_body, mesh=_sc_mesh(),
        compiler_params=pltpu.CompilerParams(needs_layout_passes=False),
        out_type=jax.ShapeDtypeStruct((G * N,), jnp.float32),
        scratch_types=[
            pltpu.VMEM((G // NW * N + ED,), jnp.float32),
            pltpu.VMEM((N,), jnp.float32),
            pltpu.VMEM((N,), jnp.int32),
            pltpu.VMEM((C,), jnp.float32),
            pltpu.VMEM((C,), jnp.int32),
            pltpu.VMEM((C,), jnp.int32),
            pltpu.SemaphoreType.DMA,
        ],
    )()
    return fn(rz, batch, a, src, dst)



def _tail_body(Wsc_ref, wd_ref, batchr_ref, xl_ref, biasc_ref, WadT_ref,
               bad_ref, gamma_ref, beta_ref, cb_ref, WoutT_ref, bout_ref,
               qx_ref, idx_ref, loss_ref):
    gids = lax.broadcasted_iota(jnp.int32, (G, N), 0)
    mask = (gids == batchr_ref[...]).astype(jnp.float32)
    Wm = Wsc_ref[...] + mask * wd_ref[...]
    cntn = jnp.sum(mask, axis=1, keepdims=True)

    gsum = jnp.dot(Wm, xl_ref[...], preferred_element_type=jnp.float32)
    inv_cnt = 1.0 / jnp.maximum(cntn, 1.0)
    g = gsum * inv_cnt + biasc_ref[...]
    g = jnp.dot(g, WadT_ref[...], preferred_element_type=jnp.float32) + bad_ref[...]
    mu = jnp.mean(g, axis=-1, keepdims=True)
    var = jnp.mean((g - mu) ** 2, axis=-1, keepdims=True)
    g = (g - mu) / jnp.sqrt(var + EPS) * gamma_ref[...] + beta_ref[...]

    residual = g
    for q in range(Q):
        embed = cb_ref[q]
        d2 = ((residual ** 2).sum(-1, keepdims=True)
              - 2.0 * jnp.dot(residual, embed.T, preferred_element_type=jnp.float32)
              + (embed ** 2).sum(-1)[None, :])
        idx = jnp.argmin(d2, axis=-1).astype(jnp.int32)
        onehot = (lax.broadcasted_iota(jnp.int32, (G, K), 1)
                  == idx[:, None]).astype(jnp.float32)
        quant = jnp.dot(onehot, embed, preferred_element_type=jnp.float32)
        loss = jnp.mean((quant - residual) ** 2)
        qx_ref[q] = (jnp.dot(quant, WoutT_ref[...], preferred_element_type=jnp.float32)
                     + bout_ref[...])
        idx_ref[pl.ds(q, 1), :] = idx.reshape(1, G)
        loss_ref[pl.ds(q, 1), :] = loss.reshape(1, 1)
        residual = residual - quant


def _tail(Wsc, wd, batch, xl, bias_conv, W_ad, b_ad, gamma, beta, codebooks,
          W_out, b_out):
    qx3, idxT, loss31 = pl.pallas_call(
        _tail_body,
        out_shape=(
            jax.ShapeDtypeStruct((Q, G, FD), jnp.float32),
            jax.ShapeDtypeStruct((Q, G), jnp.int32),
            jax.ShapeDtypeStruct((Q, 1), jnp.float32),
        ),
    )(Wsc, wd, batch.reshape(1, N), xl, bias_conv.reshape(1, D), W_ad.T,
      b_ad.reshape(1, D), gamma.reshape(1, D), beta.reshape(1, D), codebooks,
      W_out.T, b_out.reshape(1, FD))
    qx = jnp.transpose(qx3, (1, 0, 2))
    indices = idxT.T
    losses = loss31[:, 0]
    return qx, indices, losses



def kernel(x, edge_index, edge_attr, batch, W_l, b_l, W_r, b_r, W_e, att,
           bias_conv, W_ad, b_ad, gamma, beta, codebooks, W_out, b_out):
    src = edge_index[0]
    dst = edge_index[1]

    xl, xr = _xlxr(x, W_l, b_l, W_r, b_r)
    e0 = _e0(edge_attr, W_e)

    lat32 = _sc0(dst, edge_attr)
    latT = (lat32.reshape(NW, 2, NH, ED)
            .transpose(0, 3, 1, 2).reshape(NW, ED, N))

    a, zparts, cntparts = _sc1(xl, xr, e0, src, dst, att)
    zparts = zparts.reshape(NW, N)
    cntparts = cntparts.reshape(NW, N)

    rz, wd = _merge(x, W_l, b_l, W_r, b_r, latT, cntparts, zparts, W_e, att)

    w_e = a * rz.reshape(N)[dst]
    Wsc = jnp.zeros((G, N), jnp.float32).at[batch[dst], src].add(w_e)

    return _tail(Wsc, wd, batch, xl, bias_conv, W_ad, b_ad, gamma, beta,
                 codebooks, W_out, b_out)

# --- scband reference (transcript-rebuilt; emitter-appended) ---
"""Pipeline reference for scband-kgencoder-84121229460003 (READ-ONLY COPY).

The authoritative reference and input builder live on the scoring server;
editing this copy changes nothing except your own understanding.
"""

import jax, jax.numpy as jnp
import numpy as np

N = 10000
E = 320000
D = 128
ED = 16
G = 64
Q = 3
K = 512
FD = 256
EPS = 1e-5


def setup_inputs(seed: int = 0):
    key = jax.random.key(seed)
    ks = jax.random.split(key, 16)
    s = 1.0 / np.sqrt(D)
    inp = {}
    inp['x'] = jax.random.normal(ks[0], (N, D), jnp.float32)
    inp['edge_index'] = jax.random.randint(ks[1], (2, E), 0, N, dtype=jnp.int32)
    inp['edge_attr'] = jax.random.normal(ks[2], (E, ED), jnp.float32)
    inp['batch'] = jnp.sort(jax.random.randint(ks[3], (N,), 0, G, dtype=jnp.int32))
    inp['W_l'] = jax.random.normal(ks[4], (D, D), jnp.float32) * s
    inp['b_l'] = jnp.zeros((D,), jnp.float32)
    inp['W_r'] = jax.random.normal(ks[5], (D, D), jnp.float32) * s
    inp['b_r'] = jnp.zeros((D,), jnp.float32)
    inp['W_e'] = jax.random.normal(ks[6], (D, ED), jnp.float32) * (1.0 / np.sqrt(ED))
    inp['att'] = jax.random.normal(ks[7], (D,), jnp.float32) * s
    inp['bias_conv'] = jnp.zeros((D,), jnp.float32)
    inp['W_ad'] = jax.random.normal(ks[8], (D, D), jnp.float32) * s
    inp['b_ad'] = jnp.zeros((D,), jnp.float32)
    inp['gamma'] = jnp.ones((D,), jnp.float32)
    inp['beta'] = jnp.zeros((D,), jnp.float32)
    inp['codebooks'] = jax.random.normal(ks[9], (Q, K, D), jnp.float32)
    inp['W_out'] = jax.random.normal(ks[10], (FD, D), jnp.float32) * s
    inp['b_out'] = jnp.zeros((FD,), jnp.float32)
    return inp


def _gatv2(x, edge_index, edge_attr, W_l, b_l, W_r, b_r, W_e, att, bias_conv):
    # GATv2Conv, heads=1, add_self_loops=True with fill_value='mean', eval mode (no dropout)
    src0 = edge_index[0]
    dst0 = edge_index[1]
    cnt = jax.ops.segment_sum(jnp.ones((E,), jnp.float32), dst0, num_segments=N)
    loop_attr = jax.ops.segment_sum(edge_attr, dst0, num_segments=N) / jnp.maximum(cnt, 1.0)[:, None]
    loops = jnp.arange(N, dtype=jnp.int32)
    src = jnp.concatenate([src0, loops])
    dst = jnp.concatenate([dst0, loops])
    ea = jnp.concatenate([edge_attr, loop_attr], axis=0)
    x_l = x @ W_l.T + b_l
    x_r = x @ W_r.T + b_r
    e = ea @ W_e.T
    h = x_l[src] + x_r[dst] + e
    h = jax.nn.leaky_relu(h, negative_slope=0.2)
    logit = (h * att).sum(axis=-1)
    m = jax.ops.segment_max(logit, dst, num_segments=N)
    a = jnp.exp(logit - m[dst])
    z = jax.ops.segment_sum(a, dst, num_segments=N)
    alpha = a / z[dst]
    msg = x_l[src] * alpha[:, None]
    return jax.ops.segment_sum(msg, dst, num_segments=N) + bias_conv


def _residual_vq(x, codebooks):
    residual = x
    quantized_out = jnp.zeros_like(x)
    all_idx = []
    all_loss = []
    all_codes = []
    for q in range(Q):
        embed = codebooks[q]
        d2 = (residual ** 2).sum(-1, keepdims=True) - 2.0 * residual @ embed.T + (embed ** 2).sum(-1)[None, :]
        idx = jnp.argmin(d2, axis=-1)
        quant = embed[idx]
        loss = jnp.mean((jax.lax.stop_gradient(quant) - residual) ** 2)
        quant_st = residual + jax.lax.stop_gradient(quant - residual)
        quantized_out = quantized_out + quant_st
        residual = residual - jax.lax.stop_gradient(quant)
        all_idx.append(idx)
        all_loss.append(loss)
        all_codes.append(quant)
    return quantized_out, jnp.stack(all_idx, -1), jnp.stack(all_loss), jnp.stack(all_codes)


def reference(x, edge_index, edge_attr, batch, W_l, b_l, W_r, b_r, W_e, att, bias_conv, W_ad, b_ad, gamma, beta, codebooks, W_out, b_out):
    h = _gatv2(x, edge_index, edge_attr, W_l, b_l, W_r, b_r, W_e, att, bias_conv)
    cnt = jax.ops.segment_sum(jnp.ones((N,), jnp.float32), batch, num_segments=G)
    g = jax.ops.segment_sum(h, batch, num_segments=G) / jnp.maximum(cnt, 1.0)[:, None]
    g = g @ W_ad.T + b_ad
    mu = g.mean(axis=-1, keepdims=True)
    var = ((g - mu) ** 2).mean(axis=-1, keepdims=True)
    g = (g - mu) / jnp.sqrt(var + EPS) * gamma + beta
    quantized_out, indices, losses, codes = _residual_vq(g, codebooks)
    qx = jnp.transpose(codes, (1, 0, 2)) @ W_out.T + b_out
    return (qx, indices, losses)

if __name__ == "__main__":
    import jax
    _d = setup_inputs()
    print(jax.jit(kernel)(*tuple(_d.values())))

</pallas_src>

<mosaic_0001>
#map = affine_map<(d0, d1) -> (0, 0)>
#map1 = affine_map<(d0, d1) -> (0)>
module attributes {stable_mosaic.version = 14 : i64} {
  func.func @_sc1_body(%arg0: i32, %arg1: i32, %arg2: memref<10000x128xf32, #tpu.memory_space<hbm>>, %arg3: memref<10000x128xf32, #tpu.memory_space<hbm>>, %arg4: memref<320000x128xf32, #tpu.memory_space<hbm>>, %arg5: memref<320000xi32, #tpu.memory_space<hbm>>, %arg6: memref<320000xi32, #tpu.memory_space<hbm>>, %arg7: memref<128xf32, #tpu.memory_space<hbm>>, %arg8: memref<320000xf32, #tpu.memory_space<hbm>>, %arg9: memref<320000xf32, #tpu.memory_space<hbm>>, %arg10: memref<320000xf32, #tpu.memory_space<hbm>>, %arg11: memref<128xi32, #tpu.memory_space<vmem>>, %arg12: memref<128xi32, #tpu.memory_space<vmem>>, %arg13: memref<128x128xf32, #tpu.memory_space<vmem>>, %arg14: memref<128x128xf32, #tpu.memory_space<vmem>>, %arg15: memref<128x128xf32, #tpu.memory_space<vmem>>, %arg16: memref<2048xf32, #tpu.memory_space<vmem>>, %arg17: memref<128xf32, #tpu.memory_space<vmem>>, %arg18: memref<10016xf32, #tpu.memory_space<vmem>>, %arg19: memref<10016xf32, #tpu.memory_space<vmem>>, %arg20: memref<128xf32, #tpu.memory_space<vmem>>, %arg21: memref<!tpu.dma_semaphore, #tpu.memory_space<semaphore_mem>>) attributes {dimension_semantics = [#tpu.dimension_semantics<core_parallel>, #tpu.dimension_semantics<subcore_parallel>], iteration_bounds = array<i64: 2, 16>, scalar_prefetch = 0 : i64, scratch_operands = 11 : i64, tpu.core_type = #tpu.core_type<sc_vector_subcore>, window_params = [{transform_indices = #map}, {transform_indices = #map}, {transform_indices = #map}, {transform_indices = #map1}, {transform_indices = #map1}, {transform_indices = #map1}, {transform_indices = #map1}, {transform_indices = #map1}, {transform_indices = #map1}]} {
    %mul3A = arith.constant 2 : i32
    %mul3A_0 = arith.muli %arg1, %mul3A : i32
    %add3A = arith.addi %mul3A_0, %arg0 : i32
    %broadcast_in_dim3A = arith.constant 0.000000e+00 : f32
    %broadcast_in_dim3A_1 = vector.broadcast %broadcast_in_dim3A : f32 to vector<16xf32>
    %scan3A = arith.constant 0 : i32
    %scan3A_2 = arith.constant 0 : i32
    %scan3A_3 = arith.constant 626 : i32
    %scan3A_4 = arith.addi %scan3A_2, %scan3A_3 : i32
    %scan3A_5 = arith.constant 1 : i32
    %scan3A_6 = scf.for %scan3A_44 = %scan3A_2 to %scan3A_4 step %scan3A_5 iter_args(%scan3A_45 = %scan3A) -> (i32)  : i32 {
      %mul3A_46 = arith.constant 16 : i32
      %mul3A_47 = arith.muli %scan3A_44, %mul3A_46 : i32
      %swap3A = arith.index_cast %mul3A_47 : i32 to index
      %swap3A_48 = tpu.vector_load %arg18[%swap3A] {strides = array<i32>} : memref<10016xf32, #tpu.memory_space<vmem>>, vector<16xf32>,
      tpu.vector_store %arg18[%swap3A], %broadcast_in_dim3A_1 {strides = array<i32>} : memref<10016xf32, #tpu.memory_space<vmem>>, vector<16xf32>,
      %mul3A_49 = arith.constant 16 : i32
      %mul3A_50 = arith.muli %scan3A_44, %mul3A_49 : i32
      %swap3A_51 = arith.index_cast %mul3A_50 : i32 to index
      %swap3A_52 = tpu.vector_load %arg19[%swap3A_51] {strides = array<i32>} : memref<10016xf32, #tpu.memory_space<vmem>>, vector<16xf32>,
      tpu.vector_store %arg19[%swap3A_51], %broadcast_in_dim3A_1 {strides = array<i32>} : memref<10016xf32, #tpu.memory_space<vmem>>, vector<16xf32>,
      %scan3A_53 = arith.constant 0 : i32
      scf.yield %scan3A_53 : i32
    }
    %scan3A_7 = arith.constant 626 : i32
    "tpu.region"() ({
      %run_scoped3A = tpu.sem_alloc : memref<!tpu.dma_semaphore, #tpu.memory_space<semaphore_mem>>
      tpu.enqueue_dma source(%arg7 : memref<128xf32, #tpu.memory_space<hbm>>) target(%arg20 : memref<128xf32, #tpu.memory_space<vmem>>) target_semaphore(%run_scoped3A : memref<!tpu.dma_semaphore, #tpu.memory_space<semaphore_mem>>)
      tpu.wait_dma2 semaphore(%run_scoped3A : memref<!tpu.dma_semaphore, #tpu.memory_space<semaphore_mem>>) src(%arg7 : memref<128xf32, #tpu.memory_space<hbm>>) dst(%arg20 : memref<128xf32, #tpu.memory_space<vmem>>)
      tpu.yield
    }) : () -> ()
    %get3A = arith.constant 0 : index
    %get3A_8 = tpu.vector_load %arg20[%get3A] {strides = array<i32>} : memref<128xf32, #tpu.memory_space<vmem>>, vector<16xf32>,
    %get3A_9 = arith.constant 16 : index
    %get3A_10 = tpu.vector_load %arg20[%get3A_9] {strides = array<i32>} : memref<128xf32, #tpu.memory_space<vmem>>, vector<16xf32>,
    %get3A_11 = arith.constant 32 : index
    %get3A_12 = tpu.vector_load %arg20[%get3A_11] {strides = array<i32>} : memref<128xf32, #tpu.memory_space<vmem>>, vector<16xf32>,
    %get3A_13 = arith.constant 48 : index
    %get3A_14 = tpu.vector_load %arg20[%get3A_13] {strides = array<i32>} : memref<128xf32, #tpu.memory_space<vmem>>, vector<16xf32>,
    %get3A_15 = arith.constant 64 : index
    %get3A_16 = tpu.vector_load %arg20[%get3A_15] {strides = array<i32>} : memref<128xf32, #tpu.memory_space<vmem>>, vector<16xf32>,
    %get3A_17 = arith.constant 80 : index
    %get3A_18 = tpu.vector_load %arg20[%get3A_17] {strides = array<i32>} : memref<128xf32, #tpu.memory_space<vmem>>, vector<16xf32>,
    %get3A_19 = arith.constant 96 : index
    %get3A_20 = tpu.vector_load %arg20[%get3A_19] {strides = array<i32>} : memref<128xf32, #tpu.memory_space<vmem>>, vector<16xf32>,
    %get3A_21 = arith.constant 112 : index
    %get3A_22 = tpu.vector_load %arg20[%get3A_21] {strides = array<i32>} : memref<128xf32, #tpu.memory_space<vmem>>, vector<16xf32>,
    %iota3A = tpu.iota {dimensions = array<i32: 0>} : vector<16xi32>
    %broadcast_in_dim3A_23 = arith.constant 1.000000e+00 : f32
    %broadcast_in_dim3A_24 = vector.broadcast %broadcast_in_dim3A_23 : f32 to vector<16xf32>
    %lt3A = arith.constant 4 : i32
    %lt3A_25 = arith.cmpi slt, %add3A, %lt3A : i32
    %jit3A = arith.constant 1 : i32
    %jit3A_26 = arith.constant 0 : i32
    %select_n3A = arith.select %lt3A_25, %jit3A, %jit3A_26 : i32
    %add3A_27 = arith.constant 78 : i32
    %add3A_28 = arith.addi %add3A_27, %select_n3A : i32
    %while3A = arith.constant 0 : i32
    %while3A_29 = arith.constant 0 : i32
    %while3A_30 = arith.subi %add3A_28, %while3A : i32
    %while3A_31 = arith.addi %while3A, %while3A_30 : i32
    %while3A_32 = arith.constant 1 : i32
    %while3A_33 = arith.divsi %while3A_30, %while3A_32 : i32
    %while3A_34 = arith.muli %while3A_33, %while3A_32 : i32
    %while3A_35 = arith.addi %while3A, %while3A_34 : i32
    %while3A_36 = arith.constant 1 : i32
    %while3A_37 = scf.for %while3A_44 = %while3A to %while3A_35 step %while3A_36 iter_args(%while3A_45 = %while3A_29) -> (i32)  : i32 {
      %mul3A_46 = arith.constant 32 : i32
      %mul3A_47 = arith.muli %while3A_44, %mul3A_46 : i32
      %add3A_48 = arith.addi %add3A, %mul3A_47 : i32
      %mul3A_49 = arith.constant 128 : i32
      %mul3A_50 = arith.muli %add3A_48, %mul3A_49 : i32
      %multiple_of3A = tpu.assume_multiple %mul3A_50, 128 : i32
      "tpu.region"() ({
        %run_scoped3A = tpu.sem_alloc : memref<!tpu.dma_semaphore, #tpu.memory_space<semaphore_mem>>
        %dma_start3A_83 = tpu.memref_slice %arg5[%multiple_of3A] : memref<320000xi32, #tpu.memory_space<hbm>> -> memref<128xi32, #tpu.memory_space<hbm>>
        %dma_start3A_84 = tpu.memref_slice %arg5[%multiple_of3A] : memref<320000xi32, #tpu.memory_space<hbm>> -> memref<128xi32, #tpu.memory_space<hbm>>
        tpu.enqueue_dma source(%dma_start3A_84 : memref<128xi32, #tpu.memory_space<hbm>>) target(%arg11 : memref<128xi32, #tpu.memory_space<vmem>>) target_semaphore(%run_scoped3A : memref<!tpu.dma_semaphore, #tpu.memory_space<semaphore_mem>>)
        %dma_wait3A_85 = tpu.memref_slice %arg5[%multiple_of3A] : memref<320000xi32, #tpu.memory_space<hbm>> -> memref<128xi32, #tpu.memory_space<hbm>>
        %dma_wait3A_86 = tpu.memref_slice %arg5[%multiple_of3A] : memref<320000xi32, #tpu.memory_space<hbm>> -> memref<128xi32, #tpu.memory_space<hbm>>
        tpu.wait_dma2 semaphore(%run_scoped3A : memref<!tpu.dma_semaphore, #tpu.memory_space<semaphore_mem>>) src(%dma_wait3A_86 : memref<128xi32, #tpu.memory_space<hbm>>) dst(%arg11 : memref<128xi32, #tpu.memory_space<vmem>>)
        tpu.yield
      }) : () -> ()
      "tpu.region"() ({
        %run_scoped3A = tpu.sem_alloc : memref<!tpu.dma_semaphore, #tpu.memory_space<semaphore_mem>>
        %dma_start3A_83 = tpu.memref_slice %arg6[%multiple_of3A] : memref<320000xi32, #tpu.memory_space<hbm>> -> memref<128xi32, #tpu.memory_space<hbm>>
        %dma_start3A_84 = tpu.memref_slice %arg6[%multiple_of3A] : memref<320000xi32, #tpu.memory_space<hbm>> -> memref<128xi32, #tpu.memory_space<hbm>>
        tpu.enqueue_dma source(%dma_start3A_84 : memref<128xi32, #tpu.memory_space<hbm>>) target(%arg12 : memref<128xi32, #tpu.memory_space<vmem>>) target_semaphore(%run_scoped3A : memref<!tpu.dma_semaphore, #tpu.memory_space<semaphore_mem>>)
        %dma_wait3A_85 = tpu.memref_slice %arg6[%multiple_of3A] : memref<320000xi32, #tpu.memory_space<hbm>> -> memref<128xi32, #tpu.memory_space<hbm>>
        %dma_wait3A_86 = tpu.memref_slice %arg6[%multiple_of3A] : memref<320000xi32, #tpu.memory_space<hbm>> -> memref<128xi32, #tpu.memory_space<hbm>>
        tpu.wait_dma2 semaphore(%run_scoped3A : memref<!tpu.dma_semaphore, #tpu.memory_space<semaphore_mem>>) src(%dma_wait3A_86 : memref<128xi32, #tpu.memory_space<hbm>>) dst(%arg12 : memref<128xi32, #tpu.memory_space<vmem>>)
        tpu.yield
      }) : () -> ()
      "tpu.region"() ({
        %run_scoped3A = tpu.sem_alloc : memref<!tpu.dma_semaphore, #tpu.memory_space<semaphore_mem>>
        %dma_start3A_83 = arith.constant 0 : i32
        %dma_start3A_84 = tpu.memref_slice %arg4[%multiple_of3A, %dma_start3A_83] : memref<320000x128xf32, #tpu.memory_space<hbm>> -> memref<128x128xf32, #tpu.memory_space<hbm>>
        %dma_start3A_85 = arith.constant 0 : i32
        %dma_start3A_86 = tpu.memref_slice %arg4[%multiple_of3A, %dma_start3A_85] : memref<320000x128xf32, #tpu.memory_space<hbm>> -> memref<128x128xf32, #tpu.memory_space<hbm>>
        tpu.enqueue_dma source(%dma_start3A_86 : memref<128x128xf32, #tpu.memory_space<hbm>>) target(%arg13 : memref<128x128xf32, #tpu.memory_space<vmem>>) target_semaphore(%run_scoped3A : memref<!tpu.dma_semaphore, #tpu.memory_space<semaphore_mem>>)
        %dma_wait3A_87 = arith.constant 0 : i32
        %dma_wait3A_88 = tpu.memref_slice %arg4[%multiple_of3A, %dma_wait3A_87] : memref<320000x128xf32, #tpu.memory_space<hbm>> -> memref<128x128xf32, #tpu.memory_space<hbm>>
        %dma_wait3A_89 = arith.constant 0 : i32
        %dma_wait3A_90 = tpu.memref_slice %arg4[%multiple_of3A, %dma_wait3A_89] : memref<320000x128xf32, #tpu.memory_space<hbm>> -> memref<128x128xf32, #tpu.memory_space<hbm>>
        tpu.wait_dma2 semaphore(%run_scoped3A : memref<!tpu.dma_semaphore, #tpu.memory_space<semaphore_mem>>) src(%dma_wait3A_90 : memref<128x128xf32, #tpu.memory_space<hbm>>) dst(%arg13 : memref<128x128xf32, #tpu.memory_space<vmem>>)
        tpu.yield
      }) : () -> ()
      %dma_start3A = arith.constant 0 : i32
      %dma_start3A_51 = arith.constant 0 : i32
      %dma_start3A_52 = tpu.memref_slice %arg2[%dma_start3A, %dma_start3A_51] : memref<10000x128xf32, #tpu.memory_space<hbm>> -> memref<10000x128xf32, #tpu.memory_space<hbm>>
      tpu.enqueue_indirect_dma source(%dma_start3A_52 : memref<10000x128xf32, #tpu.memory_space<hbm>>) target(%arg14 : memref<128x128xf32, #tpu.memory_space<vmem>>) offsets(%arg11 : memref<128xi32, #tpu.memory_space<vmem>>) semaphore(%arg21 : memref<!tpu.dma_semaphore, #tpu.memory_space<semaphore_mem>>)
      %dma_wait3A = arith.constant 0 : i32
      %dma_wait3A_53 = arith.constant 0 : i32
      %dma_wait3A_54 = tpu.memref_slice %arg2[%dma_wait3A, %dma_wait3A_53] : memref<10000x128xf32, #tpu.memory_space<hbm>> -> memref<10000x128xf32, #tpu.memory_space<hbm>>
      tpu.wait_indirect_dma semaphore(%arg21 : memref<!tpu.dma_semaphore, #tpu.memory_space<semaphore_mem>>) src(%dma_wait3A_54 : memref<10000x128xf32, #tpu.memory_space<hbm>>) dst(%arg14 : memref<128x128xf32, #tpu.memory_space<vmem>>)
      %dma_start3A_55 = arith.constant 0 : i32
      %dma_start3A_56 = arith.constant 0 : i32
      %dma_start3A_57 = tpu.memref_slice %arg3[%dma_start3A_55, %dma_start3A_56] : memref<10000x128xf32, #tpu.memory_space<hbm>> -> memref<10000x128xf32, #tpu.memory_space<hbm>>
      tpu.enqueue_indirect_dma source(%dma_start3A_57 : memref<10000x128xf32, #tpu.memory_space<hbm>>) target(%arg15 : memref<128x128xf32, #tpu.memory_space<vmem>>) offsets(%arg12 : memref<128xi32, #tpu.memory_space<vmem>>) semaphore(%arg21 : memref<!tpu.dma_semaphore, #tpu.memory_space<semaphore_mem>>)
      %dma_wait3A_58 = arith.constant 0 : i32
      %dma_wait3A_59 = arith.constant 0 : i32
      %dma_wait3A_60 = tpu.memref_slice %arg3[%dma_wait3A_58, %dma_wait3A_59] : memref<10000x128xf32, #tpu.memory_space<hbm>> -> memref<10000x128xf32, #tpu.memory_space<hbm>>
      tpu.wait_indirect_dma semaphore(%arg21 : memref<!tpu.dma_semaphore, #tpu.memory_space<semaphore_mem>>) src(%dma_wait3A_60 : memref<10000x128xf32, #tpu.memory_space<hbm>>) dst(%arg15 : memref<128x128xf32, #tpu.memory_space<vmem>>)
      %scan3A_61 = arith.constant 0 : i32
      %scan3A_62 = arith.constant 0 : i32
      %scan3A_63 = arith.constant 128 : i32
      %scan3A_64 = arith.addi %scan3A_62, %scan3A_63 : i32
      %scan3A_65 = arith.constant 1 : i32
      %scan3A_66 = scf.for %scan3A_83 = %scan3A_62 to %scan3A_64 step %scan3A_65 iter_args(%scan3A_84 = %scan3A_61) -> (i32)  : i32 {
        %get3A_85 = arith.index_cast %scan3A_83 : i32 to index
        %get3A_86 = arith.constant 0 : index
        %get3A_87 = tpu.vector_load %arg14[%get3A_85, %get3A_86] {strides = array<i32>} : memref<128x128xf32, #tpu.memory_space<vmem>>, vector<16xf32>,
        %get3A_88 = arith.index_cast %scan3A_83 : i32 to index
        %get3A_89 = arith.constant 0 : index
        %get3A_90 = tpu.vector_load %arg15[%get3A_88, %get3A_89] {strides = array<i32>} : memref<128x128xf32, #tpu.memory_space<vmem>>, vector<16xf32>,
        %add3A_91 = arith.addf %get3A_87, %get3A_90 : vector<16xf32>
        %get3A_92 = arith.index_cast %scan3A_83 : i32 to index
        %get3A_93 = arith.constant 0 : index
        %get3A_94 = tpu.vector_load %arg13[%get3A_92, %get3A_93] {strides = array<i32>} : memref<128x128xf32, #tpu.memory_space<vmem>>, vector<16xf32>,
        %add3A_95 = arith.addf %add3A_91, %get3A_94 : vector<16xf32>
        %mul3A_96 = arith.constant 2.000000e-01 : f32
        %mul3A_97 = vector.broadcast %mul3A_96 : f32 to vector<16xf32>
        %mul3A_98 = arith.mulf %mul3A_97, %add3A_95 : vector<16xf32>
        %max3A = arith.maximumf %add3A_95, %mul3A_98 : vector<16xf32>
        %mul3A_99 = arith.mulf %max3A, %get3A_8 : vector<16xf32>
        %get3A_100 = arith.index_cast %scan3A_83 : i32 to index
        %get3A_101 = arith.constant 16 : index
        %get3A_102 = tpu.vector_load %arg14[%get3A_100, %get3A_101] {strides = array<i32>} : memref<128x128xf32, #tpu.memory_space<vmem>>, vector<16xf32>,
        %get3A_103 = arith.index_cast %scan3A_83 : i32 to index
        %get3A_104 = arith.constant 16 : index
        %get3A_105 = tpu.vector_load %arg15[%get3A_103, %get3A_104] {strides = array<i32>} : memref<128x128xf32, #tpu.memory_space<vmem>>, vector<16xf32>,
        %add3A_106 = arith.addf %get3A_102, %get3A_105 : vector<16xf32>
        %get3A_107 = arith.index_cast %scan3A_83 : i32 to index
        %get3A_108 = arith.constant 16 : index
        %get3A_109 = tpu.vector_load %arg13[%get3A_107, %get3A_108] {strides = array<i32>} : memref<128x128xf32, #tpu.memory_space<vmem>>, vector<16xf32>,
        %add3A_110 = arith.addf %add3A_106, %get3A_109 : vector<16xf32>
        %mul3A_111 = arith.constant 2.000000e-01 : f32
        %mul3A_112 = vector.broadcast %mul3A_111 : f32 to vector<16xf32>
        %mul3A_113 = arith.mulf %mul3A_112, %add3A_110 : vector<16xf32>
        %max3A_114 = arith.maximumf %add3A_110, %mul3A_113 : vector<16xf32>
        %mul3A_115 = arith.mulf %max3A_114, %get3A_10 : vector<16xf32>
        %add3A_116 = arith.addf %mul3A_99, %mul3A_115 : vector<16xf32>
        %get3A_117 = arith.index_cast %scan3A_83 : i32 to index
        %get3A_118 = arith.constant 32 : index
        %get3A_119 = tpu.vector_load %arg14[%get3A_117, %get3A_118] {strides = array<i32>} : memref<128x128xf32, #tpu.memory_space<vmem>>, vector<16xf32>,
        %get3A_120 = arith.index_cast %scan3A_83 : i32 to index
        %get3A_121 = arith.constant 32 : index
        %get3A_122 = tpu.vector_load %arg15[%get3A_120, %get3A_121] {strides = array<i32>} : memref<128x128xf32, #tpu.memory_space<vmem>>, vector<16xf32>,
        %add3A_123 = arith.addf %get3A_119, %get3A_122 : vector<16xf32>
        %get3A_124 = arith.index_cast %scan3A_83 : i32 to index
        %get3A_125 = arith.constant 32 : index
        %get3A_126 = tpu.vector_load %arg13[%get3A_124, %get3A_125] {strides = array<i32>} : memref<128x128xf32, #tpu.memory_space<vmem>>, vector<16xf32>,
        %add3A_127 = arith.addf %add3A_123, %get3A_126 : vector<16xf32>
        %mul3A_128 = arith.constant 2.000000e-01 : f32
        %mul3A_129 = vector.broadcast %mul3A_128 : f32 to vector<16xf32>
        %mul3A_130 = arith.mulf %mul3A_129, %add3A_127 : vector<16xf32>
        %max3A_131 = arith.maximumf %add3A_127, %mul3A_130 : vector<16xf32>
        %mul3A_132 = arith.mulf %max3A_131, %get3A_12 : vector<16xf32>
        %add3A_133 = arith.addf %add3A_116, %mul3A_132 : vector<16xf32>
        %get3A_134 = arith.index_cast %scan3A_83 : i32 to index
        %get3A_135 = arith.constant 48 : index
        %get3A_136 = tpu.vector_load %arg14[%get3A_134, %get3A_135] {strides = array<i32>} : memref<128x128xf32, #tpu.memory_space<vmem>>, vector<16xf32>,
        %get3A_137 = arith.index_cast %scan3A_83 : i32 to index
        %get3A_138 = arith.constant 48 : index
        %get3A_139 = tpu.vector_load %arg15[%get3A_137, %get3A_138] {strides = array<i32>} : memref<128x128xf32, #tpu.memory_space<vmem>>, vector<16xf32>,
        %add3A_140 = arith.addf %get3A_136, %get3A_139 : vector<16xf32>
        %get3A_141 = arith.index_cast %scan3A_83 : i32 to index
        %get3A_142 = arith.constant 48 : index
        %get3A_143 = tpu.vector_load %arg13[%get3A_141, %get3A_142] {strides = array<i32>} : memref<128x128xf32, #tpu.memory_space<vmem>>, vector<16xf32>,
        %add3A_144 = arith.addf %add3A_140, %get3A_143 : vector<16xf32>
        %mul3A_145 = arith.constant 2.000000e-01 : f32
        %mul3A_146 = vector.broadcast %mul3A_145 : f32 to vector<16xf32>
        %mul3A_147 = arith.mulf %mul3A_146, %add3A_144 : vector<16xf32>
        %max3A_148 = arith.maximumf %add3A_144, %mul3A_147 : vector<16xf32>
        %mul3A_149 = arith.mulf %max3A_148, %get3A_14 : vector<16xf32>
        %add3A_150 = arith.addf %add3A_133, %mul3A_149 : vector<16xf32>
        %get3A_151 = arith.index_cast %scan3A_83 : i32 to index
        %get3A_152 = arith.constant 64 : index
        %get3A_153 = tpu.vector_load %arg14[%get3A_151, %get3A_152] {strides = array<i32>} : memref<128x128xf32, #tpu.memory_space<vmem>>, vector<16xf32>,
        %get3A_154 = arith.index_cast %scan3A_83 : i32 to index
        %get3A_155 = arith.constant 64 : index
        %get3A_156 = tpu.vector_load %arg15[%get3A_154, %get3A_155] {strides = array<i32>} : memref<128x128xf32, #tpu.memory_space<vmem>>, vector<16xf32>,
        %add3A_157 = arith.addf %get3A_153, %get3A_156 : vector<16xf32>
        %get3A_158 = arith.index_cast %scan3A_83 : i32 to index
        %get3A_159 = arith.constant 64 : index
        %get3A_160 = tpu.vector_load %arg13[%get3A_158, %get3A_159] {strides = array<i32>} : memref<128x128xf32, #tpu.memory_space<vmem>>, vector<16xf32>,
        %add3A_161 = arith.addf %add3A_157, %get3A_160 : vector<16xf32>
        %mul3A_162 = arith.constant 2.000000e-01 : f32
        %mul3A_163 = vector.broadcast %mul3A_162 : f32 to vector<16xf32>
        %mul3A_164 = arith.mulf %mul3A_163, %add3A_161 : vector<16xf32>
        %max3A_165 = arith.maximumf %add3A_161, %mul3A_164 : vector<16xf32>
        %mul3A_166 = arith.mulf %max3A_165, %get3A_16 : vector<16xf32>
        %add3A_167 = arith.addf %add3A_150, %mul3A_166 : vector<16xf32>
        %get3A_168 = arith.index_cast %scan3A_83 : i32 to index
        %get3A_169 = arith.constant 80 : index
        %get3A_170 = tpu.vector_load %arg14[%get3A_168, %get3A_169] {strides = array<i32>} : memref<128x128xf32, #tpu.memory_space<vmem>>, vector<16xf32>,
        %get3A_171 = arith.index_cast %scan3A_83 : i32 to index
        %get3A_172 = arith.constant 80 : index
        %get3A_173 = tpu.vector_load %arg15[%get3A_171, %get3A_172] {strides = array<i32>} : memref<128x128xf32, #tpu.memory_space<vmem>>, vector<16xf32>,
        %add3A_174 = arith.addf %get3A_170, %get3A_173 : vector<16xf32>
        %get3A_175 = arith.index_cast %scan3A_83 : i32 to index
        %get3A_176 = arith.constant 80 : index
        %get3A_177 = tpu.vector_load %arg13[%get3A_175, %get3A_176] {strides = array<i32>} : memref<128x128xf32, #tpu.memory_space<vmem>>, vector<16xf32>,
        %add3A_178 = arith.addf %add3A_174, %get3A_177 : vector<16xf32>
        %mul3A_179 = arith.constant 2.000000e-01 : f32
        %mul3A_180 = vector.broadcast %mul3A_179 : f32 to vector<16xf32>
        %mul3A_181 = arith.mulf %mul3A_180, %add3A_178 : vector<16xf32>
        %max3A_182 = arith.maximumf %add3A_178, %mul3A_181 : vector<16xf32>
        %mul3A_183 = arith.mulf %max3A_182, %get3A_18 : vector<16xf32>
        %add3A_184 = arith.addf %add3A_167, %mul3A_183 : vector<16xf32>
        %get3A_185 = arith.index_cast %scan3A_83 : i32 to index
        %get3A_186 = arith.constant 96 : index
        %get3A_187 = tpu.vector_load %arg14[%get3A_185, %get3A_186] {strides = array<i32>} : memref<128x128xf32, #tpu.memory_space<vmem>>, vector<16xf32>,
        %get3A_188 = arith.index_cast %scan3A_83 : i32 to index
        %get3A_189 = arith.constant 96 : index
        %get3A_190 = tpu.vector_load %arg15[%get3A_188, %get3A_189] {strides = array<i32>} : memref<128x128xf32, #tpu.memory_space<vmem>>, vector<16xf32>,
        %add3A_191 = arith.addf %get3A_187, %get3A_190 : vector<16xf32>
        %get3A_192 = arith.index_cast %scan3A_83 : i32 to index
        %get3A_193 = arith.constant 96 : index
        %get3A_194 = tpu.vector_load %arg13[%get3A_192, %get3A_193] {strides = array<i32>} : memref<128x128xf32, #tpu.memory_space<vmem>>, vector<16xf32>,
        %add3A_195 = arith.addf %add3A_191, %get3A_194 : vector<16xf32>
        %mul3A_196 = arith.constant 2.000000e-01 : f32
        %mul3A_197 = vector.broadcast %mul3A_196 : f32 to vector<16xf32>
        %mul3A_198 = arith.mulf %mul3A_197, %add3A_195 : vector<16xf32>
        %max3A_199 = arith.maximumf %add3A_195, %mul3A_198 : vector<16xf32>
        %mul3A_200 = arith.mulf %max3A_199, %get3A_20 : vector<16xf32>
        %add3A_201 = arith.addf %add3A_184, %mul3A_200 : vector<16xf32>
        %get3A_202 = arith.index_cast %scan3A_83 : i32 to index
        %get3A_203 = arith.constant 112 : index
        %get3A_204 = tpu.vector_load %arg14[%get3A_202, %get3A_203] {strides = array<i32>} : memref<128x128xf32, #tpu.memory_space<vmem>>, vector<16xf32>,
        %get3A_205 = arith.index_cast %scan3A_83 : i32 to index
        %get3A_206 = arith.constant 112 : index
        %get3A_207 = tpu.vector_load %arg15[%get3A_205, %get3A_206] {strides = array<i32>} : memref<128x128xf32, #tpu.memory_space<vmem>>, vector<16xf32>,
        %add3A_208 = arith.addf %get3A_204, %get3A_207 : vector<16xf32>
        %get3A_209 = arith.index_cast %scan3A_83 : i32 to index
        %get3A_210 = arith.constant 112 : index
        %get3A_211 = tpu.vector_load %arg13[%get3A_209, %get3A_210] {strides = array<i32>} : memref<128x128xf32, #tpu.memory_space<vmem>>, vector<16xf32>,
        %add3A_212 = arith.addf %add3A_208, %get3A_211 : vector<16xf32>
        %mul3A_213 = arith.constant 2.000000e-01 : f32
        %mul3A_214 = vector.broadcast %mul3A_213 : f32 to vector<16xf32>
        %mul3A_215 = arith.mulf %mul3A_214, %add3A_212 : vector<16xf32>
        %max3A_216 = arith.maximumf %add3A_212, %mul3A_215 : vector<16xf32>
        %mul3A_217 = arith.mulf %max3A_216, %get3A_22 : vector<16xf32>
        %add3A_218 = arith.addf %add3A_201, %mul3A_217 : vector<16xf32>
        %mul3A_219 = arith.constant 16 : i32
        %mul3A_220 = arith.muli %scan3A_83, %mul3A_219 : i32
        %swap3A = arith.index_cast %mul3A_220 : i32 to index
        %swap3A_221 = tpu.vector_load %arg16[%swap3A] {strides = array<i32>} : memref<2048xf32, #tpu.memory_space<vmem>>, vector<16xf32>,
        tpu.vector_store %arg16[%swap3A], %add3A_218 {strides = array<i32>} : memref<2048xf32, #tpu.memory_space<vmem>>, vector<16xf32>,
        %scan3A_222 = arith.constant 0 : i32
        scf.yield %scan3A_222 : i32
      }
      %scan3A_67 = arith.constant 128 : i32
      %scan3A_68 = arith.constant 0 : i32
      %scan3A_69 = arith.constant 0 : i32
      %scan3A_70 = arith.constant 8 : i32
      %scan3A_71 = arith.addi %scan3A_69, %scan3A_70 : i32
      %scan3A_72 = arith.constant 1 : i32
      %scan3A_73 = scf.for %scan3A_83 = %scan3A_69 to %scan3A_71 step %scan3A_72 iter_args(%scan3A_84 = %scan3A_68) -> (i32)  : i32 {
        %mul3A_85 = arith.constant 16 : i32
        %mul3A_86 = vector.broadcast %mul3A_85 : i32 to vector<16xi32>
        %mul3A_87 = arith.muli %iota3A, %mul3A_86 : vector<16xi32>
        %mul3A_88 = arith.constant 256 : i32
        %mul3A_89 = arith.muli %scan3A_83, %mul3A_88 : i32
        %add3A_90 = vector.broadcast %mul3A_89 : i32 to vector<16xi32>
        %add3A_91 = arith.addi %mul3A_87, %add3A_90 : vector<16xi32>
        %gather3A = tpu.vector_load_idx %arg16[%add3A_91] : memref<2048xf32, #tpu.memory_space<vmem>>[vector<16xi32>], vector<16xf32>,
        %add3A_92 = arith.constant 1 : i32
        %add3A_93 = vector.broadcast %add3A_92 : i32 to vector<16xi32>
        %add3A_94 = arith.addi %add3A_91, %add3A_93 : vector<16xi32>
        %gather3A_95 = tpu.vector_load_idx %arg16[%add3A_94] : memref<2048xf32, #tpu.memory_space<vmem>>[vector<16xi32>], vector<16xf32>,
        %add3A_96 = arith.addf %gather3A, %gather3A_95 : vector<16xf32>
        %add3A_97 = arith.constant 2 : i32
        %add3A_98 = vector.broadcast %add3A_97 : i32 to vector<16xi32>
        %add3A_99 = arith.addi %add3A_91, %add3A_98 : vector<16xi32>
        %gather3A_100 = tpu.vector_load_idx %arg16[%add3A_99] : memref<2048xf32, #tpu.memory_space<vmem>>[vector<16xi32>], vector<16xf32>,
        %add3A_101 = arith.addf %add3A_96, %gather3A_100 : vector<16xf32>
        %add3A_102 = arith.constant 3 : i32
        %add3A_103 = vector.broadcast %add3A_102 : i32 to vector<16xi32>
        %add3A_104 = arith.addi %add3A_91, %add3A_103 : vector<16xi32>
        %gather3A_105 = tpu.vector_load_idx %arg16[%add3A_104] : memref<2048xf32, #tpu.memory_space<vmem>>[vector<16xi32>], vector<16xf32>,
        %add3A_106 = arith.addf %add3A_101, %gather3A_105 : vector<16xf32>
        %add3A_107 = arith.constant 4 : i32
        %add3A_108 = vector.broadcast %add3A_107 : i32 to vector<16xi32>
        %add3A_109 = arith.addi %add3A_91, %add3A_108 : vector<16xi32>
        %gather3A_110 = tpu.vector_load_idx %arg16[%add3A_109] : memref<2048xf32, #tpu.memory_space<vmem>>[vector<16xi32>], vector<16xf32>,
        %add3A_111 = arith.addf %add3A_106, %gather3A_110 : vector<16xf32>
        %add3A_112 = arith.constant 5 : i32
        %add3A_113 = vector.broadcast %add3A_112 : i32 to vector<16xi32>
        %add3A_114 = arith.addi %add3A_91, %add3A_113 : vector<16xi32>
        %gather3A_115 = tpu.vector_load_idx %arg16[%add3A_114] : memref<2048xf32, #tpu.memory_space<vmem>>[vector<16xi32>], vector<16xf32>,
        %add3A_116 = arith.addf %add3A_111, %gather3A_115 : vector<16xf32>
        %add3A_117 = arith.constant 6 : i32
        %add3A_118 = vector.broadcast %add3A_117 : i32 to vector<16xi32>
        %add3A_119 = arith.addi %add3A_91, %add3A_118 : vector<16xi32>
        %gather3A_120 = tpu.vector_load_idx %arg16[%add3A_119] : memref<2048xf32, #tpu.memory_space<vmem>>[vector<16xi32>], vector<16xf32>,
        %add3A_121 = arith.addf %add3A_116, %gather3A_120 : vector<16xf32>
        %add3A_122 = arith.constant 7 : i32
        %add3A_123 = vector.broadcast %add3A_122 : i32 to vector<16xi32>
        %add3A_124 = arith.addi %add3A_91, %add3A_123 : vector<16xi32>
        %gather3A_125 = tpu.vector_load_idx %arg16[%add3A_124] : memref<2048xf32, #tpu.memory_space<vmem>>[vector<16xi32>], vector<16xf32>,
        %add3A_126 = arith.addf %add3A_121, %gather3A_125 : vector<16xf32>
        %add3A_127 = arith.constant 8 : i32
        %add3A_128 = vector.broadcast %add3A_127 : i32 to vector<16xi32>
        %add3A_129 = arith.addi %add3A_91, %add3A_128 : vector<16xi32>
        %gather3A_130 = tpu.vector_load_idx %arg16[%add3A_129] : memref<2048xf32, #tpu.memory_space<vmem>>[vector<16xi32>], vector<16xf32>,
        %add3A_131 = arith.addf %add3A_126, %gather3A_130 : vector<16xf32>
        %add3A_132 = arith.constant 9 : i32
        %add3A_133 = vector.broadcast %add3A_132 : i32 to vector<16xi32>
        %add3A_134 = arith.addi %add3A_91, %add3A_133 : vector<16xi32>
        %gather3A_135 = tpu.vector_load_idx %arg16[%add3A_134] : memref<2048xf32, #tpu.memory_space<vmem>>[vector<16xi32>], vector<16xf32>,
        %add3A_136 = arith.addf %add3A_131, %gather3A_135 : vector<16xf32>
        %add3A_137 = arith.constant 10 : i32
        %add3A_138 = vector.broadcast %add3A_137 : i32 to vector<16xi32>
        %add3A_139 = arith.addi %add3A_91, %add3A_138 : vector<16xi32>
        %gather3A_140 = tpu.vector_load_idx %arg16[%add3A_139] : memref<2048xf32, #tpu.memory_space<vmem>>[vector<16xi32>], vector<16xf32>,
        %add3A_141 = arith.addf %add3A_136, %gather3A_140 : vector<16xf32>
        %add3A_142 = arith.constant 11 : i32
        %add3A_143 = vector.broadcast %add3A_142 : i32 to vector<16xi32>
        %add3A_144 = arith.addi %add3A_91, %add3A_143 : vector<16xi32>
        %gather3A_145 = tpu.vector_load_idx %arg16[%add3A_144] : memref<2048xf32, #tpu.memory_space<vmem>>[vector<16xi32>], vector<16xf32>,
        %add3A_146 = arith.addf %add3A_141, %gather3A_145 : vector<16xf32>
        %add3A_147 = arith.constant 12 : i32
        %add3A_148 = vector.broadcast %add3A_147 : i32 to vector<16xi32>
        %add3A_149 = arith.addi %add3A_91, %add3A_148 : vector<16xi32>
        %gather3A_150 = tpu.vector_load_idx %arg16[%add3A_149] : memref<2048xf32, #tpu.memory_space<vmem>>[vector<16xi32>], vector<16xf32>,
        %add3A_151 = arith.addf %add3A_146, %gather3A_150 : vector<16xf32>
        %add3A_152 = arith.constant 13 : i32
        %add3A_153 = vector.broadcast %add3A_152 : i32 to vector<16xi32>
        %add3A_154 = arith.addi %add3A_91, %add3A_153 : vector<16xi32>
        %gather3A_155 = tpu.vector_load_idx %arg16[%add3A_154] : memref<2048xf32, #tpu.memory_space<vmem>>[vector<16xi32>], vector<16xf32>,
        %add3A_156 = arith.addf %add3A_151, %gather3A_155 : vector<16xf32>
        %add3A_157 = arith.constant 14 : i32
        %add3A_158 = vector.broadcast %add3A_157 : i32 to vector<16xi32>
        %add3A_159 = arith.addi %add3A_91, %add3A_158 : vector<16xi32>
        %gather3A_160 = tpu.vector_load_idx %arg16[%add3A_159] : memref<2048xf32, #tpu.memory_space<vmem>>[vector<16xi32>], vector<16xf32>,
        %add3A_161 = arith.addf %add3A_156, %gather3A_160 : vector<16xf32>
        %add3A_162 = arith.constant 15 : i32
        %add3A_163 = vector.broadcast %add3A_162 : i32 to vector<16xi32>
        %add3A_164 = arith.addi %add3A_91, %add3A_163 : vector<16xi32>
        %gather3A_165 = tpu.vector_load_idx %arg16[%add3A_164] : memref<2048xf32, #tpu.memory_space<vmem>>[vector<16xi32>], vector<16xf32>,
        %add3A_166 = arith.addf %add3A_161, %gather3A_165 : vector<16xf32>
        %mul3A_167 = arith.constant 1.44269502 : f32
        %mul3A_168 = vector.broadcast %mul3A_167 : f32 to vector<16xf32>
        %mul3A_169 = arith.mulf %add3A_166, %mul3A_168 : vector<16xf32>
        %ge3A = arith.constant 0.000000e+00 : f32
        %ge3A_170 = vector.broadcast %ge3A : f32 to vector<16xf32>
        %ge3A_171 = arith.cmpf oge, %mul3A_169, %ge3A_170 : vector<16xf32>
        %jit3A_172 = arith.constant 5.000000e-01 : f32
        %jit3A_173 = arith.constant -5.000000e-01 : f32
        %broadcast_in_dim3A_174 = vector.broadcast %jit3A_172 : f32 to vector<16xf32>
        %broadcast_in_dim3A_175 = vector.broadcast %jit3A_173 : f32 to vector<16xf32>
        %select_n3A_176 = arith.select %ge3A_171, %broadcast_in_dim3A_174, %broadcast_in_dim3A_175 : vector<16xi1>, vector<16xf32>
        %add3A_177 = arith.addf %mul3A_169, %select_n3A_176 : vector<16xf32>
        %convert_element_type3A = arith.fptosi %add3A_177 : vector<16xf32> to vector<16xi32>
        %convert_element_type3A_178 = arith.sitofp %convert_element_type3A : vector<16xi32> to vector<16xf32>
        %mul3A_179 = arith.constant 0.693359375 : f32
        %mul3A_180 = vector.broadcast %mul3A_179 : f32 to vector<16xf32>
        %mul3A_181 = arith.mulf %convert_element_type3A_178, %mul3A_180 : vector<16xf32>
        %sub3A = arith.subf %add3A_166, %mul3A_181 : vector<16xf32>
        %mul3A_182 = arith.constant -2.12194442E-4 : f32
        %mul3A_183 = vector.broadcast %mul3A_182 : f32 to vector<16xf32>
        %mul3A_184 = arith.mulf %convert_element_type3A_178, %mul3A_183 : vector<16xf32>
        %sub3A_185 = arith.subf %sub3A, %mul3A_184 : vector<16xf32>
        %mul3A_186 = arith.constant 0.00138888892 : f32
        %mul3A_187 = vector.broadcast %mul3A_186 : f32 to vector<16xf32>
        %mul3A_188 = arith.mulf %mul3A_187, %sub3A_185 : vector<16xf32>
        %add3A_189 = arith.constant 0.00833333377 : f32
        %add3A_190 = vector.broadcast %add3A_189 : f32 to vector<16xf32>
        %add3A_191 = arith.addf %mul3A_188, %add3A_190 : vector<16xf32>
        %mul3A_192 = arith.mulf %add3A_191, %sub3A_185 : vector<16xf32>
        %add3A_193 = arith.constant 0.0416666679 : f32
        %add3A_194 = vector.broadcast %add3A_193 : f32 to vector<16xf32>
        %add3A_195 = arith.addf %mul3A_192, %add3A_194 : vector<16xf32>
        %mul3A_196 = arith.mulf %add3A_195, %sub3A_185 : vector<16xf32>
        %add3A_197 = arith.constant 0.166666672 : f32
        %add3A_198 = vector.broadcast %add3A_197 : f32 to vector<16xf32>
        %add3A_199 = arith.addf %mul3A_196, %add3A_198 : vector<16xf32>
        %mul3A_200 = arith.mulf %add3A_199, %sub3A_185 : vector<16xf32>
        %add3A_201 = arith.constant 5.000000e-01 : f32
        %add3A_202 = vector.broadcast %add3A_201 : f32 to vector<16xf32>
        %add3A_203 = arith.addf %mul3A_200, %add3A_202 : vector<16xf32>
        %mul3A_204 = arith.mulf %add3A_203, %sub3A_185 : vector<16xf32>
        %add3A_205 = arith.constant 1.000000e+00 : f32
        %add3A_206 = vector.broadcast %add3A_205 : f32 to vector<16xf32>
        %add3A_207 = arith.addf %mul3A_204, %add3A_206 : vector<16xf32>
        %mul3A_208 = arith.mulf %add3A_207, %sub3A_185 : vector<16xf32>
        %add3A_209 = arith.constant 1.000000e+00 : f32
        %add3A_210 = vector.broadcast %add3A_209 : f32 to vector<16xf32>
        %add3A_211 = arith.addf %mul3A_208, %add3A_210 : vector<16xf32>
        %add3A_212 = arith.constant 127 : i32
        %add3A_213 = vector.broadcast %add3A_212 : i32 to vector<16xi32>
        %add3A_214 = arith.addi %convert_element_type3A, %add3A_213 : vector<16xi32>
        %shift_left3A = arith.constant 23 : i32
        %shift_left3A_215 = vector.broadcast %shift_left3A : i32 to vector<16xi32>
        %shift_left3A_216 = arith.shli %add3A_214, %shift_left3A_215 : vector<16xi32>
        %bitcast3A = vector.bitcast %shift_left3A_216 : vector<16xi32> to vector<16xf32>
        %mul3A_217 = arith.mulf %add3A_211, %bitcast3A : vector<16xf32>
        %mul3A_218 = arith.constant 16 : i32
        %mul3A_219 = arith.muli %scan3A_83, %mul3A_218 : i32
        %swap3A = arith.index_cast %mul3A_219 : i32 to index
        %swap3A_220 = tpu.vector_load %arg17[%swap3A] {strides = array<i32>} : memref<128xf32, #tpu.memory_space<vmem>>, vector<16xf32>,
        tpu.vector_store %arg17[%swap3A], %mul3A_217 {strides = array<i32>} : memref<128xf32, #tpu.memory_space<vmem>>, vector<16xf32>,
        %scan3A_221 = arith.constant 0 : i32
        scf.yield %scan3A_221 : i32
      }
      %scan3A_74 = arith.constant 8 : i32
      %scan3A_75 = arith.constant 0 : i32
      %scan3A_76 = arith.constant 0 : i32
      %scan3A_77 = arith.constant 128 : i32
      %scan3A_78 = arith.addi %scan3A_76, %scan3A_77 : i32
      %scan3A_79 = arith.constant 1 : i32
      %scan3A_80 = scf.for %scan3A_83 = %scan3A_76 to %scan3A_78 step %scan3A_79 iter_args(%scan3A_84 = %scan3A_75) -> (i32)  : i32 {
        %broadcast_in_dim3A_85 = vector.broadcast %scan3A_83 : i32 to vector<16xi32>
        %gather3A = tpu.vector_load_idx %arg12[%broadcast_in_dim3A_85] : memref<128xi32, #tpu.memory_space<vmem>>[vector<16xi32>], vector<16xi32>,
        %gather3A_86 = tpu.vector_load_idx %arg17[%broadcast_in_dim3A_85] : memref<128xf32, #tpu.memory_space<vmem>>[vector<16xi32>], vector<16xf32>,
        %eq3A = arith.constant 0 : i32
        %eq3A_87 = vector.broadcast %eq3A : i32 to vector<16xi32>
        %eq3A_88 = arith.cmpi eq, %iota3A, %eq3A_87 : vector<16xi32>
        %jit3A_89 = arith.constant 10000 : i32
        %broadcast_in_dim3A_90 = vector.broadcast %jit3A_89 : i32 to vector<16xi32>
        %select_n3A_91 = arith.select %eq3A_88, %gather3A, %broadcast_in_dim3A_90 : vector<16xi1>, vector<16xi32>
        %gather3A_92 = tpu.vector_load_idx %arg18[%select_n3A_91] : memref<10016xf32, #tpu.memory_space<vmem>>[vector<16xi32>], vector<16xf32>,
        %add3A_93 = arith.addf %gather3A_92, %gather3A_86 : vector<16xf32>
        tpu.vector_store_idx %arg18[%select_n3A_91], %add3A_93 : memref<10016xf32, #tpu.memory_space<vmem>>[vector<16xi32>], vector<16xf32>,
        %gather3A_94 = tpu.vector_load_idx %arg19[%select_n3A_91] : memref<10016xf32, #tpu.memory_space<vmem>>[vector<16xi32>], vector<16xf32>,
        %add3A_95 = arith.addf %gather3A_94, %broadcast_in_dim3A_24 : vector<16xf32>
        tpu.vector_store_idx %arg19[%select_n3A_91], %add3A_95 : memref<10016xf32, #tpu.memory_space<vmem>>[vector<16xi32>], vector<16xf32>,
        %scan3A_96 = arith.constant 0 : i32
        scf.yield %scan3A_96 : i32
      }
      %scan3A_81 = arith.constant 128 : i32
      "tpu.region"() ({
        %run_scoped3A = tpu.sem_alloc : memref<!tpu.dma_semaphore, #tpu.memory_space<semaphore_mem>>
        %dma_start3A_83 = tpu.memref_slice %arg8[%multiple_of3A] : memref<320000xf32, #tpu.memory_space<hbm>> -> memref<128xf32, #tpu.memory_space<hbm>>
        %dma_start3A_84 = tpu.memref_slice %arg8[%multiple_of3A] : memref<320000xf32, #tpu.memory_space<hbm>> -> memref<128xf32, #tpu.memory_space<hbm>>
        tpu.enqueue_dma source(%arg17 : memref<128xf32, #tpu.memory_space<vmem>>) target(%dma_start3A_84 : memref<128xf32, #tpu.memory_space<hbm>>) target_semaphore(%run_scoped3A : memref<!tpu.dma_semaphore, #tpu.memory_space<semaphore_mem>>)
        %dma_wait3A_85 = tpu.memref_slice %arg8[%multiple_of3A] : memref<320000xf32, #tpu.memory_space<hbm>> -> memref<128xf32, #tpu.memory_space<hbm>>
        %dma_wait3A_86 = tpu.memref_slice %arg8[%multiple_of3A] : memref<320000xf32, #tpu.memory_space<hbm>> -> memref<128xf32, #tpu.memory_space<hbm>>
        tpu.wait_dma2 semaphore(%run_scoped3A : memref<!tpu.dma_semaphore, #tpu.memory_space<semaphore_mem>>) src(%arg17 : memref<128xf32, #tpu.memory_space<vmem>>) dst(%dma_wait3A_86 : memref<128xf32, #tpu.memory_space<hbm>>)
        tpu.yield
      }) : () -> ()
      %while3A_82 = arith.constant 0 : i32
      scf.yield %while3A_82 : i32
    }
    %while3A_38 = arith.constant 1 : i32
    %while3A_39 = scf.for %while3A_44 = %while3A_35 to %while3A_31 step %while3A_38 iter_args(%while3A_45 = %while3A_37) -> (i32)  : i32 {
      %mul3A_46 = arith.constant 32 : i32
      %mul3A_47 = arith.muli %while3A_44, %mul3A_46 : i32
      %add3A_48 = arith.addi %add3A, %mul3A_47 : i32
      %mul3A_49 = arith.constant 128 : i32
      %mul3A_50 = arith.muli %add3A_48, %mul3A_49 : i32
      %multiple_of3A = tpu.assume_multiple %mul3A_50, 128 : i32
      "tpu.region"() ({
        %run_scoped3A = tpu.sem_alloc : memref<!tpu.dma_semaphore, #tpu.memory_space<semaphore_mem>>
        %dma_start3A_83 = tpu.memref_slice %arg5[%multiple_of3A] : memref<320000xi32, #tpu.memory_space<hbm>> -> memref<128xi32, #tpu.memory_space<hbm>>
        %dma_start3A_84 = tpu.memref_slice %arg5[%multiple_of3A] : memref<320000xi32, #tpu.memory_space<hbm>> -> memref<128xi32, #tpu.memory_space<hbm>>
        tpu.enqueue_dma source(%dma_start3A_84 : memref<128xi32, #tpu.memory_space<hbm>>) target(%arg11 : memref<128xi32, #tpu.memory_space<vmem>>) target_semaphore(%run_scoped3A : memref<!tpu.dma_semaphore, #tpu.memory_space<semaphore_mem>>)
        %dma_wait3A_85 = tpu.memref_slice %arg5[%multiple_of3A] : memref<320000xi32, #tpu.memory_space<hbm>> -> memref<128xi32, #tpu.memory_space<hbm>>
        %dma_wait3A_86 = tpu.memref_slice %arg5[%multiple_of3A] : memref<320000xi32, #tpu.memory_space<hbm>> -> memref<128xi32, #tpu.memory_space<hbm>>
        tpu.wait_dma2 semaphore(%run_scoped3A : memref<!tpu.dma_semaphore, #tpu.memory_space<semaphore_mem>>) src(%dma_wait3A_86 : memref<128xi32, #tpu.memory_space<hbm>>) dst(%arg11 : memref<128xi32, #tpu.memory_space<vmem>>)
        tpu.yield
      }) : () -> ()
      "tpu.region"() ({
        %run_scoped3A = tpu.sem_alloc : memref<!tpu.dma_semaphore, #tpu.memory_space<semaphore_mem>>
        %dma_start3A_83 = tpu.memref_slice %arg6[%multiple_of3A] : memref<320000xi32, #tpu.memory_space<hbm>> -> memref<128xi32, #tpu.memory_space<hbm>>
        %dma_start3A_84 = tpu.memref_slice %arg6[%multiple_of3A] : memref<320000xi32, #tpu.memory_space<hbm>> -> memref<128xi32, #tpu.memory_space<hbm>>
        tpu.enqueue_dma source(%dma_start3A_84 : memref<128xi32, #tpu.memory_space<hbm>>) target(%arg12 : memref<128xi32, #tpu.memory_space<vmem>>) target_semaphore(%run_scoped3A : memref<!tpu.dma_semaphore, #tpu.memory_space<semaphore_mem>>)
        %dma_wait3A_85 = tpu.memref_slice %arg6[%multiple_of3A] : memref<320000xi32, #tpu.memory_space<hbm>> -> memref<128xi32, #tpu.memory_space<hbm>>
        %dma_wait3A_86 = tpu.memref_slice %arg6[%multiple_of3A] : memref<320000xi32, #tpu.memory_space<hbm>> -> memref<128xi32, #tpu.memory_space<hbm>>
        tpu.wait_dma2 semaphore(%run_scoped3A : memref<!tpu.dma_semaphore, #tpu.memory_space<semaphore_mem>>) src(%dma_wait3A_86 : memref<128xi32, #tpu.memory_space<hbm>>) dst(%arg12 : memref<128xi32, #tpu.memory_space<vmem>>)
        tpu.yield
      }) : () -> ()
      "tpu.region"() ({
        %run_scoped3A = tpu.sem_alloc : memref<!tpu.dma_semaphore, #tpu.memory_space<semaphore_mem>>
        %dma_start3A_83 = arith.constant 0 : i32
        %dma_start3A_84 = tpu.memref_slice %arg4[%multiple_of3A, %dma_start3A_83] : memref<320000x128xf32, #tpu.memory_space<hbm>> -> memref<128x128xf32, #tpu.memory_space<hbm>>
        %dma_start3A_85 = arith.constant 0 : i32
        %dma_start3A_86 = tpu.memref_slice %arg4[%multiple_of3A, %dma_start3A_85] : memref<320000x128xf32, #tpu.memory_space<hbm>> -> memref<128x128xf32, #tpu.memory_space<hbm>>
        tpu.enqueue_dma source(%dma_start3A_86 : memref<128x128xf32, #tpu.memory_space<hbm>>) target(%arg13 : memref<128x128xf32, #tpu.memory_space<vmem>>) target_semaphore(%run_scoped3A : memref<!tpu.dma_semaphore, #tpu.memory_space<semaphore_mem>>)
        %dma_wait3A_87 = arith.constant 0 : i32
        %dma_wait3A_88 = tpu.memref_slice %arg4[%multiple_of3A, %dma_wait3A_87] : memref<320000x128xf32, #tpu.memory_space<hbm>> -> memref<128x128xf32, #tpu.memory_space<hbm>>
        %dma_wait3A_89 = arith.constant 0 : i32
        %dma_wait3A_90 = tpu.memref_slice %arg4[%multiple_of3A, %dma_wait3A_89] : memref<320000x128xf32, #tpu.memory_space<hbm>> -> memref<128x128xf32, #tpu.memory_space<hbm>>
        tpu.wait_dma2 semaphore(%run_scoped3A : memref<!tpu.dma_semaphore, #tpu.memory_space<semaphore_mem>>) src(%dma_wait3A_90 : memref<128x128xf32, #tpu.memory_space<hbm>>) dst(%arg13 : memref<128x128xf32, #tpu.memory_space<vmem>>)
        tpu.yield
      }) : () -> ()
      %dma_start3A = arith.constant 0 : i32
      %dma_start3A_51 = arith.constant 0 : i32
      %dma_start3A_52 = tpu.memref_slice %arg2[%dma_start3A, %dma_start3A_51] : memref<10000x128xf32, #tpu.memory_space<hbm>> -> memref<10000x128xf32, #tpu.memory_space<hbm>>
      tpu.enqueue_indirect_dma source(%dma_start3A_52 : memref<10000x128xf32, #tpu.memory_space<hbm>>) target(%arg14 : memref<128x128xf32, #tpu.memory_space<vmem>>) offsets(%arg11 : memref<128xi32, #tpu.memory_space<vmem>>) semaphore(%arg21 : memref<!tpu.dma_semaphore, #tpu.memory_space<semaphore_mem>>)
      %dma_wait3A = arith.constant 0 : i32
      %dma_wait3A_53 = arith.constant 0 : i32
      %dma_wait3A_54 = tpu.memref_slice %arg2[%dma_wait3A, %dma_wait3A_53] : memref<10000x128xf32, #tpu.memory_space<hbm>> -> memref<10000x128xf32, #tpu.memory_space<hbm>>
      tpu.wait_indirect_dma semaphore(%arg21 : memref<!tpu.dma_semaphore, #tpu.memory_space<semaphore_mem>>) src(%dma_wait3A_54 : memref<10000x128xf32, #tpu.memory_space<hbm>>) dst(%arg14 : memref<128x128xf32, #tpu.memory_space<vmem>>)
      %dma_start3A_55 = arith.constant 0 : i32
      %dma_start3A_56 = arith.constant 0 : i32
      %dma_start3A_57 = tpu.memref_slice %arg3[%dma_start3A_55, %dma_start3A_56] : memref<10000x128xf32, #tpu.memory_space<hbm>> -> memref<10000x128xf32, #tpu.memory_space<hbm>>
      tpu.enqueue_indirect_dma source(%dma_start3A_57 : memref<10000x128xf32, #tpu.memory_space<hbm>>) target(%arg15 : memref<128x128xf32, #tpu.memory_space<vmem>>) offsets(%arg12 : memref<128xi32, #tpu.memory_space<vmem>>) semaphore(%arg21 : memref<!tpu.dma_semaphore, #tpu.memory_space<semaphore_mem>>)
      %dma_wait3A_58 = arith.constant 0 : i32
      %dma_wait3A_59 = arith.constant 0 : i32
      %dma_wait3A_60 = tpu.memref_slice %arg3[%dma_wait3A_58, %dma_wait3A_59] : memref<10000x128xf32, #tpu.memory_space<hbm>> -> memref<10000x128xf32, #tpu.memory_space<hbm>>
      tpu.wait_indirect_dma semaphore(%arg21 : memref<!tpu.dma_semaphore, #tpu.memory_space<semaphore_mem>>) src(%dma_wait3A_60 : memref<10000x128xf32, #tpu.memory_space<hbm>>) dst(%arg15 : memref<128x128xf32, #tpu.memory_space<vmem>>)
      %scan3A_61 = arith.constant 0 : i32
      %scan3A_62 = arith.constant 0 : i32
      %scan3A_63 = arith.constant 128 : i32
      %scan3A_64 = arith.addi %scan3A_62, %scan3A_63 : i32
      %scan3A_65 = arith.constant 1 : i32
      %scan3A_66 = scf.for %scan3A_83 = %scan3A_62 to %scan3A_64 step %scan3A_65 iter_args(%scan3A_84 = %scan3A_61) -> (i32)  : i32 {
        %get3A_85 = arith.index_cast %scan3A_83 : i32 to index
        %get3A_86 = arith.constant 0 : index
        %get3A_87 = tpu.vector_load %arg14[%get3A_85, %get3A_86] {strides = array<i32>} : memref<128x128xf32, #tpu.memory_space<vmem>>, vector<16xf32>,
        %get3A_88 = arith.index_cast %scan3A_83 : i32 to index
        %get3A_89 = arith.constant 0 : index
        %get3A_90 = tpu.vector_load %arg15[%get3A_88, %get3A_89] {strides = array<i32>} : memref<128x128xf32, #tpu.memory_space<vmem>>, vector<16xf32>,
        %add3A_91 = arith.addf %get3A_87, %get3A_90 : vector<16xf32>
        %get3A_92 = arith.index_cast %scan3A_83 : i32 to index
        %get3A_93 = arith.constant 0 : index
        %get3A_94 = tpu.vector_load %arg13[%get3A_92, %get3A_93] {strides = array<i32>} : memref<128x128xf32, #tpu.memory_space<vmem>>, vector<16xf32>,
        %add3A_95 = arith.addf %add3A_91, %get3A_94 : vector<16xf32>
        %mul3A_96 = arith.constant 2.000000e-01 : f32
        %mul3A_97 = vector.broadcast %mul3A_96 : f32 to vector<16xf32>
        %mul3A_98 = arith.mulf %mul3A_97, %add3A_95 : vector<16xf32>
        %max3A = arith.maximumf %add3A_95, %mul3A_98 : vector<16xf32>
        %mul3A_99 = arith.mulf %max3A, %get3A_8 : vector<16xf32>
        %get3A_100 = arith.index_cast %scan3A_83 : i32 to index
        %get3A_101 = arith.constant 16 : index
        %get3A_102 = tpu.vector_load %arg14[%get3A_100, %get3A_101] {strides = array<i32>} : memref<128x128xf32, #tpu.memory_space<vmem>>, vector<16xf32>,
        %get3A_103 = arith.index_cast %scan3A_83 : i32 to index
        %get3A_104 = arith.constant 16 : index
        %get3A_105 = tpu.vector_load %arg15[%get3A_103, %get3A_104] {strides = array<i32>} : memref<128x128xf32, #tpu.memory_space<vmem>>, vector<16xf32>,
        %add3A_106 = arith.addf %get3A_102, %get3A_105 : vector<16xf32>
        %get3A_107 = arith.index_cast %scan3A_83 : i32 to index
        %get3A_108 = arith.constant 16 : index
        %get3A_109 = tpu.vector_load %arg13[%get3A_107, %get3A_108] {strides = array<i32>} : memref<128x128xf32, #tpu.memory_space<vmem>>, vector<16xf32>,
        %add3A_110 = arith.addf %add3A_106, %get3A_109 : vector<16xf32>
        %mul3A_111 = arith.constant 2.000000e-01 : f32
        %mul3A_112 = vector.broadcast %mul3A_111 : f32 to vector<16xf32>
        %mul3A_113 = arith.mulf %mul3A_112, %add3A_110 : vector<16xf32>
        %max3A_114 = arith.maximumf %add3A_110, %mul3A_113 : vector<16xf32>
        %mul3A_115 = arith.mulf %max3A_114, %get3A_10 : vector<16xf32>
        %add3A_116 = arith.addf %mul3A_99, %mul3A_115 : vector<16xf32>
        %get3A_117 = arith.index_cast %scan3A_83 : i32 to index
        %get3A_118 = arith.constant 32 : index
        %get3A_119 = tpu.vector_load %arg14[%get3A_117, %get3A_118] {strides = array<i32>} : memref<128x128xf32, #tpu.memory_space<vmem>>, vector<16xf32>,
        %get3A_120 = arith.index_cast %scan3A_83 : i32 to index
        %get3A_121 = arith.constant 32 : index
        %get3A_122 = tpu.vector_load %arg15[%get3A_120, %get3A_121] {strides = array<i32>} : memref<128x128xf32, #tpu.memory_space<vmem>>, vector<16xf32>,
        %add3A_123 = arith.addf %get3A_119, %get3A_122 : vector<16xf32>
        %get3A_124 = arith.index_cast %scan3A_83 : i32 to index
        %get3A_125 = arith.constant 32 : index
        %get3A_126 = tpu.vector_load %arg13[%get3A_124, %get3A_125] {strides = array<i32>} : memref<128x128xf32, #tpu.memory_space<vmem>>, vector<16xf32>,
        %add3A_127 = arith.addf %add3A_123, %get3A_126 : vector<16xf32>
        %mul3A_128 = arith.constant 2.000000e-01 : f32
        %mul3A_129 = vector.broadcast %mul3A_128 : f32 to vector<16xf32>
        %mul3A_130 = arith.mulf %mul3A_129, %add3A_127 : vector<16xf32>
        %max3A_131 = arith.maximumf %add3A_127, %mul3A_130 : vector<16xf32>
        %mul3A_132 = arith.mulf %max3A_131, %get3A_12 : vector<16xf32>
        %add3A_133 = arith.addf %add3A_116, %mul3A_132 : vector<16xf32>
        %get3A_134 = arith.index_cast %scan3A_83 : i32 to index
        %get3A_135 = arith.constant 48 : index
        %get3A_136 = tpu.vector_load %arg14[%get3A_134, %get3A_135] {strides = array<i32>} : memref<128x128xf32, #tpu.memory_space<vmem>>, vector<16xf32>,
        %get3A_137 = arith.index_cast %scan3A_83 : i32 to index
        %get3A_138 = arith.constant 48 : index
        %get3A_139 = tpu.vector_load %arg15[%get3A_137, %get3A_138] {strides = array<i32>} : memref<128x128xf32, #tpu.memory_space<vmem>>, vector<16xf32>,
        %add3A_140 = arith.addf %get3A_136, %get3A_139 : vector<16xf32>
        %get3A_141 = arith.index_cast %scan3A_83 : i32 to index
        %get3A_142 = arith.constant 48 : index
        %get3A_143 = tpu.vector_load %arg13[%get3A_141, %get3A_142] {strides = array<i32>} : memref<128x128xf32, #tpu.memory_space<vmem>>, vector<16xf32>,
        %add3A_144 = arith.addf %add3A_140, %get3A_143 : vector<16xf32>
        %mul3A_145 = arith.constant 2.000000e-01 : f32
        %mul3A_146 = vector.broadcast %mul3A_145 : f32 to vector<16xf32>
        %mul3A_147 = arith.mulf %mul3A_146, %add3A_144 : vector<16xf32>
        %max3A_148 = arith.maximumf %add3A_144, %mul3A_147 : vector<16xf32>
        %mul3A_149 = arith.mulf %max3A_148, %get3A_14 : vector<16xf32>
        %add3A_150 = arith.addf %add3A_133, %mul3A_149 : vector<16xf32>
        %get3A_151 = arith.index_cast %scan3A_83 : i32 to index
        %get3A_152 = arith.constant 64 : index
        %get3A_153 = tpu.vector_load %arg14[%get3A_151, %get3A_152] {strides = array<i32>} : memref<128x128xf32, #tpu.memory_space<vmem>>, vector<16xf32>,
        %get3A_154 = arith.index_cast %scan3A_83 : i32 to index
        %get3A_155 = arith.constant 64 : index
        %get3A_156 = tpu.vector_load %arg15[%get3A_154, %get3A_155] {strides = array<i32>} : memref<128x128xf32, #tpu.memory_space<vmem>>, vector<16xf32>,
        %add3A_157 = arith.addf %get3A_153, %get3A_156 : vector<16xf32>
        %get3A_158 = arith.index_cast %scan3A_83 : i32 to index
        %get3A_159 = arith.constant 64 : index
        %get3A_160 = tpu.vector_load %arg13[%get3A_158, %get3A_159] {strides = array<i32>} : memref<128x128xf32, #tpu.memory_space<vmem>>, vector<16xf32>,
        %add3A_161 = arith.addf %add3A_157, %get3A_160 : vector<16xf32>
        %mul3A_162 = arith.constant 2.000000e-01 : f32
        %mul3A_163 = vector.broadcast %mul3A_162 : f32 to vector<16xf32>
        %mul3A_164 = arith.mulf %mul3A_163, %add3A_161 : vector<16xf32>
        %max3A_165 = arith.maximumf %add3A_161, %mul3A_164 : vector<16xf32>
        %mul3A_166 = arith.mulf %max3A_165, %get3A_16 : vector<16xf32>
        %add3A_167 = arith.addf %add3A_150, %mul3A_166 : vector<16xf32>
        %get3A_168 = arith.index_cast %scan3A_83 : i32 to index
        %get3A_169 = arith.constant 80 : index
        %get3A_170 = tpu.vector_load %arg14[%get3A_168, %get3A_169] {strides = array<i32>} : memref<128x128xf32, #tpu.memory_space<vmem>>, vector<16xf32>,
        %get3A_171 = arith.index_cast %scan3A_83 : i32 to index
        %get3A_172 = arith.constant 80 : index
        %get3A_173 = tpu.vector_load %arg15[%get3A_171, %get3A_172] {strides = array<i32>} : memref<128x128xf32, #tpu.memory_space<vmem>>, vector<16xf32>,
        %add3A_174 = arith.addf %get3A_170, %get3A_173 : vector<16xf32>
        %get3A_175 = arith.index_cast %scan3A_83 : i32 to index
        %get3A_176 = arith.constant 80 : index
        %get3A_177 = tpu.vector_load %arg13[%get3A_175, %get3A_176] {strides = array<i32>} : memref<128x128xf32, #tpu.memory_space<vmem>>, vector<16xf32>,
        %add3A_178 = arith.addf %add3A_174, %get3A_177 : vector<16xf32>
        %mul3A_179 = arith.constant 2.000000e-01 : f32
        %mul3A_180 = vector.broadcast %mul3A_179 : f32 to vector<16xf32>
        %mul3A_181 = arith.mulf %mul3A_180, %add3A_178 : vector<16xf32>
        %max3A_182 = arith.maximumf %add3A_178, %mul3A_181 : vector<16xf32>
        %mul3A_183 = arith.mulf %max3A_182, %get3A_18 : vector<16xf32>
        %add3A_184 = arith.addf %add3A_167, %mul3A_183 : vector<16xf32>
        %get3A_185 = arith.index_cast %scan3A_83 : i32 to index
        %get3A_186 = arith.constant 96 : index
        %get3A_187 = tpu.vector_load %arg14[%get3A_185, %get3A_186] {strides = array<i32>} : memref<128x128xf32, #tpu.memory_space<vmem>>, vector<16xf32>,
        %get3A_188 = arith.index_cast %scan3A_83 : i32 to index
        %get3A_189 = arith.constant 96 : index
        %get3A_190 = tpu.vector_load %arg15[%get3A_188, %get3A_189] {strides = array<i32>} : memref<128x128xf32, #tpu.memory_space<vmem>>, vector<16xf32>,
        %add3A_191 = arith.addf %get3A_187, %get3A_190 : vector<16xf32>
        %get3A_192 = arith.index_cast %scan3A_83 : i32 to index
        %get3A_193 = arith.constant 96 : index
        %get3A_194 = tpu.vector_load %arg13[%get3A_192, %get3A_193] {strides = array<i32>} : memref<128x128xf32, #tpu.memory_space<vmem>>, vector<16xf32>,
        %add3A_195 = arith.addf %add3A_191, %get3A_194 : vector<16xf32>
        %mul3A_196 = arith.constant 2.000000e-01 : f32
        %mul3A_197 = vector.broadcast %mul3A_196 : f32 to vector<16xf32>
        %mul3A_198 = arith.mulf %mul3A_197, %add3A_195 : vector<16xf32>
        %max3A_199 = arith.maximumf %add3A_195, %mul3A_198 : vector<16xf32>
        %mul3A_200 = arith.mulf %max3A_199, %get3A_20 : vector<16xf32>
        %add3A_201 = arith.addf %add3A_184, %mul3A_200 : vector<16xf32>
        %get3A_202 = arith.index_cast %scan3A_83 : i32 to index
        %get3A_203 = arith.constant 112 : index
        %get3A_204 = tpu.vector_load %arg14[%get3A_202, %get3A_203] {strides = array<i32>} : memref<128x128xf32, #tpu.memory_space<vmem>>, vector<16xf32>,
        %get3A_205 = arith.index_cast %scan3A_83 : i32 to index
        %get3A_206 = arith.constant 112 : index
        %get3A_207 = tpu.vector_load %arg15[%get3A_205, %get3A_206] {strides = array<i32>} : memref<128x128xf32, #tpu.memory_space<vmem>>, vector<16xf32>,
        %add3A_208 = arith.addf %get3A_204, %get3A_207 : vector<16xf32>
        %get3A_209 = arith.index_cast %scan3A_83 : i32 to index
        %get3A_210 = arith.constant 112 : index
        %get3A_211 = tpu.vector_load %arg13[%get3A_209, %get3A_210] {strides = array<i32>} : memref<128x128xf32, #tpu.memory_space<vmem>>, vector<16xf32>,
        %add3A_212 = arith.addf %add3A_208, %get3A_211 : vector<16xf32>
        %mul3A_213 = arith.constant 2.000000e-01 : f32
        %mul3A_214 = vector.broadcast %mul3A_213 : f32 to vector<16xf32>
        %mul3A_215 = arith.mulf %mul3A_214, %add3A_212 : vector<16xf32>
        %max3A_216 = arith.maximumf %add3A_212, %mul3A_215 : vector<16xf32>
        %mul3A_217 = arith.mulf %max3A_216, %get3A_22 : vector<16xf32>
        %add3A_218 = arith.addf %add3A_201, %mul3A_217 : vector<16xf32>
        %mul3A_219 = arith.constant 16 : i32
        %mul3A_220 = arith.muli %scan3A_83, %mul3A_219 : i32
        %swap3A = arith.index_cast %mul3A_220 : i32 to index
        %swap3A_221 = tpu.vector_load %arg16[%swap3A] {strides = array<i32>} : memref<2048xf32, #tpu.memory_space<vmem>>, vector<16xf32>,
        tpu.vector_store %arg16[%swap3A], %add3A_218 {strides = array<i32>} : memref<2048xf32, #tpu.memory_space<vmem>>, vector<16xf32>,
        %scan3A_222 = arith.constant 0 : i32
        scf.yield %scan3A_222 : i32
      }
      %scan3A_67 = arith.constant 128 : i32
      %scan3A_68 = arith.constant 0 : i32
      %scan3A_69 = arith.constant 0 : i32
      %scan3A_70 = arith.constant 8 : i32
      %scan3A_71 = arith.addi %scan3A_69, %scan3A_70 : i32
      %scan3A_72 = arith.constant 1 : i32
      %scan3A_73 = scf.for %scan3A_83 = %scan3A_69 to %scan3A_71 step %scan3A_72 iter_args(%scan3A_84 = %scan3A_68) -> (i32)  : i32 {
        %mul3A_85 = arith.constant 16 : i32
        %mul3A_86 = vector.broadcast %mul3A_85 : i32 to vector<16xi32>
        %mul3A_87 = arith.muli %iota3A, %mul3A_86 : vector<16xi32>
        %mul3A_88 = arith.constant 256 : i32
        %mul3A_89 = arith.muli %scan3A_83, %mul3A_88 : i32
        %add3A_90 = vector.broadcast %mul3A_89 : i32 to vector<16xi32>
        %add3A_91 = arith.addi %mul3A_87, %add3A_90 : vector<16xi32>
        %gather3A = tpu.vector_load_idx %arg16[%add3A_91] : memref<2048xf32, #tpu.memory_space<vmem>>[vector<16xi32>], vector<16xf32>,
        %add3A_92 = arith.constant 1 : i32
        %add3A_93 = vector.broadcast %add3A_92 : i32 to vector<16xi32>
        %add3A_94 = arith.addi %add3A_91, %add3A_93 : vector<16xi32>
        %gather3A_95 = tpu.vector_load_idx %arg16[%add3A_94] : memref<2048xf32, #tpu.memory_space<vmem>>[vector<16xi32>], vector<16xf32>,
        %add3A_96 = arith.addf %gather3A, %gather3A_95 : vector<16xf32>
        %add3A_97 = arith.constant 2 : i32
        %add3A_98 = vector.broadcast %add3A_97 : i32 to vector<16xi32>
        %add3A_99 = arith.addi %add3A_91, %add3A_98 : vector<16xi32>
        %gather3A_100 = tpu.vector_load_idx %arg16[%add3A_99] : memref<2048xf32, #tpu.memory_space<vmem>>[vector<16xi32>], vector<16xf32>,
        %add3A_101 = arith.addf %add3A_96, %gather3A_100 : vector<16xf32>
        %add3A_102 = arith.constant 3 : i32
        %add3A_103 = vector.broadcast %add3A_102 : i32 to vector<16xi32>
        %add3A_104 = arith.addi %add3A_91, %add3A_103 : vector<16xi32>
        %gather3A_105 = tpu.vector_load_idx %arg16[%add3A_104] : memref<2048xf32, #tpu.memory_space<vmem>>[vector<16xi32>], vector<16xf32>,
        %add3A_106 = arith.addf %add3A_101, %gather3A_105 : vector<16xf32>
        %add3A_107 = arith.constant 4 : i32
        %add3A_108 = vector.broadcast %add3A_107 : i32 to vector<16xi32>
        %add3A_109 = arith.addi %add3A_91, %add3A_108 : vector<16xi32>
        %gather3A_110 = tpu.vector_load_idx %arg16[%add3A_109] : memref<2048xf32, #tpu.memory_space<vmem>>[vector<16xi32>], vector<16xf32>,
        %add3A_111 = arith.addf %add3A_106, %gather3A_110 : vector<16xf32>
        %add3A_112 = arith.constant 5 : i32
        %add3A_113 = vector.broadcast %add3A_112 : i32 to vector<16xi32>
        %add3A_114 = arith.addi %add3A_91, %add3A_113 : vector<16xi32>
        %gather3A_115 = tpu.vector_load_idx %arg16[%add3A_114] : memref<2048xf32, #tpu.memory_space<vmem>>[vector<16xi32>], vector<16xf32>,
        %add3A_116 = arith.addf %add3A_111, %gather3A_115 : vector<16xf32>
        %add3A_117 = arith.constant 6 : i32
        %add3A_118 = vector.broadcast %add3A_117 : i32 to vector<16xi32>
        %add3A_119 = arith.addi %add3A_91, %add3A_118 : vector<16xi32>
        %gather3A_120 = tpu.vector_load_idx %arg16[%add3A_119] : memref<2048xf32, #tpu.memory_space<vmem>>[vector<16xi32>], vector<16xf32>,
        %add3A_121 = arith.addf %add3A_116, %gather3A_120 : vector<16xf32>
        %add3A_122 = arith.constant 7 : i32
        %add3A_123 = vector.broadcast %add3A_122 : i32 to vector<16xi32>
        %add3A_124 = arith.addi %add3A_91, %add3A_123 : vector<16xi32>
        %gather3A_125 = tpu.vector_load_idx %arg16[%add3A_124] : memref<2048xf32, #tpu.memory_space<vmem>>[vector<16xi32>], vector<16xf32>,
        %add3A_126 = arith.addf %add3A_121, %gather3A_125 : vector<16xf32>
        %add3A_127 = arith.constant 8 : i32
        %add3A_128 = vector.broadcast %add3A_127 : i32 to vector<16xi32>
        %add3A_129 = arith.addi %add3A_91, %add3A_128 : vector<16xi32>
        %gather3A_130 = tpu.vector_load_idx %arg16[%add3A_129] : memref<2048xf32, #tpu.memory_space<vmem>>[vector<16xi32>], vector<16xf32>,
        %add3A_131 = arith.addf %add3A_126, %gather3A_130 : vector<16xf32>
        %add3A_132 = arith.constant 9 : i32
        %add3A_133 = vector.broadcast %add3A_132 : i32 to vector<16xi32>
        %add3A_134 = arith.addi %add3A_91, %add3A_133 : vector<16xi32>
        %gather3A_135 = tpu.vector_load_idx %arg16[%add3A_134] : memref<2048xf32, #tpu.memory_space<vmem>>[vector<16xi32>], vector<16xf32>,
        %add3A_136 = arith.addf %add3A_131, %gather3A_135 : vector<16xf32>
        %add3A_137 = arith.constant 10 : i32
        %add3A_138 = vector.broadcast %add3A_137 : i32 to vector<16xi32>
        %add3A_139 = arith.addi %add3A_91, %add3A_138 : vector<16xi32>
        %gather3A_140 = tpu.vector_load_idx %arg16[%add3A_139] : memref<2048xf32, #tpu.memory_space<vmem>>[vector<16xi32>], vector<16xf32>,
        %add3A_141 = arith.addf %add3A_136, %gather3A_140 : vector<16xf32>
        %add3A_142 = arith.constant 11 : i32
        %add3A_143 = vector.broadcast %add3A_142 : i32 to vector<16xi32>
        %add3A_144 = arith.addi %add3A_91, %add3A_143 : vector<16xi32>
        %gather3A_145 = tpu.vector_load_idx %arg16[%add3A_144] : memref<2048xf32, #tpu.memory_space<vmem>>[vector<16xi32>], vector<16xf32>,
        %add3A_146 = arith.addf %add3A_141, %gather3A_145 : vector<16xf32>
        %add3A_147 = arith.constant 12 : i32
        %add3A_148 = vector.broadcast %add3A_147 : i32 to vector<16xi32>
        %add3A_149 = arith.addi %add3A_91, %add3A_148 : vector<16xi32>
        %gather3A_150 = tpu.vector_load_idx %arg16[%add3A_149] : memref<2048xf32, #tpu.memory_space<vmem>>[vector<16xi32>], vector<16xf32>,
        %add3A_151 = arith.addf %add3A_146, %gather3A_150 : vector<16xf32>
        %add3A_152 = arith.constant 13 : i32
        %add3A_153 = vector.broadcast %add3A_152 : i32 to vector<16xi32>
        %add3A_154 = arith.addi %add3A_91, %add3A_153 : vector<16xi32>
        %gather3A_155 = tpu.vector_load_idx %arg16[%add3A_154] : memref<2048xf32, #tpu.memory_space<vmem>>[vector<16xi32>], vector<16xf32>,
        %add3A_156 = arith.addf %add3A_151, %gather3A_155 : vector<16xf32>
        %add3A_157 = arith.constant 14 : i32
        %add3A_158 = vector.broadcast %add3A_157 : i32 to vector<16xi32>
        %add3A_159 = arith.addi %add3A_91, %add3A_158 : vector<16xi32>
        %gather3A_160 = tpu.vector_load_idx %arg16[%add3A_159] : memref<2048xf32, #tpu.memory_space<vmem>>[vector<16xi32>], vector<16xf32>,
        %add3A_161 = arith.addf %add3A_156, %gather3A_160 : vector<16xf32>
        %add3A_162 = arith.constant 15 : i32
        %add3A_163 = vector.broadcast %add3A_162 : i32 to vector<16xi32>
        %add3A_164 = arith.addi %add3A_91, %add3A_163 : vector<16xi32>
        %gather3A_165 = tpu.vector_load_idx %arg16[%add3A_164] : memref<2048xf32, #tpu.memory_space<vmem>>[vector<16xi32>], vector<16xf32>,
        %add3A_166 = arith.addf %add3A_161, %gather3A_165 : vector<16xf32>
        %mul3A_167 = arith.constant 1.44269502 : f32
        %mul3A_168 = vector.broadcast %mul3A_167 : f32 to vector<16xf32>
        %mul3A_169 = arith.mulf %add3A_166, %mul3A_168 : vector<16xf32>
        %ge3A = arith.constant 0.000000e+00 : f32
        %ge3A_170 = vector.broadcast %ge3A : f32 to vector<16xf32>
        %ge3A_171 = arith.cmpf oge, %mul3A_169, %ge3A_170 : vector<16xf32>
        %jit3A_172 = arith.constant 5.000000e-01 : f32
        %jit3A_173 = arith.constant -5.000000e-01 : f32
        %broadcast_in_dim3A_174 = vector.broadcast %jit3A_172 : f32 to vector<16xf32>
        %broadcast_in_dim3A_175 = vector.broadcast %jit3A_173 : f32 to vector<16xf32>
        %select_n3A_176 = arith.select %ge3A_171, %broadcast_in_dim3A_174, %broadcast_in_dim3A_175 : vector<16xi1>, vector<16xf32>
        %add3A_177 = arith.addf %mul3A_169, %select_n3A_176 : vector<16xf32>
        %convert_element_type3A = arith.fptosi %add3A_177 : vector<16xf32> to vector<16xi32>
        %convert_element_type3A_178 = arith.sitofp %convert_element_type3A : vector<16xi32> to vector<16xf32>
        %mul3A_179 = arith.constant 0.693359375 : f32
        %mul3A_180 = vector.broadcast %mul3A_179 : f32 to vector<16xf32>
        %mul3A_181 = arith.mulf %convert_element_type3A_178, %mul3A_180 : vector<16xf32>
        %sub3A = arith.subf %add3A_166, %mul3A_181 : vector<16xf32>
        %mul3A_182 = arith.constant -2.12194442E-4 : f32
        %mul3A_183 = vector.broadcast %mul3A_182 : f32 to vector<16xf32>
        %mul3A_184 = arith.mulf %convert_element_type3A_178, %mul3A_183 : vector<16xf32>
        %sub3A_185 = arith.subf %sub3A, %mul3A_184 : vector<16xf32>
        %mul3A_186 = arith.constant 0.00138888892 : f32
        %mul3A_187 = vector.broadcast %mul3A_186 : f32 to vector<16xf32>
        %mul3A_188 = arith.mulf %mul3A_187, %sub3A_185 : vector<16xf32>
        %add3A_189 = arith.constant 0.00833333377 : f32
        %add3A_190 = vector.broadcast %add3A_189 : f32 to vector<16xf32>
        %add3A_191 = arith.addf %mul3A_188, %add3A_190 : vector<16xf32>
        %mul3A_192 = arith.mulf %add3A_191, %sub3A_185 : vector<16xf32>
        %add3A_193 = arith.constant 0.0416666679 : f32
        %add3A_194 = vector.broadcast %add3A_193 : f32 to vector<16xf32>
        %add3A_195 = arith.addf %mul3A_192, %add3A_194 : vector<16xf32>
        %mul3A_196 = arith.mulf %add3A_195, %sub3A_185 : vector<16xf32>
        %add3A_197 = arith.constant 0.166666672 : f32
        %add3A_198 = vector.broadcast %add3A_197 : f32 to vector<16xf32>
        %add3A_199 = arith.addf %mul3A_196, %add3A_198 : vector<16xf32>
        %mul3A_200 = arith.mulf %add3A_199, %sub3A_185 : vector<16xf32>
        %add3A_201 = arith.constant 5.000000e-01 : f32
        %add3A_202 = vector.broadcast %add3A_201 : f32 to vector<16xf32>
        %add3A_203 = arith.addf %mul3A_200, %add3A_202 : vector<16xf32>
        %mul3A_204 = arith.mulf %add3A_203, %sub3A_185 : vector<16xf32>
        %add3A_205 = arith.constant 1.000000e+00 : f32
        %add3A_206 = vector.broadcast %add3A_205 : f32 to vector<16xf32>
        %add3A_207 = arith.addf %mul3A_204, %add3A_206 : vector<16xf32>
        %mul3A_208 = arith.mulf %add3A_207, %sub3A_185 : vector<16xf32>
        %add3A_209 = arith.constant 1.000000e+00 : f32
        %add3A_210 = vector.broadcast %add3A_209 : f32 to vector<16xf32>
        %add3A_211 = arith.addf %mul3A_208, %add3A_210 : vector<16xf32>
        %add3A_212 = arith.constant 127 : i32
        %add3A_213 = vector.broadcast %add3A_212 : i32 to vector<16xi32>
        %add3A_214 = arith.addi %convert_element_type3A, %add3A_213 : vector<16xi32>
        %shift_left3A = arith.constant 23 : i32
        %shift_left3A_215 = vector.broadcast %shift_left3A : i32 to vector<16xi32>
        %shift_left3A_216 = arith.shli %add3A_214, %shift_left3A_215 : vector<16xi32>
        %bitcast3A = vector.bitcast %shift_left3A_216 : vector<16xi32> to vector<16xf32>
        %mul3A_217 = arith.mulf %add3A_211, %bitcast3A : vector<16xf32>
        %mul3A_218 = arith.constant 16 : i32
        %mul3A_219 = arith.muli %scan3A_83, %mul3A_218 : i32
        %swap3A = arith.index_cast %mul3A_219 : i32 to index
        %swap3A_220 = tpu.vector_load %arg17[%swap3A] {strides = array<i32>} : memref<128xf32, #tpu.memory_space<vmem>>, vector<16xf32>,
        tpu.vector_store %arg17[%swap3A], %mul3A_217 {strides = array<i32>} : memref<128xf32, #tpu.memory_space<vmem>>, vector<16xf32>,
        %scan3A_221 = arith.constant 0 : i32
        scf.yield %scan3A_221 : i32
      }
      %scan3A_74 = arith.constant 8 : i32
      %scan3A_75 = arith.constant 0 : i32
      %scan3A_76 = arith.constant 0 : i32
      %scan3A_77 = arith.constant 128 : i32
      %scan3A_78 = arith.addi %scan3A_76, %scan3A_77 : i32
      %scan3A_79 = arith.constant 1 : i32
      %scan3A_80 = scf.for %scan3A_83 = %scan3A_76 to %scan3A_78 step %scan3A_79 iter_args(%scan3A_84 = %scan3A_75) -> (i32)  : i32 {
        %broadcast_in_dim3A_85 = vector.broadcast %scan3A_83 : i32 to vector<16xi32>
        %gather3A = tpu.vector_load_idx %arg12[%broadcast_in_dim3A_85] : memref<128xi32, #tpu.memory_space<vmem>>[vector<16xi32>], vector<16xi32>,
        %gather3A_86 = tpu.vector_load_idx %arg17[%broadcast_in_dim3A_85] : memref<128xf32, #tpu.memory_space<vmem>>[vector<16xi32>], vector<16xf32>,
        %eq3A = arith.constant 0 : i32
        %eq3A_87 = vector.broadcast %eq3A : i32 to vector<16xi32>
        %eq3A_88 = arith.cmpi eq, %iota3A, %eq3A_87 : vector<16xi32>
        %jit3A_89 = arith.constant 10000 : i32
        %broadcast_in_dim3A_90 = vector.broadcast %jit3A_89 : i32 to vector<16xi32>
        %select_n3A_91 = arith.select %eq3A_88, %gather3A, %broadcast_in_dim3A_90 : vector<16xi1>, vector<16xi32>
        %gather3A_92 = tpu.vector_load_idx %arg18[%select_n3A_91] : memref<10016xf32, #tpu.memory_space<vmem>>[vector<16xi32>], vector<16xf32>,
        %add3A_93 = arith.addf %gather3A_92, %gather3A_86 : vector<16xf32>
        tpu.vector_store_idx %arg18[%select_n3A_91], %add3A_93 : memref<10016xf32, #tpu.memory_space<vmem>>[vector<16xi32>], vector<16xf32>,
        %gather3A_94 = tpu.vector_load_idx %arg19[%select_n3A_91] : memref<10016xf32, #tpu.memory_space<vmem>>[vector<16xi32>], vector<16xf32>,
        %add3A_95 = arith.addf %gather3A_94, %broadcast_in_dim3A_24 : vector<16xf32>
        tpu.vector_store_idx %arg19[%select_n3A_91], %add3A_95 : memref<10016xf32, #tpu.memory_space<vmem>>[vector<16xi32>], vector<16xf32>,
        %scan3A_96 = arith.constant 0 : i32
        scf.yield %scan3A_96 : i32
      }
      %scan3A_81 = arith.constant 128 : i32
      "tpu.region"() ({
        %run_scoped3A = tpu.sem_alloc : memref<!tpu.dma_semaphore, #tpu.memory_space<semaphore_mem>>
        %dma_start3A_83 = tpu.memref_slice %arg8[%multiple_of3A] : memref<320000xf32, #tpu.memory_space<hbm>> -> memref<128xf32, #tpu.memory_space<hbm>>
        %dma_start3A_84 = tpu.memref_slice %arg8[%multiple_of3A] : memref<320000xf32, #tpu.memory_space<hbm>> -> memref<128xf32, #tpu.memory_space<hbm>>
        tpu.enqueue_dma source(%arg17 : memref<128xf32, #tpu.memory_space<vmem>>) target(%dma_start3A_84 : memref<128xf32, #tpu.memory_space<hbm>>) target_semaphore(%run_scoped3A : memref<!tpu.dma_semaphore, #tpu.memory_space<semaphore_mem>>)
        %dma_wait3A_85 = tpu.memref_slice %arg8[%multiple_of3A] : memref<320000xf32, #tpu.memory_space<hbm>> -> memref<128xf32, #tpu.memory_space<hbm>>
        %dma_wait3A_86 = tpu.memref_slice %arg8[%multiple_of3A] : memref<320000xf32, #tpu.memory_space<hbm>> -> memref<128xf32, #tpu.memory_space<hbm>>
        tpu.wait_dma2 semaphore(%run_scoped3A : memref<!tpu.dma_semaphore, #tpu.memory_space<semaphore_mem>>) src(%arg17 : memref<128xf32, #tpu.memory_space<vmem>>) dst(%dma_wait3A_86 : memref<128xf32, #tpu.memory_space<hbm>>)
        tpu.yield
      }) : () -> ()
      %while3A_82 = arith.constant 0 : i32
      scf.yield %while3A_82 : i32
    }
    %mul3A_40 = arith.constant 10000 : i32
    %mul3A_41 = arith.muli %add3A, %mul3A_40 : i32
    "tpu.region"() ({
      %run_scoped3A = tpu.sem_alloc : memref<!tpu.dma_semaphore, #tpu.memory_space<semaphore_mem>>
      %dma_start3A = arith.constant 0 : i32
      %dma_start3A_44 = tpu.memref_slice %arg18[%dma_start3A] : memref<10016xf32, #tpu.memory_space<vmem>> -> memref<10000xf32, #tpu.memory_space<vmem>>
      %dma_start3A_45 = tpu.memref_slice %arg9[%mul3A_41] : memref<320000xf32, #tpu.memory_space<hbm>> -> memref<10000xf32, #tpu.memory_space<hbm>>
      %dma_start3A_46 = tpu.memref_slice %arg9[%mul3A_41] : memref<320000xf32, #tpu.memory_space<hbm>> -> memref<10000xf32, #tpu.memory_space<hbm>>
      %dma_start3A_47 = arith.constant 0 : i32
      %dma_start3A_48 = tpu.memref_slice %arg18[%dma_start3A_47] : memref<10016xf32, #tpu.memory_space<vmem>> -> memref<10000xf32, #tpu.memory_space<vmem>>
      tpu.enqueue_dma source(%dma_start3A_48 : memref<10000xf32, #tpu.memory_space<vmem>>) target(%dma_start3A_46 : memref<10000xf32, #tpu.memory_space<hbm>>) target_semaphore(%run_scoped3A : memref<!tpu.dma_semaphore, #tpu.memory_space<semaphore_mem>>)
      %dma_wait3A = arith.constant 0 : i32
      %dma_wait3A_49 = tpu.memref_slice %arg18[%dma_wait3A] : memref<10016xf32, #tpu.memory_space<vmem>> -> memref<10000xf32, #tpu.memory_space<vmem>>
      %dma_wait3A_50 = tpu.memref_slice %arg9[%mul3A_41] : memref<320000xf32, #tpu.memory_space<hbm>> -> memref<10000xf32, #tpu.memory_space<hbm>>
      %dma_wait3A_51 = tpu.memref_slice %arg9[%mul3A_41] : memref<320000xf32, #tpu.memory_space<hbm>> -> memref<10000xf32, #tpu.memory_space<hbm>>
      %dma_wait3A_52 = arith.constant 0 : i32
      %dma_wait3A_53 = tpu.memref_slice %arg18[%dma_wait3A_52] : memref<10016xf32, #tpu.memory_space<vmem>> -> memref<10000xf32, #tpu.memory_space<vmem>>
      tpu.wait_dma2 semaphore(%run_scoped3A : memref<!tpu.dma_semaphore, #tpu.memory_space<semaphore_mem>>) src(%dma_wait3A_53 : memref<10000xf32, #tpu.memory_space<vmem>>) dst(%dma_wait3A_51 : memref<10000xf32, #tpu.memory_space<hbm>>)
      tpu.yield
    }) : () -> ()
    %mul3A_42 = arith.constant 10000 : i32
    %mul3A_43 = arith.muli %add3A, %mul3A_42 : i32
    "tpu.region"() ({
      %run_scoped3A = tpu.sem_alloc : memref<!tpu.dma_semaphore, #tpu.memory_space<semaphore_mem>>
      %dma_start3A = arith.constant 0 : i32
      %dma_start3A_44 = tpu.memref_slice %arg19[%dma_start3A] : memref<10016xf32, #tpu.memory_space<vmem>> -> memref<10000xf32, #tpu.memory_space<vmem>>
      %dma_start3A_45 = tpu.memref_slice %arg10[%mul3A_43] : memref<320000xf32, #tpu.memory_space<hbm>> -> memref<10000xf32, #tpu.memory_space<hbm>>
      %dma_start3A_46 = tpu.memref_slice %arg10[%mul3A_43] : memref<320000xf32, #tpu.memory_space<hbm>> -> memref<10000xf32, #tpu.memory_space<hbm>>
      %dma_start3A_47 = arith.constant 0 : i32
      %dma_start3A_48 = tpu.memref_slice %arg19[%dma_start3A_47] : memref<10016xf32, #tpu.memory_space<vmem>> -> memref<10000xf32, #tpu.memory_space<vmem>>
      tpu.enqueue_dma source(%dma_start3A_48 : memref<10000xf32, #tpu.memory_space<vmem>>) target(%dma_start3A_46 : memref<10000xf32, #tpu.memory_space<hbm>>) target_semaphore(%run_scoped3A : memref<!tpu.dma_semaphore, #tpu.memory_space<semaphore_mem>>)
      %dma_wait3A = arith.constant 0 : i32
      %dma_wait3A_49 = tpu.memref_slice %arg19[%dma_wait3A] : memref<10016xf32, #tpu.memory_space<vmem>> -> memref<10000xf32, #tpu.memory_space<vmem>>
      %dma_wait3A_50 = tpu.memref_slice %arg10[%mul3A_43] : memref<320000xf32, #tpu.memory_space<hbm>> -> memref<10000xf32, #tpu.memory_space<hbm>>
      %dma_wait3A_51 = tpu.memref_slice %arg10[%mul3A_43] : memref<320000xf32, #tpu.memory_space<hbm>> -> memref<10000xf32, #tpu.memory_space<hbm>>
      %dma_wait3A_52 = arith.constant 0 : i32
      %dma_wait3A_53 = tpu.memref_slice %arg19[%dma_wait3A_52] : memref<10016xf32, #tpu.memory_space<vmem>> -> memref<10000xf32, #tpu.memory_space<vmem>>
      tpu.wait_dma2 semaphore(%run_scoped3A : memref<!tpu.dma_semaphore, #tpu.memory_space<semaphore_mem>>) src(%dma_wait3A_53 : memref<10000xf32, #tpu.memory_space<vmem>>) dst(%dma_wait3A_51 : memref<10000xf32, #tpu.memory_space<hbm>>)
      tpu.yield
    }) : () -> ()
    return
  }
}

#map = affine_map<(d0, d1) -> (0)>
#map1 = affine_map<(d0, d1) -> (0, 0)>
module attributes {stable_mosaic.version = 14 : i64} {
  func.func @_sc0_body(%arg0: i32, %arg1: i32, %arg2: memref<320000xi32, #tpu.memory_space<hbm>>, %arg3: memref<320000x16xf32, #tpu.memory_space<hbm>>, %arg4: memref<5120000xf32, #tpu.memory_space<hbm>>, %arg5: memref<128xi32, #tpu.memory_space<vmem>>, %arg6: memref<128x16xf32, #tpu.memory_space<vmem>>, %arg7: memref<80016xf32, #tpu.memory_space<vmem>>, %arg8: memref<!tpu.dma_semaphore, #tpu.memory_space<semaphore_mem>>) attributes {dimension_semantics = [#tpu.dimension_semantics<core_parallel>, #tpu.dimension_semantics<subcore_parallel>], iteration_bounds = array<i64: 2, 16>, scalar_prefetch = 0 : i64, scratch_operands = 4 : i64, tpu.core_type = #tpu.core_type<sc_vector_subcore>, window_params = [{transform_indices = #map}, {transform_indices = #map1}, {transform_indices = #map}]} {
    %mul3A = arith.constant 2 : i32
    %mul3A_0 = arith.muli %arg1, %mul3A : i32
    %add3A = arith.addi %mul3A_0, %arg0 : i32
    %iota3A = tpu.iota {dimensions = array<i32: 0>} : vector<16xi32>
    %broadcast_in_dim3A = arith.constant 0.000000e+00 : f32
    %broadcast_in_dim3A_1 = vector.broadcast %broadcast_in_dim3A : f32 to vector<16xf32>
    %lt3A = arith.constant 4 : i32
    %lt3A_2 = arith.cmpi slt, %add3A, %lt3A : i32
    %jit3A = arith.constant 1 : i32
    %jit3A_3 = arith.constant 0 : i32
    %select_n3A = arith.select %lt3A_2, %jit3A, %jit3A_3 : i32
    %add3A_4 = arith.constant 78 : i32
    %add3A_5 = arith.addi %add3A_4, %select_n3A : i32
    %scan3A = arith.constant 0 : i32
    %scan3A_6 = arith.constant 0 : i32
    %scan3A_7 = arith.constant 5001 : i32
    %scan3A_8 = arith.addi %scan3A_6, %scan3A_7 : i32
    %scan3A_9 = arith.constant 1 : i32
    %scan3A_10 = scf.for %scan3A_58 = %scan3A_6 to %scan3A_8 step %scan3A_9 iter_args(%scan3A_59 = %scan3A) -> (i32)  : i32 {
      %mul3A_60 = arith.constant 16 : i32
      %mul3A_61 = arith.muli %scan3A_58, %mul3A_60 : i32
      %swap3A = arith.index_cast %mul3A_61 : i32 to index
      %swap3A_62 = tpu.vector_load %arg7[%swap3A] {strides = array<i32>} : memref<80016xf32, #tpu.memory_space<vmem>>, vector<16xf32>,
      tpu.vector_store %arg7[%swap3A], %broadcast_in_dim3A_1 {strides = array<i32>} : memref<80016xf32, #tpu.memory_space<vmem>>, vector<16xf32>,
      %scan3A_63 = arith.constant 0 : i32
      scf.yield %scan3A_63 : i32
    }
    %scan3A_11 = arith.constant 5001 : i32
    %while3A = arith.constant 0 : i32
    %while3A_12 = arith.constant 0 : i32
    %while3A_13 = arith.subi %add3A_5, %while3A : i32
    %while3A_14 = arith.addi %while3A, %while3A_13 : i32
    %while3A_15 = arith.constant 1 : i32
    %while3A_16 = arith.divsi %while3A_13, %while3A_15 : i32
    %while3A_17 = arith.muli %while3A_16, %while3A_15 : i32
    %while3A_18 = arith.addi %while3A, %while3A_17 : i32
    %while3A_19 = arith.constant 1 : i32
    %while3A_20 = scf.for %while3A_58 = %while3A to %while3A_18 step %while3A_19 iter_args(%while3A_59 = %while3A_12) -> (i32)  : i32 {
      %mul3A_60 = arith.constant 32 : i32
      %mul3A_61 = arith.muli %while3A_58, %mul3A_60 : i32
      %add3A_62 = arith.addi %add3A, %mul3A_61 : i32
      %mul3A_63 = arith.constant 128 : i32
      %mul3A_64 = arith.muli %add3A_62, %mul3A_63 : i32
      %multiple_of3A = tpu.assume_multiple %mul3A_64, 128 : i32
      "tpu.region"() ({
        %run_scoped3A = tpu.sem_alloc : memref<!tpu.dma_semaphore, #tpu.memory_space<semaphore_mem>>
        %dma_start3A = tpu.memref_slice %arg2[%multiple_of3A] : memref<320000xi32, #tpu.memory_space<hbm>> -> memref<128xi32, #tpu.memory_space<hbm>>
        %dma_start3A_73 = tpu.memref_slice %arg2[%multiple_of3A] : memref<320000xi32, #tpu.memory_space<hbm>> -> memref<128xi32, #tpu.memory_space<hbm>>
        tpu.enqueue_dma source(%dma_start3A_73 : memref<128xi32, #tpu.memory_space<hbm>>) target(%arg5 : memref<128xi32, #tpu.memory_space<vmem>>) target_semaphore(%run_scoped3A : memref<!tpu.dma_semaphore, #tpu.memory_space<semaphore_mem>>)
        %dma_wait3A = tpu.memref_slice %arg2[%multiple_of3A] : memref<320000xi32, #tpu.memory_space<hbm>> -> memref<128xi32, #tpu.memory_space<hbm>>
        %dma_wait3A_74 = tpu.memref_slice %arg2[%multiple_of3A] : memref<320000xi32, #tpu.memory_space<hbm>> -> memref<128xi32, #tpu.memory_space<hbm>>
        tpu.wait_dma2 semaphore(%run_scoped3A : memref<!tpu.dma_semaphore, #tpu.memory_space<semaphore_mem>>) src(%dma_wait3A_74 : memref<128xi32, #tpu.memory_space<hbm>>) dst(%arg5 : memref<128xi32, #tpu.memory_space<vmem>>)
        tpu.yield
      }) : () -> ()
      "tpu.region"() ({
        %run_scoped3A = tpu.sem_alloc : memref<!tpu.dma_semaphore, #tpu.memory_space<semaphore_mem>>
        %dma_start3A = arith.constant 0 : i32
        %dma_start3A_73 = tpu.memref_slice %arg3[%multiple_of3A, %dma_start3A] : memref<320000x16xf32, #tpu.memory_space<hbm>> -> memref<128x16xf32, #tpu.memory_space<hbm>>
        %dma_start3A_74 = arith.constant 0 : i32
        %dma_start3A_75 = tpu.memref_slice %arg3[%multiple_of3A, %dma_start3A_74] : memref<320000x16xf32, #tpu.memory_space<hbm>> -> memref<128x16xf32, #tpu.memory_space<hbm>>
        tpu.enqueue_dma source(%dma_start3A_75 : memref<128x16xf32, #tpu.memory_space<hbm>>) target(%arg6 : memref<128x16xf32, #tpu.memory_space<vmem>>) target_semaphore(%run_scoped3A : memref<!tpu.dma_semaphore, #tpu.memory_space<semaphore_mem>>)
        %dma_wait3A = arith.constant 0 : i32
        %dma_wait3A_76 = tpu.memref_slice %arg3[%multiple_of3A, %dma_wait3A] : memref<320000x16xf32, #tpu.memory_space<hbm>> -> memref<128x16xf32, #tpu.memory_space<hbm>>
        %dma_wait3A_77 = arith.constant 0 : i32
        %dma_wait3A_78 = tpu.memref_slice %arg3[%multiple_of3A, %dma_wait3A_77] : memref<320000x16xf32, #tpu.memory_space<hbm>> -> memref<128x16xf32, #tpu.memory_space<hbm>>
        tpu.wait_dma2 semaphore(%run_scoped3A : memref<!tpu.dma_semaphore, #tpu.memory_space<semaphore_mem>>) src(%dma_wait3A_78 : memref<128x16xf32, #tpu.memory_space<hbm>>) dst(%arg6 : memref<128x16xf32, #tpu.memory_space<vmem>>)
        tpu.yield
      }) : () -> ()
      %scan3A_65 = arith.constant 0 : i32
      %scan3A_66 = arith.constant 0 : i32
      %scan3A_67 = arith.constant 128 : i32
      %scan3A_68 = arith.addi %scan3A_66, %scan3A_67 : i32
      %scan3A_69 = arith.constant 1 : i32
      %scan3A_70 = scf.for %scan3A_73 = %scan3A_66 to %scan3A_68 step %scan3A_69 iter_args(%scan3A_74 = %scan3A_65) -> (i32)  : i32 {
        %broadcast_in_dim3A_75 = vector.broadcast %scan3A_73 : i32 to vector<16xi32>
        %gather3A = tpu.vector_load_idx %arg5[%broadcast_in_dim3A_75] : memref<128xi32, #tpu.memory_space<vmem>>[vector<16xi32>], vector<16xi32>,
        %sub3A = arith.constant 0 : i32
        %sub3A_76 = vector.broadcast %sub3A : i32 to vector<16xi32>
        %sub3A_77 = arith.subi %gather3A, %sub3A_76 : vector<16xi32>
        %ge3A = arith.constant 0 : i32
        %ge3A_78 = vector.broadcast %ge3A : i32 to vector<16xi32>
        %ge3A_79 = arith.cmpi sge, %sub3A_77, %ge3A_78 : vector<16xi32>
        %lt3A_80 = arith.constant 5000 : i32
        %lt3A_81 = vector.broadcast %lt3A_80 : i32 to vector<16xi32>
        %lt3A_82 = arith.cmpi slt, %sub3A_77, %lt3A_81 : vector<16xi32>
        %and3A = arith.andi %ge3A_79, %lt3A_82 : vector<16xi1>
        %jit3A_83 = arith.constant 5000 : i32
        %broadcast_in_dim3A_84 = vector.broadcast %jit3A_83 : i32 to vector<16xi32>
        %select_n3A_85 = arith.select %and3A, %sub3A_77, %broadcast_in_dim3A_84 : vector<16xi1>, vector<16xi32>
        %mul3A_86 = arith.constant 16 : i32
        %mul3A_87 = vector.broadcast %mul3A_86 : i32 to vector<16xi32>
        %mul3A_88 = arith.muli %select_n3A_85, %mul3A_87 : vector<16xi32>
        %add3A_89 = arith.addi %mul3A_88, %iota3A : vector<16xi32>
        %gather3A_90 = tpu.vector_load_idx %arg7[%add3A_89] : memref<80016xf32, #tpu.memory_space<vmem>>[vector<16xi32>], vector<16xf32>,
        %get3A = arith.index_cast %scan3A_73 : i32 to index
        %get3A_91 = arith.constant 0 : index
        %get3A_92 = tpu.vector_load %arg6[%get3A, %get3A_91] {strides = array<i32>} : memref<128x16xf32, #tpu.memory_space<vmem>>, vector<16xf32>,
        %add3A_93 = arith.addf %gather3A_90, %get3A_92 : vector<16xf32>
        tpu.vector_store_idx %arg7[%add3A_89], %add3A_93 : memref<80016xf32, #tpu.memory_space<vmem>>[vector<16xi32>], vector<16xf32>,
        %scan3A_94 = arith.constant 0 : i32
        scf.yield %scan3A_94 : i32
      }
      %scan3A_71 = arith.constant 128 : i32
      %while3A_72 = arith.constant 0 : i32
      scf.yield %while3A_72 : i32
    }
    %while3A_21 = arith.constant 1 : i32
    %while3A_22 = scf.for %while3A_58 = %while3A_18 to %while3A_14 step %while3A_21 iter_args(%while3A_59 = %while3A_20) -> (i32)  : i32 {
      %mul3A_60 = arith.constant 32 : i32
      %mul3A_61 = arith.muli %while3A_58, %mul3A_60 : i32
      %add3A_62 = arith.addi %add3A, %mul3A_61 : i32
      %mul3A_63 = arith.constant 128 : i32
      %mul3A_64 = arith.muli %add3A_62, %mul3A_63 : i32
      %multiple_of3A = tpu.assume_multiple %mul3A_64, 128 : i32
      "tpu.region"() ({
        %run_scoped3A = tpu.sem_alloc : memref<!tpu.dma_semaphore, #tpu.memory_space<semaphore_mem>>
        %dma_start3A = tpu.memref_slice %arg2[%multiple_of3A] : memref<320000xi32, #tpu.memory_space<hbm>> -> memref<128xi32, #tpu.memory_space<hbm>>
        %dma_start3A_73 = tpu.memref_slice %arg2[%multiple_of3A] : memref<320000xi32, #tpu.memory_space<hbm>> -> memref<128xi32, #tpu.memory_space<hbm>>
        tpu.enqueue_dma source(%dma_start3A_73 : memref<128xi32, #tpu.memory_space<hbm>>) target(%arg5 : memref<128xi32, #tpu.memory_space<vmem>>) target_semaphore(%run_scoped3A : memref<!tpu.dma_semaphore, #tpu.memory_space<semaphore_mem>>)
        %dma_wait3A = tpu.memref_slice %arg2[%multiple_of3A] : memref<320000xi32, #tpu.memory_space<hbm>> -> memref<128xi32, #tpu.memory_space<hbm>>
        %dma_wait3A_74 = tpu.memref_slice %arg2[%multiple_of3A] : memref<320000xi32, #tpu.memory_space<hbm>> -> memref<128xi32, #tpu.memory_space<hbm>>
        tpu.wait_dma2 semaphore(%run_scoped3A : memref<!tpu.dma_semaphore, #tpu.memory_space<semaphore_mem>>) src(%dma_wait3A_74 : memref<128xi32, #tpu.memory_space<hbm>>) dst(%arg5 : memref<128xi32, #tpu.memory_space<vmem>>)
        tpu.yield
      }) : () -> ()
      "tpu.region"() ({
        %run_scoped3A = tpu.sem_alloc : memref<!tpu.dma_semaphore, #tpu.memory_space<semaphore_mem>>
        %dma_start3A = arith.constant 0 : i32
        %dma_start3A_73 = tpu.memref_slice %arg3[%multiple_of3A, %dma_start3A] : memref<320000x16xf32, #tpu.memory_space<hbm>> -> memref<128x16xf32, #tpu.memory_space<hbm>>
        %dma_start3A_74 = arith.constant 0 : i32
        %dma_start3A_75 = tpu.memref_slice %arg3[%multiple_of3A, %dma_start3A_74] : memref<320000x16xf32, #tpu.memory_space<hbm>> -> memref<128x16xf32, #tpu.memory_space<hbm>>
        tpu.enqueue_dma source(%dma_start3A_75 : memref<128x16xf32, #tpu.memory_space<hbm>>) target(%arg6 : memref<128x16xf32, #tpu.memory_space<vmem>>) target_semaphore(%run_scoped3A : memref<!tpu.dma_semaphore, #tpu.memory_space<semaphore_mem>>)
        %dma_wait3A = arith.constant 0 : i32
        %dma_wait3A_76 = tpu.memref_slice %arg3[%multiple_of3A, %dma_wait3A] : memref<320000x16xf32, #tpu.memory_space<hbm>> -> memref<128x16xf32, #tpu.memory_space<hbm>>
        %dma_wait3A_77 = arith.constant 0 : i32
        %dma_wait3A_78 = tpu.memref_slice %arg3[%multiple_of3A, %dma_wait3A_77] : memref<320000x16xf32, #tpu.memory_space<hbm>> -> memref<128x16xf32, #tpu.memory_space<hbm>>
        tpu.wait_dma2 semaphore(%run_scoped3A : memref<!tpu.dma_semaphore, #tpu.memory_space<semaphore_mem>>) src(%dma_wait3A_78 : memref<128x16xf32, #tpu.memory_space<hbm>>) dst(%arg6 : memref<128x16xf32, #tpu.memory_space<vmem>>)
        tpu.yield
      }) : () -> ()
      %scan3A_65 = arith.constant 0 : i32
      %scan3A_66 = arith.constant 0 : i32
      %scan3A_67 = arith.constant 128 : i32
      %scan3A_68 = arith.addi %scan3A_66, %scan3A_67 : i32
      %scan3A_69 = arith.constant 1 : i32
      %scan3A_70 = scf.for %scan3A_73 = %scan3A_66 to %scan3A_68 step %scan3A_69 iter_args(%scan3A_74 = %scan3A_65) -> (i32)  : i32 {
        %broadcast_in_dim3A_75 = vector.broadcast %scan3A_73 : i32 to vector<16xi32>
        %gather3A = tpu.vector_load_idx %arg5[%broadcast_in_dim3A_75] : memref<128xi32, #tpu.memory_space<vmem>>[vector<16xi32>], vector<16xi32>,
        %sub3A = arith.constant 0 : i32
        %sub3A_76 = vector.broadcast %sub3A : i32 to vector<16xi32>
        %sub3A_77 = arith.subi %gather3A, %sub3A_76 : vector<16xi32>
        %ge3A = arith.constant 0 : i32
        %ge3A_78 = vector.broadcast %ge3A : i32 to vector<16xi32>
        %ge3A_79 = arith.cmpi sge, %sub3A_77, %ge3A_78 : vector<16xi32>
        %lt3A_80 = arith.constant 5000 : i32
        %lt3A_81 = vector.broadcast %lt3A_80 : i32 to vector<16xi32>
        %lt3A_82 = arith.cmpi slt, %sub3A_77, %lt3A_81 : vector<16xi32>
        %and3A = arith.andi %ge3A_79, %lt3A_82 : vector<16xi1>
        %jit3A_83 = arith.constant 5000 : i32
        %broadcast_in_dim3A_84 = vector.broadcast %jit3A_83 : i32 to vector<16xi32>
        %select_n3A_85 = arith.select %and3A, %sub3A_77, %broadcast_in_dim3A_84 : vector<16xi1>, vector<16xi32>
        %mul3A_86 = arith.constant 16 : i32
        %mul3A_87 = vector.broadcast %mul3A_86 : i32 to vector<16xi32>
        %mul3A_88 = arith.muli %select_n3A_85, %mul3A_87 : vector<16xi32>
        %add3A_89 = arith.addi %mul3A_88, %iota3A : vector<16xi32>
        %gather3A_90 = tpu.vector_load_idx %arg7[%add3A_89] : memref<80016xf32, #tpu.memory_space<vmem>>[vector<16xi32>], vector<16xf32>,
        %get3A = arith.index_cast %scan3A_73 : i32 to index
        %get3A_91 = arith.constant 0 : index
        %get3A_92 = tpu.vector_load %arg6[%get3A, %get3A_91] {strides = array<i32>} : memref<128x16xf32, #tpu.memory_space<vmem>>, vector<16xf32>,
        %add3A_93 = arith.addf %gather3A_90, %get3A_92 : vector<16xf32>
        tpu.vector_store_idx %arg7[%add3A_89], %add3A_93 : memref<80016xf32, #tpu.memory_space<vmem>>[vector<16xi32>], vector<16xf32>,
        %scan3A_94 = arith.constant 0 : i32
        scf.yield %scan3A_94 : i32
      }
      %scan3A_71 = arith.constant 128 : i32
      %while3A_72 = arith.constant 0 : i32
      scf.yield %while3A_72 : i32
    }
    %mul3A_23 = arith.constant 2 : i32
    %mul3A_24 = arith.muli %add3A, %mul3A_23 : i32
    %add3A_25 = arith.constant 0 : i32
    %add3A_26 = arith.addi %mul3A_24, %add3A_25 : i32
    %mul3A_27 = arith.constant 5000 : i32
    %mul3A_28 = arith.muli %add3A_26, %mul3A_27 : i32
    %mul3A_29 = arith.constant 16 : i32
    %mul3A_30 = arith.muli %mul3A_28, %mul3A_29 : i32
    "tpu.region"() ({
      %run_scoped3A = tpu.sem_alloc : memref<!tpu.dma_semaphore, #tpu.memory_space<semaphore_mem>>
      %dma_start3A = arith.constant 0 : i32
      %dma_start3A_58 = tpu.memref_slice %arg7[%dma_start3A] : memref<80016xf32, #tpu.memory_space<vmem>> -> memref<80000xf32, #tpu.memory_space<vmem>>
      %dma_start3A_59 = tpu.memref_slice %arg4[%mul3A_30] : memref<5120000xf32, #tpu.memory_space<hbm>> -> memref<80000xf32, #tpu.memory_space<hbm>>
      %dma_start3A_60 = tpu.memref_slice %arg4[%mul3A_30] : memref<5120000xf32, #tpu.memory_space<hbm>> -> memref<80000xf32, #tpu.memory_space<hbm>>
      %dma_start3A_61 = arith.constant 0 : i32
      %dma_start3A_62 = tpu.memref_slice %arg7[%dma_start3A_61] : memref<80016xf32, #tpu.memory_space<vmem>> -> memref<80000xf32, #tpu.memory_space<vmem>>
      tpu.enqueue_dma source(%dma_start3A_62 : memref<80000xf32, #tpu.memory_space<vmem>>) target(%dma_start3A_60 : memref<80000xf32, #tpu.memory_space<hbm>>) target_semaphore(%run_scoped3A : memref<!tpu.dma_semaphore, #tpu.memory_space<semaphore_mem>>)
      %dma_wait3A = arith.constant 0 : i32
      %dma_wait3A_63 = tpu.memref_slice %arg7[%dma_wait3A] : memref<80016xf32, #tpu.memory_space<vmem>> -> memref<80000xf32, #tpu.memory_space<vmem>>
      %dma_wait3A_64 = tpu.memref_slice %arg4[%mul3A_30] : memref<5120000xf32, #tpu.memory_space<hbm>> -> memref<80000xf32, #tpu.memory_space<hbm>>
      %dma_wait3A_65 = tpu.memref_slice %arg4[%mul3A_30] : memref<5120000xf32, #tpu.memory_space<hbm>> -> memref<80000xf32, #tpu.memory_space<hbm>>
      %dma_wait3A_66 = arith.constant 0 : i32
      %dma_wait3A_67 = tpu.memref_slice %arg7[%dma_wait3A_66] : memref<80016xf32, #tpu.memory_space<vmem>> -> memref<80000xf32, #tpu.memory_space<vmem>>
      tpu.wait_dma2 semaphore(%run_scoped3A : memref<!tpu.dma_semaphore, #tpu.memory_space<semaphore_mem>>) src(%dma_wait3A_67 : memref<80000xf32, #tpu.memory_space<vmem>>) dst(%dma_wait3A_65 : memref<80000xf32, #tpu.memory_space<hbm>>)
      tpu.yield
    }) : () -> ()
    %scan3A_31 = arith.constant 0 : i32
    %scan3A_32 = arith.constant 0 : i32
    %scan3A_33 = arith.constant 5001 : i32
    %scan3A_34 = arith.addi %scan3A_32, %scan3A_33 : i32
    %scan3A_35 = arith.constant 1 : i32
    %scan3A_36 = scf.for %scan3A_58 = %scan3A_32 to %scan3A_34 step %scan3A_35 iter_args(%scan3A_59 = %scan3A_31) -> (i32)  : i32 {
      %mul3A_60 = arith.constant 16 : i32
      %mul3A_61 = arith.muli %scan3A_58, %mul3A_60 : i32
      %swap3A = arith.index_cast %mul3A_61 : i32 to index
      %swap3A_62 = tpu.vector_load %arg7[%swap3A] {strides = array<i32>} : memref<80016xf32, #tpu.memory_space<vmem>>, vector<16xf32>,
      tpu.vector_store %arg7[%swap3A], %broadcast_in_dim3A_1 {strides = array<i32>} : memref<80016xf32, #tpu.memory_space<vmem>>, vector<16xf32>,
      %scan3A_63 = arith.constant 0 : i32
      scf.yield %scan3A_63 : i32
    }
    %scan3A_37 = arith.constant 5001 : i32
    %while3A_38 = arith.constant 0 : i32
    %while3A_39 = arith.constant 0 : i32
    %while3A_40 = arith.subi %add3A_5, %while3A_38 : i32
    %while3A_41 = arith.addi %while3A_38, %while3A_40 : i32
    %while3A_42 = arith.constant 1 : i32
    %while3A_43 = arith.divsi %while3A_40, %while3A_42 : i32
    %while3A_44 = arith.muli %while3A_43, %while3A_42 : i32
    %while3A_45 = arith.addi %while3A_38, %while3A_44 : i32
    %while3A_46 = arith.constant 1 : i32
    %while3A_47 = scf.for %while3A_58 = %while3A_38 to %while3A_45 step %while3A_46 iter_args(%while3A_59 = %while3A_39) -> (i32)  : i32 {
      %mul3A_60 = arith.constant 32 : i32
      %mul3A_61 = arith.muli %while3A_58, %mul3A_60 : i32
      %add3A_62 = arith.addi %add3A, %mul3A_61 : i32
      %mul3A_63 = arith.constant 128 : i32
      %mul3A_64 = arith.muli %add3A_62, %mul3A_63 : i32
      %multiple_of3A = tpu.assume_multiple %mul3A_64, 128 : i32
      "tpu.region"() ({
        %run_scoped3A = tpu.sem_alloc : memref<!tpu.dma_semaphore, #tpu.memory_space<semaphore_mem>>
        %dma_start3A = tpu.memref_slice %arg2[%multiple_of3A] : memref<320000xi32, #tpu.memory_space<hbm>> -> memref<128xi32, #tpu.memory_space<hbm>>
        %dma_start3A_73 = tpu.memref_slice %arg2[%multiple_of3A] : memref<320000xi32, #tpu.memory_space<hbm>> -> memref<128xi32, #tpu.memory_space<hbm>>
        tpu.enqueue_dma source(%dma_start3A_73 : memref<128xi32, #tpu.memory_space<hbm>>) target(%arg5 : memref<128xi32, #tpu.memory_space<vmem>>) target_semaphore(%run_scoped3A : memref<!tpu.dma_semaphore, #tpu.memory_space<semaphore_mem>>)
        %dma_wait3A = tpu.memref_slice %arg2[%multiple_of3A] : memref<320000xi32, #tpu.memory_space<hbm>> -> memref<128xi32, #tpu.memory_space<hbm>>
        %dma_wait3A_74 = tpu.memref_slice %arg2[%multiple_of3A] : memref<320000xi32, #tpu.memory_space<hbm>> -> memref<128xi32, #tpu.memory_space<hbm>>
        tpu.wait_dma2 semaphore(%run_scoped3A : memref<!tpu.dma_semaphore, #tpu.memory_space<semaphore_mem>>) src(%dma_wait3A_74 : memref<128xi32, #tpu.memory_space<hbm>>) dst(%arg5 : memref<128xi32, #tpu.memory_space<vmem>>)
        tpu.yield
      }) : () -> ()
      "tpu.region"() ({
        %run_scoped3A = tpu.sem_alloc : memref<!tpu.dma_semaphore, #tpu.memory_space<semaphore_mem>>
        %dma_start3A = arith.constant 0 : i32
        %dma_start3A_73 = tpu.memref_slice %arg3[%multiple_of3A, %dma_start3A] : memref<320000x16xf32, #tpu.memory_space<hbm>> -> memref<128x16xf32, #tpu.memory_space<hbm>>
        %dma_start3A_74 = arith.constant 0 : i32
        %dma_start3A_75 = tpu.memref_slice %arg3[%multiple_of3A, %dma_start3A_74] : memref<320000x16xf32, #tpu.memory_space<hbm>> -> memref<128x16xf32, #tpu.memory_space<hbm>>
        tpu.enqueue_dma source(%dma_start3A_75 : memref<128x16xf32, #tpu.memory_space<hbm>>) target(%arg6 : memref<128x16xf32, #tpu.memory_space<vmem>>) target_semaphore(%run_scoped3A : memref<!tpu.dma_semaphore, #tpu.memory_space<semaphore_mem>>)
        %dma_wait3A = arith.constant 0 : i32
        %dma_wait3A_76 = tpu.memref_slice %arg3[%multiple_of3A, %dma_wait3A] : memref<320000x16xf32, #tpu.memory_space<hbm>> -> memref<128x16xf32, #tpu.memory_space<hbm>>
        %dma_wait3A_77 = arith.constant 0 : i32
        %dma_wait3A_78 = tpu.memref_slice %arg3[%multiple_of3A, %dma_wait3A_77] : memref<320000x16xf32, #tpu.memory_space<hbm>> -> memref<128x16xf32, #tpu.memory_space<hbm>>
        tpu.wait_dma2 semaphore(%run_scoped3A : memref<!tpu.dma_semaphore, #tpu.memory_space<semaphore_mem>>) src(%dma_wait3A_78 : memref<128x16xf32, #tpu.memory_space<hbm>>) dst(%arg6 : memref<128x16xf32, #tpu.memory_space<vmem>>)
        tpu.yield
      }) : () -> ()
      %scan3A_65 = arith.constant 0 : i32
      %scan3A_66 = arith.constant 0 : i32
      %scan3A_67 = arith.constant 128 : i32
      %scan3A_68 = arith.addi %scan3A_66, %scan3A_67 : i32
      %scan3A_69 = arith.constant 1 : i32
      %scan3A_70 = scf.for %scan3A_73 = %scan3A_66 to %scan3A_68 step %scan3A_69 iter_args(%scan3A_74 = %scan3A_65) -> (i32)  : i32 {
        %broadcast_in_dim3A_75 = vector.broadcast %scan3A_73 : i32 to vector<16xi32>
        %gather3A = tpu.vector_load_idx %arg5[%broadcast_in_dim3A_75] : memref<128xi32, #tpu.memory_space<vmem>>[vector<16xi32>], vector<16xi32>,
        %sub3A = arith.constant 5000 : i32
        %sub3A_76 = vector.broadcast %sub3A : i32 to vector<16xi32>
        %sub3A_77 = arith.subi %gather3A, %sub3A_76 : vector<16xi32>
        %ge3A = arith.constant 0 : i32
        %ge3A_78 = vector.broadcast %ge3A : i32 to vector<16xi32>
        %ge3A_79 = arith.cmpi sge, %sub3A_77, %ge3A_78 : vector<16xi32>
        %lt3A_80 = arith.constant 5000 : i32
        %lt3A_81 = vector.broadcast %lt3A_80 : i32 to vector<16xi32>
        %lt3A_82 = arith.cmpi slt, %sub3A_77, %lt3A_81 : vector<16xi32>
        %and3A = arith.andi %ge3A_79, %lt3A_82 : vector<16xi1>
        %jit3A_83 = arith.constant 5000 : i32
        %broadcast_in_dim3A_84 = vector.broadcast %jit3A_83 : i32 to vector<16xi32>
        %select_n3A_85 = arith.select %and3A, %sub3A_77, %broadcast_in_dim3A_84 : vector<16xi1>, vector<16xi32>
        %mul3A_86 = arith.constant 16 : i32
        %mul3A_87 = vector.broadcast %mul3A_86 : i32 to vector<16xi32>
        %mul3A_88 = arith.muli %select_n3A_85, %mul3A_87 : vector<16xi32>
        %add3A_89 = arith.addi %mul3A_88, %iota3A : vector<16xi32>
        %gather3A_90 = tpu.vector_load_idx %arg7[%add3A_89] : memref<80016xf32, #tpu.memory_space<vmem>>[vector<16xi32>], vector<16xf32>,
        %get3A = arith.index_cast %scan3A_73 : i32 to index
        %get3A_91 = arith.constant 0 : index
        %get3A_92 = tpu.vector_load %arg6[%get3A, %get3A_91] {strides = array<i32>} : memref<128x16xf32, #tpu.memory_space<vmem>>, vector<16xf32>,
        %add3A_93 = arith.addf %gather3A_90, %get3A_92 : vector<16xf32>
        tpu.vector_store_idx %arg7[%add3A_89], %add3A_93 : memref<80016xf32, #tpu.memory_space<vmem>>[vector<16xi32>], vector<16xf32>,
        %scan3A_94 = arith.constant 0 : i32
        scf.yield %scan3A_94 : i32
      }
      %scan3A_71 = arith.constant 128 : i32
      %while3A_72 = arith.constant 0 : i32
      scf.yield %while3A_72 : i32
    }
    %while3A_48 = arith.constant 1 : i32
    %while3A_49 = scf.for %while3A_58 = %while3A_45 to %while3A_41 step %while3A_48 iter_args(%while3A_59 = %while3A_47) -> (i32)  : i32 {
      %mul3A_60 = arith.constant 32 : i32
      %mul3A_61 = arith.muli %while3A_58, %mul3A_60 : i32
      %add3A_62 = arith.addi %add3A, %mul3A_61 : i32
      %mul3A_63 = arith.constant 128 : i32
      %mul3A_64 = arith.muli %add3A_62, %mul3A_63 : i32
      %multiple_of3A = tpu.assume_multiple %mul3A_64, 128 : i32
      "tpu.region"() ({
        %run_scoped3A = tpu.sem_alloc : memref<!tpu.dma_semaphore, #tpu.memory_space<semaphore_mem>>
        %dma_start3A = tpu.memref_slice %arg2[%multiple_of3A] : memref<320000xi32, #tpu.memory_space<hbm>> -> memref<128xi32, #tpu.memory_space<hbm>>
        %dma_start3A_73 = tpu.memref_slice %arg2[%multiple_of3A] : memref<320000xi32, #tpu.memory_space<hbm>> -> memref<128xi32, #tpu.memory_space<hbm>>
        tpu.enqueue_dma source(%dma_start3A_73 : memref<128xi32, #tpu.memory_space<hbm>>) target(%arg5 : memref<128xi32, #tpu.memory_space<vmem>>) target_semaphore(%run_scoped3A : memref<!tpu.dma_semaphore, #tpu.memory_space<semaphore_mem>>)
        %dma_wait3A = tpu.memref_slice %arg2[%multiple_of3A] : memref<320000xi32, #tpu.memory_space<hbm>> -> memref<128xi32, #tpu.memory_space<hbm>>
        %dma_wait3A_74 = tpu.memref_slice %arg2[%multiple_of3A] : memref<320000xi32, #tpu.memory_space<hbm>> -> memref<128xi32, #tpu.memory_space<hbm>>
        tpu.wait_dma2 semaphore(%run_scoped3A : memref<!tpu.dma_semaphore, #tpu.memory_space<semaphore_mem>>) src(%dma_wait3A_74 : memref<128xi32, #tpu.memory_space<hbm>>) dst(%arg5 : memref<128xi32, #tpu.memory_space<vmem>>)
        tpu.yield
      }) : () -> ()
      "tpu.region"() ({
        %run_scoped3A = tpu.sem_alloc : memref<!tpu.dma_semaphore, #tpu.memory_space<semaphore_mem>>
        %dma_start3A = arith.constant 0 : i32
        %dma_start3A_73 = tpu.memref_slice %arg3[%multiple_of3A, %dma_start3A] : memref<320000x16xf32, #tpu.memory_space<hbm>> -> memref<128x16xf32, #tpu.memory_space<hbm>>
        %dma_start3A_74 = arith.constant 0 : i32
        %dma_start3A_75 = tpu.memref_slice %arg3[%multiple_of3A, %dma_start3A_74] : memref<320000x16xf32, #tpu.memory_space<hbm>> -> memref<128x16xf32, #tpu.memory_space<hbm>>
        tpu.enqueue_dma source(%dma_start3A_75 : memref<128x16xf32, #tpu.memory_space<hbm>>) target(%arg6 : memref<128x16xf32, #tpu.memory_space<vmem>>) target_semaphore(%run_scoped3A : memref<!tpu.dma_semaphore, #tpu.memory_space<semaphore_mem>>)
        %dma_wait3A = arith.constant 0 : i32
        %dma_wait3A_76 = tpu.memref_slice %arg3[%multiple_of3A, %dma_wait3A] : memref<320000x16xf32, #tpu.memory_space<hbm>> -> memref<128x16xf32, #tpu.memory_space<hbm>>
        %dma_wait3A_77 = arith.constant 0 : i32
        %dma_wait3A_78 = tpu.memref_slice %arg3[%multiple_of3A, %dma_wait3A_77] : memref<320000x16xf32, #tpu.memory_space<hbm>> -> memref<128x16xf32, #tpu.memory_space<hbm>>
        tpu.wait_dma2 semaphore(%run_scoped3A : memref<!tpu.dma_semaphore, #tpu.memory_space<semaphore_mem>>) src(%dma_wait3A_78 : memref<128x16xf32, #tpu.memory_space<hbm>>) dst(%arg6 : memref<128x16xf32, #tpu.memory_space<vmem>>)
        tpu.yield
      }) : () -> ()
      %scan3A_65 = arith.constant 0 : i32
      %scan3A_66 = arith.constant 0 : i32
      %scan3A_67 = arith.constant 128 : i32
      %scan3A_68 = arith.addi %scan3A_66, %scan3A_67 : i32
      %scan3A_69 = arith.constant 1 : i32
      %scan3A_70 = scf.for %scan3A_73 = %scan3A_66 to %scan3A_68 step %scan3A_69 iter_args(%scan3A_74 = %scan3A_65) -> (i32)  : i32 {
        %broadcast_in_dim3A_75 = vector.broadcast %scan3A_73 : i32 to vector<16xi32>
        %gather3A = tpu.vector_load_idx %arg5[%broadcast_in_dim3A_75] : memref<128xi32, #tpu.memory_space<vmem>>[vector<16xi32>], vector<16xi32>,
        %sub3A = arith.constant 5000 : i32
        %sub3A_76 = vector.broadcast %sub3A : i32 to vector<16xi32>
        %sub3A_77 = arith.subi %gather3A, %sub3A_76 : vector<16xi32>
        %ge3A = arith.constant 0 : i32
        %ge3A_78 = vector.broadcast %ge3A : i32 to vector<16xi32>
        %ge3A_79 = arith.cmpi sge, %sub3A_77, %ge3A_78 : vector<16xi32>
        %lt3A_80 = arith.constant 5000 : i32
        %lt3A_81 = vector.broadcast %lt3A_80 : i32 to vector<16xi32>
        %lt3A_82 = arith.cmpi slt, %sub3A_77, %lt3A_81 : vector<16xi32>
        %and3A = arith.andi %ge3A_79, %lt3A_82 : vector<16xi1>
        %jit3A_83 = arith.constant 5000 : i32
        %broadcast_in_dim3A_84 = vector.broadcast %jit3A_83 : i32 to vector<16xi32>
        %select_n3A_85 = arith.select %and3A, %sub3A_77, %broadcast_in_dim3A_84 : vector<16xi1>, vector<16xi32>
        %mul3A_86 = arith.constant 16 : i32
        %mul3A_87 = vector.broadcast %mul3A_86 : i32 to vector<16xi32>
        %mul3A_88 = arith.muli %select_n3A_85, %mul3A_87 : vector<16xi32>
        %add3A_89 = arith.addi %mul3A_88, %iota3A : vector<16xi32>
        %gather3A_90 = tpu.vector_load_idx %arg7[%add3A_89] : memref<80016xf32, #tpu.memory_space<vmem>>[vector<16xi32>], vector<16xf32>,
        %get3A = arith.index_cast %scan3A_73 : i32 to index
        %get3A_91 = arith.constant 0 : index
        %get3A_92 = tpu.vector_load %arg6[%get3A, %get3A_91] {strides = array<i32>} : memref<128x16xf32, #tpu.memory_space<vmem>>, vector<16xf32>,
        %add3A_93 = arith.addf %gather3A_90, %get3A_92 : vector<16xf32>
        tpu.vector_store_idx %arg7[%add3A_89], %add3A_93 : memref<80016xf32, #tpu.memory_space<vmem>>[vector<16xi32>], vector<16xf32>,
        %scan3A_94 = arith.constant 0 : i32
        scf.yield %scan3A_94 : i32
      }
      %scan3A_71 = arith.constant 128 : i32
      %while3A_72 = arith.constant 0 : i32
      scf.yield %while3A_72 : i32
    }
    %mul3A_50 = arith.constant 2 : i32
    %mul3A_51 = arith.muli %add3A, %mul3A_50 : i32
    %add3A_52 = arith.constant 1 : i32
    %add3A_53 = arith.addi %mul3A_51, %add3A_52 : i32
    %mul3A_54 = arith.constant 5000 : i32
    %mul3A_55 = arith.muli %add3A_53, %mul3A_54 : i32
    %mul3A_56 = arith.constant 16 : i32
    %mul3A_57 = arith.muli %mul3A_55, %mul3A_56 : i32
    "tpu.region"() ({
      %run_scoped3A = tpu.sem_alloc : memref<!tpu.dma_semaphore, #tpu.memory_space<semaphore_mem>>
      %dma_start3A = arith.constant 0 : i32
      %dma_start3A_58 = tpu.memref_slice %arg7[%dma_start3A] : memref<80016xf32, #tpu.memory_space<vmem>> -> memref<80000xf32, #tpu.memory_space<vmem>>
      %dma_start3A_59 = tpu.memref_slice %arg4[%mul3A_57] : memref<5120000xf32, #tpu.memory_space<hbm>> -> memref<80000xf32, #tpu.memory_space<hbm>>
      %dma_start3A_60 = tpu.memref_slice %arg4[%mul3A_57] : memref<5120000xf32, #tpu.memory_space<hbm>> -> memref<80000xf32, #tpu.memory_space<hbm>>
      %dma_start3A_61 = arith.constant 0 : i32
      %dma_start3A_62 = tpu.memref_slice %arg7[%dma_start3A_61] : memref<80016xf32, #tpu.memory_space<vmem>> -> memref<80000xf32, #tpu.memory_space<vmem>>
      tpu.enqueue_dma source(%dma_start3A_62 : memref<80000xf32, #tpu.memory_space<vmem>>) target(%dma_start3A_60 : memref<80000xf32, #tpu.memory_space<hbm>>) target_semaphore(%run_scoped3A : memref<!tpu.dma_semaphore, #tpu.memory_space<semaphore_mem>>)
      %dma_wait3A = arith.constant 0 : i32
      %dma_wait3A_63 = tpu.memref_slice %arg7[%dma_wait3A] : memref<80016xf32, #tpu.memory_space<vmem>> -> memref<80000xf32, #tpu.memory_space<vmem>>
      %dma_wait3A_64 = tpu.memref_slice %arg4[%mul3A_57] : memref<5120000xf32, #tpu.memory_space<hbm>> -> memref<80000xf32, #tpu.memory_space<hbm>>
      %dma_wait3A_65 = tpu.memref_slice %arg4[%mul3A_57] : memref<5120000xf32, #tpu.memory_space<hbm>> -> memref<80000xf32, #tpu.memory_space<hbm>>
      %dma_wait3A_66 = arith.constant 0 : i32
      %dma_wait3A_67 = tpu.memref_slice %arg7[%dma_wait3A_66] : memref<80016xf32, #tpu.memory_space<vmem>> -> memref<80000xf32, #tpu.memory_space<vmem>>
      tpu.wait_dma2 semaphore(%run_scoped3A : memref<!tpu.dma_semaphore, #tpu.memory_space<semaphore_mem>>) src(%dma_wait3A_67 : memref<80000xf32, #tpu.memory_space<vmem>>) dst(%dma_wait3A_65 : memref<80000xf32, #tpu.memory_space<hbm>>)
      tpu.yield
    }) : () -> ()
    return
  }
}

module attributes {stable_mosaic.version = 14 : i64} {
  func.func @_e0_body(%arg0: i32, %arg1: memref<2000x16xf32, #tpu.memory_space<vmem>>, %arg2: memref<16x128xf32, #tpu.memory_space<vmem>>, %arg3: memref<2000x128xf32, #tpu.memory_space<vmem>>) attributes {dimension_semantics = [#tpu.dimension_semantics<arbitrary>], iteration_bounds = array<i64: 160>, scalar_prefetch = 0 : i64, scratch_operands = 0 : i64, tpu.core_type = #tpu.core_type<tc>, window_params = [{transform_indices = @transform_0, window_bounds = array<i64: 2000, 16>}, {pipeline_mode = #tpu.pipeline_mode<synchronous>, transform_indices = @transform_1, window_bounds = array<i64: 16, 128>}, {transform_indices = @transform_2, window_bounds = array<i64: 2000, 128>}]} {
    %get3A = arith.constant 0 : index
    %get3A_0 = arith.constant 0 : index
    %get3A_1 = vector.load %arg1[%get3A, %get3A_0] : memref<2000x16xf32, #tpu.memory_space<vmem>>, vector<2000x16xf32>
    %get3A_2 = arith.constant 0 : index
    %get3A_3 = arith.constant 0 : index
    %get3A_4 = vector.load %arg2[%get3A_2, %get3A_3] : memref<16x128xf32, #tpu.memory_space<vmem>>, vector<16x128xf32>
    %dot_general3A = arith.constant dense<0.000000e+00> : vector<2000x128xf32>
    %dot_general3A_5 = tpu.matmul %get3A_1, %get3A_4, %dot_general3A {dimension_numbers = #tpu.dot_dimension_numbers<[1], [0], [0], [1], [0, 0, 1, 1], [], []>, transpose_lhs_hint = false} : vector<2000x16xf32>, vector<16x128xf32>, vector<2000x128xf32> -> vector<2000x128xf32>
    %swap3A = arith.constant 0 : index
    %swap3A_6 = arith.constant 0 : index
    %swap3A_7 = vector.load %arg3[%swap3A, %swap3A_6] : memref<2000x128xf32, #tpu.memory_space<vmem>>, vector<2000x128xf32>
    tpu.vector_store %arg3[%swap3A, %swap3A_6], %dot_general3A_5 {strides = array<i32>} : memref<2000x128xf32, #tpu.memory_space<vmem>>, vector<2000x128xf32>,
    return
  }
  func.func @transform_0(%arg0: i32) -> (i32, i32) {
    %c0_i32 = arith.constant 0 : i32
    %c0_i32_0 = arith.constant 0 : i32
    return %arg0, %c0_i32 : i32, i32
  }
  func.func @transform_1(%arg0: i32) -> (i32, i32) {
    %c0_i32 = arith.constant 0 : i32
    %c0_i32_0 = arith.constant 0 : i32
    %c0_i32_1 = arith.constant 0 : i32
    return %c0_i32, %c0_i32_0 : i32, i32
  }
  func.func @transform_2(%arg0: i32) -> (i32, i32) {
    %c0_i32 = arith.constant 0 : i32
    %c0_i32_0 = arith.constant 0 : i32
    return %arg0, %c0_i32 : i32, i32
  }
}

module attributes {stable_mosaic.version = 14 : i64} {
  func.func @_xlxr_body(%arg0: i32, %arg1: memref<1000x128xf32, #tpu.memory_space<vmem>>, %arg2: memref<128x128xf32, #tpu.memory_space<vmem>>, %arg3: memref<1x128xf32, #tpu.memory_space<vmem>>, %arg4: memref<128x128xf32, #tpu.memory_space<vmem>>, %arg5: memref<1x128xf32, #tpu.memory_space<vmem>>, %arg6: memref<1000x128xf32, #tpu.memory_space<vmem>>, %arg7: memref<1000x128xf32, #tpu.memory_space<vmem>>) attributes {dimension_semantics = [#tpu.dimension_semantics<arbitrary>], iteration_bounds = array<i64: 10>, scalar_prefetch = 0 : i64, scratch_operands = 0 : i64, tpu.core_type = #tpu.core_type<tc>, window_params = [{transform_indices = @transform_0, window_bounds = array<i64: 1000, 128>}, {pipeline_mode = #tpu.pipeline_mode<synchronous>, transform_indices = @transform_1, window_bounds = array<i64: 128, 128>}, {pipeline_mode = #tpu.pipeline_mode<synchronous>, transform_indices = @transform_2, window_bounds = array<i64: 1, 128>}, {pipeline_mode = #tpu.pipeline_mode<synchronous>, transform_indices = @transform_3, window_bounds = array<i64: 128, 128>}, {pipeline_mode = #tpu.pipeline_mode<synchronous>, transform_indices = @transform_4, window_bounds = array<i64: 1, 128>}, {transform_indices = @transform_5, window_bounds = array<i64: 1000, 128>}, {transform_indices = @transform_6, window_bounds = array<i64: 1000, 128>}]} {
    %get3A = arith.constant 0 : index
    %get3A_0 = arith.constant 0 : index
    %get3A_1 = vector.load %arg1[%get3A, %get3A_0] : memref<1000x128xf32, #tpu.memory_space<vmem>>, vector<1000x128xf32>
    %get3A_2 = arith.constant 0 : index
    %get3A_3 = arith.constant 0 : index
    %get3A_4 = vector.load %arg2[%get3A_2, %get3A_3] : memref<128x128xf32, #tpu.memory_space<vmem>>, vector<128x128xf32>
    %dot_general3A = arith.constant dense<0.000000e+00> : vector<1000x128xf32>
    %dot_general3A_5 = tpu.matmul %get3A_1, %get3A_4, %dot_general3A {dimension_numbers = #tpu.dot_dimension_numbers<[1], [0], [0], [1], [0, 0, 1, 1], [], []>, transpose_lhs_hint = false} : vector<1000x128xf32>, vector<128x128xf32>, vector<1000x128xf32> -> vector<1000x128xf32>
    %get3A_6 = arith.constant 0 : index
    %get3A_7 = arith.constant 0 : index
    %get3A_8 = vector.load %arg3[%get3A_6, %get3A_7] : memref<1x128xf32, #tpu.memory_space<vmem>>, vector<1x128xf32>
    %add3A = vector.broadcast %get3A_8 : vector<1x128xf32> to vector<1000x128xf32>
    %add3A_9 = arith.addf %dot_general3A_5, %add3A : vector<1000x128xf32>
    %swap3A = arith.constant 0 : index
    %swap3A_10 = arith.constant 0 : index
    %swap3A_11 = vector.load %arg6[%swap3A, %swap3A_10] : memref<1000x128xf32, #tpu.memory_space<vmem>>, vector<1000x128xf32>
    tpu.vector_store %arg6[%swap3A, %swap3A_10], %add3A_9 {strides = array<i32>} : memref<1000x128xf32, #tpu.memory_space<vmem>>, vector<1000x128xf32>,
    %get3A_12 = arith.constant 0 : index
    %get3A_13 = arith.constant 0 : index
    %get3A_14 = vector.load %arg4[%get3A_12, %get3A_13] : memref<128x128xf32, #tpu.memory_space<vmem>>, vector<128x128xf32>
    %dot_general3A_15 = arith.constant dense<0.000000e+00> : vector<1000x128xf32>
    %dot_general3A_16 = tpu.matmul %get3A_1, %get3A_14, %dot_general3A_15 {dimension_numbers = #tpu.dot_dimension_numbers<[1], [0], [0], [1], [0, 0, 1, 1], [], []>, transpose_lhs_hint = false} : vector<1000x128xf32>, vector<128x128xf32>, vector<1000x128xf32> -> vector<1000x128xf32>
    %get3A_17 = arith.constant 0 : index
    %get3A_18 = arith.constant 0 : index
    %get3A_19 = vector.load %arg5[%get3A_17, %get3A_18] : memref<1x128xf32, #tpu.memory_space<vmem>>, vector<1x128xf32>
    %add3A_20 = vector.broadcast %get3A_19 : vector<1x128xf32> to vector<1000x128xf32>
    %add3A_21 = arith.addf %dot_general3A_16, %add3A_20 : vector<1000x128xf32>
    %swap3A_22 = arith.constant 0 : index
    %swap3A_23 = arith.constant 0 : index
    %swap3A_24 = vector.load %arg7[%swap3A_22, %swap3A_23] : memref<1000x128xf32, #tpu.memory_space<vmem>>, vector<1000x128xf32>
    tpu.vector_store %arg7[%swap3A_22, %swap3A_23], %add3A_21 {strides = array<i32>} : memref<1000x128xf32, #tpu.memory_space<vmem>>, vector<1000x128xf32>,
    return
  }
  func.func @transform_0(%arg0: i32) -> (i32, i32) {
    %c0_i32 = arith.constant 0 : i32
    %c0_i32_0 = arith.constant 0 : i32
    return %arg0, %c0_i32 : i32, i32
  }
  func.func @transform_1(%arg0: i32) -> (i32, i32) {
    %c0_i32 = arith.constant 0 : i32
    %c0_i32_0 = arith.constant 0 : i32
    %c0_i32_1 = arith.constant 0 : i32
    return %c0_i32, %c0_i32_0 : i32, i32
  }
  func.func @transform_2(%arg0: i32) -> (i32, i32) {
    %c0_i32 = arith.constant 0 : i32
    %c0_i32_0 = arith.constant 0 : i32
    %c0_i32_1 = arith.constant 0 : i32
    return %c0_i32, %c0_i32_0 : i32, i32
  }
  func.func @transform_3(%arg0: i32) -> (i32, i32) {
    %c0_i32 = arith.constant 0 : i32
    %c0_i32_0 = arith.constant 0 : i32
    %c0_i32_1 = arith.constant 0 : i32
    return %c0_i32, %c0_i32_0 : i32, i32
  }
  func.func @transform_4(%arg0: i32) -> (i32, i32) {
    %c0_i32 = arith.constant 0 : i32
    %c0_i32_0 = arith.constant 0 : i32
    %c0_i32_1 = arith.constant 0 : i32
    return %c0_i32, %c0_i32_0 : i32, i32
  }
  func.func @transform_5(%arg0: i32) -> (i32, i32) {
    %c0_i32 = arith.constant 0 : i32
    %c0_i32_0 = arith.constant 0 : i32
    return %arg0, %c0_i32 : i32, i32
  }
  func.func @transform_6(%arg0: i32) -> (i32, i32) {
    %c0_i32 = arith.constant 0 : i32
    %c0_i32_0 = arith.constant 0 : i32
    return %arg0, %c0_i32 : i32, i32
  }
}

module attributes {stable_mosaic.version = 14 : i64} {
  func.func @_merge_body(%arg0: memref<128x10000xf32, #tpu.memory_space<vmem>>, %arg1: memref<128x128xf32, #tpu.memory_space<vmem>>, %arg2: memref<128x1xf32, #tpu.memory_space<vmem>>, %arg3: memref<128x128xf32, #tpu.memory_space<vmem>>, %arg4: memref<128x1xf32, #tpu.memory_space<vmem>>, %arg5: memref<32x16x10000xf32, #tpu.memory_space<vmem>>, %arg6: memref<32x10000xf32, #tpu.memory_space<vmem>>, %arg7: memref<32x10000xf32, #tpu.memory_space<vmem>>, %arg8: memref<128x16xf32, #tpu.memory_space<vmem>>, %arg9: memref<128x1xf32, #tpu.memory_space<vmem>>, %arg10: memref<1x10000xf32, #tpu.memory_space<vmem>>, %arg11: memref<1x10000xf32, #tpu.memory_space<vmem>>) attributes {dimension_semantics = [], scalar_prefetch = 0 : i64, scratch_operands = 0 : i64, tpu.core_type = #tpu.core_type<tc>} {
    %get3A = arith.constant 0 : index
    %get3A_0 = arith.constant 0 : index
    %get3A_1 = vector.load %arg0[%get3A, %get3A_0] : memref<128x10000xf32, #tpu.memory_space<vmem>>, vector<128x10000xf32>
    %get3A_2 = arith.constant 0 : index
    %get3A_3 = arith.constant 0 : index
    %get3A_4 = vector.load %arg1[%get3A_2, %get3A_3] : memref<128x128xf32, #tpu.memory_space<vmem>>, vector<128x128xf32>
    %dot_general3A = arith.constant dense<0.000000e+00> : vector<128x10000xf32>
    %dot_general3A_5 = tpu.matmul %get3A_4, %get3A_1, %dot_general3A {dimension_numbers = #tpu.dot_dimension_numbers<[1], [0], [0], [1], [0, 0, 1, 1], [], []>, transpose_lhs_hint = false} : vector<128x128xf32>, vector<128x10000xf32>, vector<128x10000xf32> -> vector<128x10000xf32>
    %get3A_6 = arith.constant 0 : index
    %get3A_7 = arith.constant 0 : index
    %get3A_8 = vector.load %arg2[%get3A_6, %get3A_7] : memref<128x1xf32, #tpu.memory_space<vmem>>, vector<128x1xf32>
    %add3A = vector.broadcast %get3A_8 : vector<128x1xf32> to vector<128x10000xf32>
    %add3A_9 = arith.addf %dot_general3A_5, %add3A : vector<128x10000xf32>
    %get3A_10 = arith.constant 0 : index
    %get3A_11 = arith.constant 0 : index
    %get3A_12 = vector.load %arg3[%get3A_10, %get3A_11] : memref<128x128xf32, #tpu.memory_space<vmem>>, vector<128x128xf32>
    %dot_general3A_13 = arith.constant dense<0.000000e+00> : vector<128x10000xf32>
    %dot_general3A_14 = tpu.matmul %get3A_12, %get3A_1, %dot_general3A_13 {dimension_numbers = #tpu.dot_dimension_numbers<[1], [0], [0], [1], [0, 0, 1, 1], [], []>, transpose_lhs_hint = false} : vector<128x128xf32>, vector<128x10000xf32>, vector<128x10000xf32> -> vector<128x10000xf32>
    %get3A_15 = arith.constant 0 : index
    %get3A_16 = arith.constant 0 : index
    %get3A_17 = vector.load %arg4[%get3A_15, %get3A_16] : memref<128x1xf32, #tpu.memory_space<vmem>>, vector<128x1xf32>
    %add3A_18 = vector.broadcast %get3A_17 : vector<128x1xf32> to vector<128x10000xf32>
    %add3A_19 = arith.addf %dot_general3A_14, %add3A_18 : vector<128x10000xf32>
    %get3A_20 = arith.constant 0 : index
    %get3A_21 = arith.constant 0 : index
    %get3A_22 = vector.load %arg6[%get3A_20, %get3A_21] : memref<32x10000xf32, #tpu.memory_space<vmem>>, vector<32x10000xf32>
    %reduce_sum3A = arith.constant dense<0.000000e+00> : vector<10000xf32>
    %reduce_sum3A_23 = vector.multi_reduction <add>, %get3A_22, %reduce_sum3A [0] : vector<32x10000xf32> to vector<10000xf32>
    %broadcast_in_dim3A = vector.shape_cast %reduce_sum3A_23 : vector<10000xf32> to vector<1x10000xf32>
    %max3A = arith.constant 1.000000e+00 : f32
    %max3A_24 = vector.broadcast %max3A : f32 to vector<1x10000xf32>
    %max3A_25 = arith.maximumf %broadcast_in_dim3A, %max3A_24 : vector<1x10000xf32>
    %div3A = arith.constant 1.000000e+00 : f32
    %div3A_26 = vector.broadcast %div3A : f32 to vector<1x10000xf32>
    %div3A_27 = arith.divf %div3A_26, %max3A_25 : vector<1x10000xf32>
    %get3A_28 = arith.constant 0 : index
    %get3A_29 = arith.constant 0 : index
    %get3A_30 = arith.constant 0 : index
    %get3A_31 = vector.load %arg5[%get3A_28, %get3A_29, %get3A_30] : memref<32x16x10000xf32, #tpu.memory_space<vmem>>, vector<32x16x10000xf32>
    %reduce_sum3A_32 = arith.constant dense<0.000000e+00> : vector<16x10000xf32>
    %reduce_sum3A_33 = vector.multi_reduction <add>, %get3A_31, %reduce_sum3A_32 [0] : vector<32x16x10000xf32> to vector<16x10000xf32>
    %mul3A = vector.broadcast %div3A_27 : vector<1x10000xf32> to vector<16x10000xf32>
    %mul3A_34 = arith.mulf %reduce_sum3A_33, %mul3A : vector<16x10000xf32>
    %add3A_35 = arith.addf %add3A_9, %add3A_19 : vector<128x10000xf32>
    %get3A_36 = arith.constant 0 : index
    %get3A_37 = arith.constant 0 : index
    %get3A_38 = vector.load %arg8[%get3A_36, %get3A_37] : memref<128x16xf32, #tpu.memory_space<vmem>>, vector<128x16xf32>
    %dot_general3A_39 = arith.constant dense<0.000000e+00> : vector<128x10000xf32>
    %dot_general3A_40 = tpu.matmul %get3A_38, %mul3A_34, %dot_general3A_39 {dimension_numbers = #tpu.dot_dimension_numbers<[1], [0], [0], [1], [0, 0, 1, 1], [], []>, transpose_lhs_hint = false} : vector<128x16xf32>, vector<16x10000xf32>, vector<128x10000xf32> -> vector<128x10000xf32>
    %add3A_41 = arith.addf %add3A_35, %dot_general3A_40 : vector<128x10000xf32>
    %mul3A_42 = arith.constant 2.000000e-01 : f32
    %mul3A_43 = vector.broadcast %mul3A_42 : f32 to vector<128x10000xf32>
    %mul3A_44 = arith.mulf %mul3A_43, %add3A_41 : vector<128x10000xf32>
    %max3A_45 = arith.maximumf %add3A_41, %mul3A_44 : vector<128x10000xf32>
    %get3A_46 = arith.constant 0 : index
    %get3A_47 = arith.constant 0 : index
    %get3A_48 = vector.load %arg9[%get3A_46, %get3A_47] : memref<128x1xf32, #tpu.memory_space<vmem>>, vector<128x1xf32>
    %mul3A_49 = vector.broadcast %get3A_48 : vector<128x1xf32> to vector<128x10000xf32>
    %mul3A_50 = arith.mulf %max3A_45, %mul3A_49 : vector<128x10000xf32>
    %reduce_sum3A_51 = arith.constant dense<0.000000e+00> : vector<10000xf32>
    %reduce_sum3A_52 = vector.multi_reduction <add>, %mul3A_50, %reduce_sum3A_51 [0] : vector<128x10000xf32> to vector<10000xf32>
    %broadcast_in_dim3A_53 = vector.shape_cast %reduce_sum3A_52 : vector<10000xf32> to vector<1x10000xf32>
    %exp3A = math.exp %broadcast_in_dim3A_53 : vector<1x10000xf32>
    %get3A_54 = arith.constant 0 : index
    %get3A_55 = arith.constant 0 : index
    %get3A_56 = vector.load %arg7[%get3A_54, %get3A_55] : memref<32x10000xf32, #tpu.memory_space<vmem>>, vector<32x10000xf32>
    %reduce_sum3A_57 = arith.constant dense<0.000000e+00> : vector<10000xf32>
    %reduce_sum3A_58 = vector.multi_reduction <add>, %get3A_56, %reduce_sum3A_57 [0] : vector<32x10000xf32> to vector<10000xf32>
    %broadcast_in_dim3A_59 = vector.shape_cast %reduce_sum3A_58 : vector<10000xf32> to vector<1x10000xf32>
    %add3A_60 = arith.addf %broadcast_in_dim3A_59, %exp3A : vector<1x10000xf32>
    %div3A_61 = arith.constant 1.000000e+00 : f32
    %div3A_62 = vector.broadcast %div3A_61 : f32 to vector<1x10000xf32>
    %div3A_63 = arith.divf %div3A_62, %add3A_60 : vector<1x10000xf32>
    %swap3A = arith.constant 0 : index
    %swap3A_64 = arith.constant 0 : index
    %swap3A_65 = vector.load %arg10[%swap3A, %swap3A_64] : memref<1x10000xf32, #tpu.memory_space<vmem>>, vector<1x10000xf32>
    tpu.vector_store %arg10[%swap3A, %swap3A_64], %div3A_63 {strides = array<i32>} : memref<1x10000xf32, #tpu.memory_space<vmem>>, vector<1x10000xf32>,
    %mul3A_66 = arith.mulf %exp3A, %div3A_63 : vector<1x10000xf32>
    %swap3A_67 = arith.constant 0 : index
    %swap3A_68 = arith.constant 0 : index
    %swap3A_69 = vector.load %arg11[%swap3A_67, %swap3A_68] : memref<1x10000xf32, #tpu.memory_space<vmem>>, vector<1x10000xf32>
    tpu.vector_store %arg11[%swap3A_67, %swap3A_68], %mul3A_66 {strides = array<i32>} : memref<1x10000xf32, #tpu.memory_space<vmem>>, vector<1x10000xf32>,
    return
  }
}

module attributes {stable_mosaic.version = 14 : i64} {
  func.func @_tail_body(%arg0: memref<64x10000xf32, #tpu.memory_space<vmem>>, %arg1: memref<1x10000xf32, #tpu.memory_space<vmem>>, %arg2: memref<1x10000xi32, #tpu.memory_space<vmem>>, %arg3: memref<10000x128xf32, #tpu.memory_space<vmem>>, %arg4: memref<1x128xf32, #tpu.memory_space<vmem>>, %arg5: memref<128x128xf32, #tpu.memory_space<vmem>>, %arg6: memref<1x128xf32, #tpu.memory_space<vmem>>, %arg7: memref<1x128xf32, #tpu.memory_space<vmem>>, %arg8: memref<1x128xf32, #tpu.memory_space<vmem>>, %arg9: memref<3x512x128xf32, #tpu.memory_space<vmem>>, %arg10: memref<128x256xf32, #tpu.memory_space<vmem>>, %arg11: memref<1x256xf32, #tpu.memory_space<vmem>>, %arg12: memref<3x64x256xf32, #tpu.memory_space<vmem>>, %arg13: memref<3x64xi32, #tpu.memory_space<vmem>>, %arg14: memref<3x1xf32, #tpu.memory_space<vmem>>) attributes {dimension_semantics = [], scalar_prefetch = 0 : i64, scratch_operands = 0 : i64, tpu.core_type = #tpu.core_type<tc>} {
    %iota3A = tpu.iota {dimensions = array<i32: 0>} : vector<64x10000xi32>
    %get3A = arith.constant 0 : index
    %get3A_0 = arith.constant 0 : index
    %get3A_1 = vector.load %arg2[%get3A, %get3A_0] : memref<1x10000xi32, #tpu.memory_space<vmem>>, vector<1x10000xi32>
    %eq3A = vector.broadcast %get3A_1 : vector<1x10000xi32> to vector<64x10000xi32>
    %eq3A_2 = arith.cmpi eq, %iota3A, %eq3A : vector<64x10000xi32>
    %convert_element_type3A = arith.extui %eq3A_2 : vector<64x10000xi1> to vector<64x10000xi32>
    %convert_element_type3A_3 = arith.sitofp %convert_element_type3A : vector<64x10000xi32> to vector<64x10000xf32>
    %get3A_4 = arith.constant 0 : index
    %get3A_5 = arith.constant 0 : index
    %get3A_6 = vector.load %arg0[%get3A_4, %get3A_5] : memref<64x10000xf32, #tpu.memory_space<vmem>>, vector<64x10000xf32>
    %get3A_7 = arith.constant 0 : index
    %get3A_8 = arith.constant 0 : index
    %get3A_9 = vector.load %arg1[%get3A_7, %get3A_8] : memref<1x10000xf32, #tpu.memory_space<vmem>>, vector<1x10000xf32>
    %mul3A = vector.broadcast %get3A_9 : vector<1x10000xf32> to vector<64x10000xf32>
    %mul3A_10 = arith.mulf %convert_element_type3A_3, %mul3A : vector<64x10000xf32>
    %add3A = arith.addf %get3A_6, %mul3A_10 : vector<64x10000xf32>
    %reduce_sum3A = arith.constant dense<0.000000e+00> : vector<64xf32>
    %reduce_sum3A_11 = vector.multi_reduction <add>, %convert_element_type3A_3, %reduce_sum3A [1] : vector<64x10000xf32> to vector<64xf32>
    %broadcast_in_dim3A = vector.shape_cast %reduce_sum3A_11 : vector<64xf32> to vector<64x1xf32>
    %get3A_12 = arith.constant 0 : index
    %get3A_13 = arith.constant 0 : index
    %get3A_14 = vector.load %arg3[%get3A_12, %get3A_13] : memref<10000x128xf32, #tpu.memory_space<vmem>>, vector<10000x128xf32>
    %dot_general3A = arith.constant dense<0.000000e+00> : vector<64x128xf32>
    %dot_general3A_15 = tpu.matmul %add3A, %get3A_14, %dot_general3A {dimension_numbers = #tpu.dot_dimension_numbers<[1], [0], [0], [1], [0, 0, 1, 1], [], []>, transpose_lhs_hint = false} : vector<64x10000xf32>, vector<10000x128xf32>, vector<64x128xf32> -> vector<64x128xf32>
    %max3A = arith.constant 1.000000e+00 : f32
    %max3A_16 = vector.broadcast %max3A : f32 to vector<64x1xf32>
    %max3A_17 = arith.maximumf %broadcast_in_dim3A, %max3A_16 : vector<64x1xf32>
    %div3A = arith.constant 1.000000e+00 : f32
    %div3A_18 = vector.broadcast %div3A : f32 to vector<64x1xf32>
    %div3A_19 = arith.divf %div3A_18, %max3A_17 : vector<64x1xf32>
    %mul3A_20 = vector.broadcast %div3A_19 : vector<64x1xf32> to vector<64x128xf32>
    %mul3A_21 = arith.mulf %dot_general3A_15, %mul3A_20 : vector<64x128xf32>
    %get3A_22 = arith.constant 0 : index
    %get3A_23 = arith.constant 0 : index
    %get3A_24 = vector.load %arg4[%get3A_22, %get3A_23] : memref<1x128xf32, #tpu.memory_space<vmem>>, vector<1x128xf32>
    %add3A_25 = vector.broadcast %get3A_24 : vector<1x128xf32> to vector<64x128xf32>
    %add3A_26 = arith.addf %mul3A_21, %add3A_25 : vector<64x128xf32>
    %get3A_27 = arith.constant 0 : index
    %get3A_28 = arith.constant 0 : index
    %get3A_29 = vector.load %arg5[%get3A_27, %get3A_28] : memref<128x128xf32, #tpu.memory_space<vmem>>, vector<128x128xf32>
    %dot_general3A_30 = arith.constant dense<0.000000e+00> : vector<64x128xf32>
    %dot_general3A_31 = tpu.matmul %add3A_26, %get3A_29, %dot_general3A_30 {dimension_numbers = #tpu.dot_dimension_numbers<[1], [0], [0], [1], [0, 0, 1, 1], [], []>, transpose_lhs_hint = false} : vector<64x128xf32>, vector<128x128xf32>, vector<64x128xf32> -> vector<64x128xf32>
    %get3A_32 = arith.constant 0 : index
    %get3A_33 = arith.constant 0 : index
    %get3A_34 = vector.load %arg6[%get3A_32, %get3A_33] : memref<1x128xf32, #tpu.memory_space<vmem>>, vector<1x128xf32>
    %add3A_35 = vector.broadcast %get3A_34 : vector<1x128xf32> to vector<64x128xf32>
    %add3A_36 = arith.addf %dot_general3A_31, %add3A_35 : vector<64x128xf32>
    %reduce_sum3A_37 = arith.constant dense<0.000000e+00> : vector<64xf32>
    %reduce_sum3A_38 = vector.multi_reduction <add>, %add3A_36, %reduce_sum3A_37 [1] : vector<64x128xf32> to vector<64xf32>
    %broadcast_in_dim3A_39 = vector.shape_cast %reduce_sum3A_38 : vector<64xf32> to vector<64x1xf32>
    %div3A_40 = arith.constant 1.280000e+02 : f32
    %div3A_41 = vector.broadcast %div3A_40 : f32 to vector<64x1xf32>
    %div3A_42 = arith.divf %broadcast_in_dim3A_39, %div3A_41 : vector<64x1xf32>
    %sub3A = vector.broadcast %div3A_42 : vector<64x1xf32> to vector<64x128xf32>
    %sub3A_43 = arith.subf %add3A_36, %sub3A : vector<64x128xf32>
    %integer_pow3A = arith.mulf %sub3A_43, %sub3A_43 : vector<64x128xf32>
    %reduce_sum3A_44 = arith.constant dense<0.000000e+00> : vector<64xf32>
    %reduce_sum3A_45 = vector.multi_reduction <add>, %integer_pow3A, %reduce_sum3A_44 [1] : vector<64x128xf32> to vector<64xf32>
    %broadcast_in_dim3A_46 = vector.shape_cast %reduce_sum3A_45 : vector<64xf32> to vector<64x1xf32>
    %div3A_47 = arith.constant 1.280000e+02 : f32
    %div3A_48 = vector.broadcast %div3A_47 : f32 to vector<64x1xf32>
    %div3A_49 = arith.divf %broadcast_in_dim3A_46, %div3A_48 : vector<64x1xf32>
    %sub3A_50 = vector.broadcast %div3A_42 : vector<64x1xf32> to vector<64x128xf32>
    %sub3A_51 = arith.subf %add3A_36, %sub3A_50 : vector<64x128xf32>
    %add3A_52 = arith.constant 9.99999974E-6 : f32
    %add3A_53 = vector.broadcast %add3A_52 : f32 to vector<64x1xf32>
    %add3A_54 = arith.addf %div3A_49, %add3A_53 : vector<64x1xf32>
    %sqrt3A = math.sqrt %add3A_54 : vector<64x1xf32>
    %div3A_55 = vector.broadcast %sqrt3A : vector<64x1xf32> to vector<64x128xf32>
    %div3A_56 = arith.divf %sub3A_51, %div3A_55 : vector<64x128xf32>
    %get3A_57 = arith.constant 0 : index
    %get3A_58 = arith.constant 0 : index
    %get3A_59 = vector.load %arg7[%get3A_57, %get3A_58] : memref<1x128xf32, #tpu.memory_space<vmem>>, vector<1x128xf32>
    %mul3A_60 = vector.broadcast %get3A_59 : vector<1x128xf32> to vector<64x128xf32>
    %mul3A_61 = arith.mulf %div3A_56, %mul3A_60 : vector<64x128xf32>
    %get3A_62 = arith.constant 0 : index
    %get3A_63 = arith.constant 0 : index
    %get3A_64 = vector.load %arg8[%get3A_62, %get3A_63] : memref<1x128xf32, #tpu.memory_space<vmem>>, vector<1x128xf32>
    %add3A_65 = vector.broadcast %get3A_64 : vector<1x128xf32> to vector<64x128xf32>
    %add3A_66 = arith.addf %mul3A_61, %add3A_65 : vector<64x128xf32>
    %get3A_67 = arith.constant 0 : index
    %get3A_68 = arith.constant 0 : index
    %get3A_69 = arith.constant 0 : index
    %get3A_70 = vector.load %arg9[%get3A_67, %get3A_68, %get3A_69] : memref<3x512x128xf32, #tpu.memory_space<vmem>>, vector<1x512x128xf32>
    %get3A_71 = vector.shape_cast %get3A_70 : vector<1x512x128xf32> to vector<512x128xf32>
    %integer_pow3A_72 = arith.mulf %add3A_66, %add3A_66 : vector<64x128xf32>
    %reduce_sum3A_73 = arith.constant dense<0.000000e+00> : vector<64xf32>
    %reduce_sum3A_74 = vector.multi_reduction <add>, %integer_pow3A_72, %reduce_sum3A_73 [1] : vector<64x128xf32> to vector<64xf32>
    %broadcast_in_dim3A_75 = vector.shape_cast %reduce_sum3A_74 : vector<64xf32> to vector<64x1xf32>
    %transpose3A = tpu.transpose %get3A_71, [1, 0] : vector<512x128xf32> -> vector<128x512xf32>
    %dot_general3A_76 = arith.constant dense<0.000000e+00> : vector<64x512xf32>
    %dot_general3A_77 = tpu.matmul %add3A_66, %transpose3A, %dot_general3A_76 {dimension_numbers = #tpu.dot_dimension_numbers<[1], [0], [0], [1], [0, 0, 1, 1], [], []>, transpose_lhs_hint = false} : vector<64x128xf32>, vector<128x512xf32>, vector<64x512xf32> -> vector<64x512xf32>
    %mul3A_78 = arith.constant 2.000000e+00 : f32
    %mul3A_79 = vector.broadcast %mul3A_78 : f32 to vector<64x512xf32>
    %mul3A_80 = arith.mulf %mul3A_79, %dot_general3A_77 : vector<64x512xf32>
    %sub3A_81 = vector.broadcast %broadcast_in_dim3A_75 : vector<64x1xf32> to vector<64x512xf32>
    %sub3A_82 = arith.subf %sub3A_81, %mul3A_80 : vector<64x512xf32>
    %integer_pow3A_83 = arith.mulf %get3A_71, %get3A_71 : vector<512x128xf32>
    %reduce_sum3A_84 = arith.constant dense<0.000000e+00> : vector<512xf32>
    %reduce_sum3A_85 = vector.multi_reduction <add>, %integer_pow3A_83, %reduce_sum3A_84 [1] : vector<512x128xf32> to vector<512xf32>
    %broadcast_in_dim3A_86 = vector.shape_cast %reduce_sum3A_85 : vector<512xf32> to vector<1x512xf32>
    %add3A_87 = vector.broadcast %broadcast_in_dim3A_86 : vector<1x512xf32> to vector<64x512xf32>
    %add3A_88 = arith.addf %sub3A_82, %add3A_87 : vector<64x512xf32>
    %argmin3A = tpu.reduce_index %add3A_88 {axis = 1 : i32, kind = #tpu.reduction_kind<arg_min>} : vector<64x512xf32> -> vector<64xi32>
    %iota3A_89 = tpu.iota {dimensions = array<i32: 1>} : vector<64x512xi32>
    %broadcast_in_dim3A_90 = vector.shape_cast %argmin3A : vector<64xi32> to vector<64x1xi32>
    %eq3A_91 = vector.broadcast %broadcast_in_dim3A_90 : vector<64x1xi32> to vector<64x512xi32>
    %eq3A_92 = arith.cmpi eq, %iota3A_89, %eq3A_91 : vector<64x512xi32>
    %convert_element_type3A_93 = arith.extui %eq3A_92 : vector<64x512xi1> to vector<64x512xi32>
    %convert_element_type3A_94 = arith.sitofp %convert_element_type3A_93 : vector<64x512xi32> to vector<64x512xf32>
    %dot_general3A_95 = arith.constant dense<0.000000e+00> : vector<64x128xf32>
    %dot_general3A_96 = tpu.matmul %convert_element_type3A_94, %get3A_71, %dot_general3A_95 {dimension_numbers = #tpu.dot_dimension_numbers<[1], [0], [0], [1], [0, 0, 1, 1], [], []>, transpose_lhs_hint = false} : vector<64x512xf32>, vector<512x128xf32>, vector<64x128xf32> -> vector<64x128xf32>
    %sub3A_97 = arith.subf %dot_general3A_96, %add3A_66 : vector<64x128xf32>
    %integer_pow3A_98 = arith.mulf %sub3A_97, %sub3A_97 : vector<64x128xf32>
    %reduce_sum3A_99 = vector.shape_cast %integer_pow3A_98 : vector<64x128xf32> to vector<1x64x128xf32>
    %reduce_sum3A_100 = arith.constant dense<0.000000e+00> : vector<1xf32>
    %reduce_sum3A_101 = vector.multi_reduction <add>, %reduce_sum3A_99, %reduce_sum3A_100 [1, 2] : vector<1x64x128xf32> to vector<1xf32>
    %reduce_sum3A_102 = vector.shape_cast %reduce_sum3A_101 : vector<1xf32> to vector<1x1x1xf32>
    %reduce_sum3A_103 = vector.extract %reduce_sum3A_102[0, 0, 0] : f32 from vector<1x1x1xf32>
    %div3A_104 = arith.constant 8.192000e+03 : f32
    %div3A_105 = arith.divf %reduce_sum3A_103, %div3A_104 : f32
    %get3A_106 = arith.constant 0 : index
    %get3A_107 = arith.constant 0 : index
    %get3A_108 = vector.load %arg10[%get3A_106, %get3A_107] : memref<128x256xf32, #tpu.memory_space<vmem>>, vector<128x256xf32>
    %dot_general3A_109 = arith.constant dense<0.000000e+00> : vector<64x256xf32>
    %dot_general3A_110 = tpu.matmul %dot_general3A_96, %get3A_108, %dot_general3A_109 {dimension_numbers = #tpu.dot_dimension_numbers<[1], [0], [0], [1], [0, 0, 1, 1], [], []>, transpose_lhs_hint = false} : vector<64x128xf32>, vector<128x256xf32>, vector<64x256xf32> -> vector<64x256xf32>
    %get3A_111 = arith.constant 0 : index
    %get3A_112 = arith.constant 0 : index
    %get3A_113 = vector.load %arg11[%get3A_111, %get3A_112] : memref<1x256xf32, #tpu.memory_space<vmem>>, vector<1x256xf32>
    %add3A_114 = vector.broadcast %get3A_113 : vector<1x256xf32> to vector<64x256xf32>
    %add3A_115 = arith.addf %dot_general3A_110, %add3A_114 : vector<64x256xf32>
    %swap3A = arith.constant 0 : index
    %swap3A_116 = arith.constant 0 : index
    %swap3A_117 = arith.constant 0 : index
    %swap3A_118 = vector.load %arg12[%swap3A, %swap3A_116, %swap3A_117] : memref<3x64x256xf32, #tpu.memory_space<vmem>>, vector<1x64x256xf32>
    %swap3A_119 = vector.shape_cast %swap3A_118 : vector<1x64x256xf32> to vector<64x256xf32>
    %swap3A_120 = vector.shape_cast %add3A_115 : vector<64x256xf32> to vector<1x64x256xf32>
    tpu.vector_store %arg12[%swap3A, %swap3A_116, %swap3A_117], %swap3A_120 {strides = array<i32>} : memref<3x64x256xf32, #tpu.memory_space<vmem>>, vector<1x64x256xf32>,
    %reshape3A = vector.shape_cast %argmin3A : vector<64xi32> to vector<1x64xi32>
    %swap3A_121 = arith.constant 0 : index
    %swap3A_122 = arith.constant 0 : index
    %swap3A_123 = vector.load %arg13[%swap3A_121, %swap3A_122] : memref<3x64xi32, #tpu.memory_space<vmem>>, vector<1x64xi32>
    tpu.vector_store %arg13[%swap3A_121, %swap3A_122], %reshape3A {strides = array<i32>} : memref<3x64xi32, #tpu.memory_space<vmem>>, vector<1x64xi32>,
    %reshape3A_124 = vector.broadcast %div3A_105 : f32 to vector<1x1xf32>
    %swap3A_125 = arith.constant 0 : index
    %swap3A_126 = arith.constant 0 : index
    %swap3A_127 = vector.load %arg14[%swap3A_125, %swap3A_126] : memref<3x1xf32, #tpu.memory_space<vmem>>, vector<1x1xf32>
    tpu.vector_store %arg14[%swap3A_125, %swap3A_126], %reshape3A_124 {strides = array<i32>} : memref<3x1xf32, #tpu.memory_space<vmem>>, vector<1x1xf32>,
    %sub3A_128 = arith.subf %add3A_66, %dot_general3A_96 : vector<64x128xf32>
    %get3A_129 = arith.constant 1 : index
    %get3A_130 = arith.constant 0 : index
    %get3A_131 = arith.constant 0 : index
    %get3A_132 = vector.load %arg9[%get3A_129, %get3A_130, %get3A_131] : memref<3x512x128xf32, #tpu.memory_space<vmem>>, vector<1x512x128xf32>
    %get3A_133 = vector.shape_cast %get3A_132 : vector<1x512x128xf32> to vector<512x128xf32>
    %integer_pow3A_134 = arith.mulf %sub3A_128, %sub3A_128 : vector<64x128xf32>
    %reduce_sum3A_135 = arith.constant dense<0.000000e+00> : vector<64xf32>
    %reduce_sum3A_136 = vector.multi_reduction <add>, %integer_pow3A_134, %reduce_sum3A_135 [1] : vector<64x128xf32> to vector<64xf32>
    %broadcast_in_dim3A_137 = vector.shape_cast %reduce_sum3A_136 : vector<64xf32> to vector<64x1xf32>
    %transpose3A_138 = tpu.transpose %get3A_133, [1, 0] : vector<512x128xf32> -> vector<128x512xf32>
    %dot_general3A_139 = arith.constant dense<0.000000e+00> : vector<64x512xf32>
    %dot_general3A_140 = tpu.matmul %sub3A_128, %transpose3A_138, %dot_general3A_139 {dimension_numbers = #tpu.dot_dimension_numbers<[1], [0], [0], [1], [0, 0, 1, 1], [], []>, transpose_lhs_hint = false} : vector<64x128xf32>, vector<128x512xf32>, vector<64x512xf32> -> vector<64x512xf32>
    %mul3A_141 = arith.constant 2.000000e+00 : f32
    %mul3A_142 = vector.broadcast %mul3A_141 : f32 to vector<64x512xf32>
    %mul3A_143 = arith.mulf %mul3A_142, %dot_general3A_140 : vector<64x512xf32>
    %sub3A_144 = vector.broadcast %broadcast_in_dim3A_137 : vector<64x1xf32> to vector<64x512xf32>
    %sub3A_145 = arith.subf %sub3A_144, %mul3A_143 : vector<64x512xf32>
    %integer_pow3A_146 = arith.mulf %get3A_133, %get3A_133 : vector<512x128xf32>
    %reduce_sum3A_147 = arith.constant dense<0.000000e+00> : vector<512xf32>
    %reduce_sum3A_148 = vector.multi_reduction <add>, %integer_pow3A_146, %reduce_sum3A_147 [1] : vector<512x128xf32> to vector<512xf32>
    %broadcast_in_dim3A_149 = vector.shape_cast %reduce_sum3A_148 : vector<512xf32> to vector<1x512xf32>
    %add3A_150 = vector.broadcast %broadcast_in_dim3A_149 : vector<1x512xf32> to vector<64x512xf32>
    %add3A_151 = arith.addf %sub3A_145, %add3A_150 : vector<64x512xf32>
    %argmin3A_152 = tpu.reduce_index %add3A_151 {axis = 1 : i32, kind = #tpu.reduction_kind<arg_min>} : vector<64x512xf32> -> vector<64xi32>
    %iota3A_153 = tpu.iota {dimensions = array<i32: 1>} : vector<64x512xi32>
    %broadcast_in_dim3A_154 = vector.shape_cast %argmin3A_152 : vector<64xi32> to vector<64x1xi32>
    %eq3A_155 = vector.broadcast %broadcast_in_dim3A_154 : vector<64x1xi32> to vector<64x512xi32>
    %eq3A_156 = arith.cmpi eq, %iota3A_153, %eq3A_155 : vector<64x512xi32>
    %convert_element_type3A_157 = arith.extui %eq3A_156 : vector<64x512xi1> to vector<64x512xi32>
    %convert_element_type3A_158 = arith.sitofp %convert_element_type3A_157 : vector<64x512xi32> to vector<64x512xf32>
    %dot_general3A_159 = arith.constant dense<0.000000e+00> : vector<64x128xf32>
    %dot_general3A_160 = tpu.matmul %convert_element_type3A_158, %get3A_133, %dot_general3A_159 {dimension_numbers = #tpu.dot_dimension_numbers<[1], [0], [0], [1], [0, 0, 1, 1], [], []>, transpose_lhs_hint = false} : vector<64x512xf32>, vector<512x128xf32>, vector<64x128xf32> -> vector<64x128xf32>
    %sub3A_161 = arith.subf %dot_general3A_160, %sub3A_128 : vector<64x128xf32>
    %integer_pow3A_162 = arith.mulf %sub3A_161, %sub3A_161 : vector<64x128xf32>
    %reduce_sum3A_163 = vector.shape_cast %integer_pow3A_162 : vector<64x128xf32> to vector<1x64x128xf32>
    %reduce_sum3A_164 = arith.constant dense<0.000000e+00> : vector<1xf32>
    %reduce_sum3A_165 = vector.multi_reduction <add>, %reduce_sum3A_163, %reduce_sum3A_164 [1, 2] : vector<1x64x128xf32> to vector<1xf32>
    %reduce_sum3A_166 = vector.shape_cast %reduce_sum3A_165 : vector<1xf32> to vector<1x1x1xf32>
    %reduce_sum3A_167 = vector.extract %reduce_sum3A_166[0, 0, 0] : f32 from vector<1x1x1xf32>
    %div3A_168 = arith.constant 8.192000e+03 : f32
    %div3A_169 = arith.divf %reduce_sum3A_167, %div3A_168 : f32
    %get3A_170 = arith.constant 0 : index
    %get3A_171 = arith.constant 0 : index
    %get3A_172 = vector.load %arg10[%get3A_170, %get3A_171] : memref<128x256xf32, #tpu.memory_space<vmem>>, vector<128x256xf32>
    %dot_general3A_173 = arith.constant dense<0.000000e+00> : vector<64x256xf32>
    %dot_general3A_174 = tpu.matmul %dot_general3A_160, %get3A_172, %dot_general3A_173 {dimension_numbers = #tpu.dot_dimension_numbers<[1], [0], [0], [1], [0, 0, 1, 1], [], []>, transpose_lhs_hint = false} : vector<64x128xf32>, vector<128x256xf32>, vector<64x256xf32> -> vector<64x256xf32>
    %get3A_175 = arith.constant 0 : index
    %get3A_176 = arith.constant 0 : index
    %get3A_177 = vector.load %arg11[%get3A_175, %get3A_176] : memref<1x256xf32, #tpu.memory_space<vmem>>, vector<1x256xf32>
    %add3A_178 = vector.broadcast %get3A_177 : vector<1x256xf32> to vector<64x256xf32>
    %add3A_179 = arith.addf %dot_general3A_174, %add3A_178 : vector<64x256xf32>
    %swap3A_180 = arith.constant 1 : index
    %swap3A_181 = arith.constant 0 : index
    %swap3A_182 = arith.constant 0 : index
    %swap3A_183 = vector.load %arg12[%swap3A_180, %swap3A_181, %swap3A_182] : memref<3x64x256xf32, #tpu.memory_space<vmem>>, vector<1x64x256xf32>
    %swap3A_184 = vector.shape_cast %swap3A_183 : vector<1x64x256xf32> to vector<64x256xf32>
    %swap3A_185 = vector.shape_cast %add3A_179 : vector<64x256xf32> to vector<1x64x256xf32>
    tpu.vector_store %arg12[%swap3A_180, %swap3A_181, %swap3A_182], %swap3A_185 {strides = array<i32>} : memref<3x64x256xf32, #tpu.memory_space<vmem>>, vector<1x64x256xf32>,
    %reshape3A_186 = vector.shape_cast %argmin3A_152 : vector<64xi32> to vector<1x64xi32>
    %swap3A_187 = arith.constant 1 : index
    %swap3A_188 = arith.constant 0 : index
    %swap3A_189 = vector.load %arg13[%swap3A_187, %swap3A_188] : memref<3x64xi32, #tpu.memory_space<vmem>>, vector<1x64xi32>
    tpu.vector_store %arg13[%swap3A_187, %swap3A_188], %reshape3A_186 {strides = array<i32>} : memref<3x64xi32, #tpu.memory_space<vmem>>, vector<1x64xi32>,
    %reshape3A_190 = vector.broadcast %div3A_169 : f32 to vector<1x1xf32>
    %swap3A_191 = arith.constant 1 : index
    %swap3A_192 = arith.constant 0 : index
    %swap3A_193 = vector.load %arg14[%swap3A_191, %swap3A_192] : memref<3x1xf32, #tpu.memory_space<vmem>>, vector<1x1xf32>
    tpu.vector_store %arg14[%swap3A_191, %swap3A_192], %reshape3A_190 {strides = array<i32>} : memref<3x1xf32, #tpu.memory_space<vmem>>, vector<1x1xf32>,
    %sub3A_194 = arith.subf %sub3A_128, %dot_general3A_160 : vector<64x128xf32>
    %get3A_195 = arith.constant 2 : index
    %get3A_196 = arith.constant 0 : index
    %get3A_197 = arith.constant 0 : index
    %get3A_198 = vector.load %arg9[%get3A_195, %get3A_196, %get3A_197] : memref<3x512x128xf32, #tpu.memory_space<vmem>>, vector<1x512x128xf32>
    %get3A_199 = vector.shape_cast %get3A_198 : vector<1x512x128xf32> to vector<512x128xf32>
    %integer_pow3A_200 = arith.mulf %sub3A_194, %sub3A_194 : vector<64x128xf32>
    %reduce_sum3A_201 = arith.constant dense<0.000000e+00> : vector<64xf32>
    %reduce_sum3A_202 = vector.multi_reduction <add>, %integer_pow3A_200, %reduce_sum3A_201 [1] : vector<64x128xf32> to vector<64xf32>
    %broadcast_in_dim3A_203 = vector.shape_cast %reduce_sum3A_202 : vector<64xf32> to vector<64x1xf32>
    %transpose3A_204 = tpu.transpose %get3A_199, [1, 0] : vector<512x128xf32> -> vector<128x512xf32>
    %dot_general3A_205 = arith.constant dense<0.000000e+00> : vector<64x512xf32>
    %dot_general3A_206 = tpu.matmul %sub3A_194, %transpose3A_204, %dot_general3A_205 {dimension_numbers = #tpu.dot_dimension_numbers<[1], [0], [0], [1], [0, 0, 1, 1], [], []>, transpose_lhs_hint = false} : vector<64x128xf32>, vector<128x512xf32>, vector<64x512xf32> -> vector<64x512xf32>
    %mul3A_207 = arith.constant 2.000000e+00 : f32
    %mul3A_208 = vector.broadcast %mul3A_207 : f32 to vector<64x512xf32>
    %mul3A_209 = arith.mulf %mul3A_208, %dot_general3A_206 : vector<64x512xf32>
    %sub3A_210 = vector.broadcast %broadcast_in_dim3A_203 : vector<64x1xf32> to vector<64x512xf32>
    %sub3A_211 = arith.subf %sub3A_210, %mul3A_209 : vector<64x512xf32>
    %integer_pow3A_212 = arith.mulf %get3A_199, %get3A_199 : vector<512x128xf32>
    %reduce_sum3A_213 = arith.constant dense<0.000000e+00> : vector<512xf32>
    %reduce_sum3A_214 = vector.multi_reduction <add>, %integer_pow3A_212, %reduce_sum3A_213 [1] : vector<512x128xf32> to vector<512xf32>
    %broadcast_in_dim3A_215 = vector.shape_cast %reduce_sum3A_214 : vector<512xf32> to vector<1x512xf32>
    %add3A_216 = vector.broadcast %broadcast_in_dim3A_215 : vector<1x512xf32> to vector<64x512xf32>
    %add3A_217 = arith.addf %sub3A_211, %add3A_216 : vector<64x512xf32>
    %argmin3A_218 = tpu.reduce_index %add3A_217 {axis = 1 : i32, kind = #tpu.reduction_kind<arg_min>} : vector<64x512xf32> -> vector<64xi32>
    %iota3A_219 = tpu.iota {dimensions = array<i32: 1>} : vector<64x512xi32>
    %broadcast_in_dim3A_220 = vector.shape_cast %argmin3A_218 : vector<64xi32> to vector<64x1xi32>
    %eq3A_221 = vector.broadcast %broadcast_in_dim3A_220 : vector<64x1xi32> to vector<64x512xi32>
    %eq3A_222 = arith.cmpi eq, %iota3A_219, %eq3A_221 : vector<64x512xi32>
    %convert_element_type3A_223 = arith.extui %eq3A_222 : vector<64x512xi1> to vector<64x512xi32>
    %convert_element_type3A_224 = arith.sitofp %convert_element_type3A_223 : vector<64x512xi32> to vector<64x512xf32>
    %dot_general3A_225 = arith.constant dense<0.000000e+00> : vector<64x128xf32>
    %dot_general3A_226 = tpu.matmul %convert_element_type3A_224, %get3A_199, %dot_general3A_225 {dimension_numbers = #tpu.dot_dimension_numbers<[1], [0], [0], [1], [0, 0, 1, 1], [], []>, transpose_lhs_hint = false} : vector<64x512xf32>, vector<512x128xf32>, vector<64x128xf32> -> vector<64x128xf32>
    %sub3A_227 = arith.subf %dot_general3A_226, %sub3A_194 : vector<64x128xf32>
    %integer_pow3A_228 = arith.mulf %sub3A_227, %sub3A_227 : vector<64x128xf32>
    %reduce_sum3A_229 = vector.shape_cast %integer_pow3A_228 : vector<64x128xf32> to vector<1x64x128xf32>
    %reduce_sum3A_230 = arith.constant dense<0.000000e+00> : vector<1xf32>
    %reduce_sum3A_231 = vector.multi_reduction <add>, %reduce_sum3A_229, %reduce_sum3A_230 [1, 2] : vector<1x64x128xf32> to vector<1xf32>
    %reduce_sum3A_232 = vector.shape_cast %reduce_sum3A_231 : vector<1xf32> to vector<1x1x1xf32>
    %reduce_sum3A_233 = vector.extract %reduce_sum3A_232[0, 0, 0] : f32 from vector<1x1x1xf32>
    %div3A_234 = arith.constant 8.192000e+03 : f32
    %div3A_235 = arith.divf %reduce_sum3A_233, %div3A_234 : f32
    %get3A_236 = arith.constant 0 : index
    %get3A_237 = arith.constant 0 : index
    %get3A_238 = vector.load %arg10[%get3A_236, %get3A_237] : memref<128x256xf32, #tpu.memory_space<vmem>>, vector<128x256xf32>
    %dot_general3A_239 = arith.constant dense<0.000000e+00> : vector<64x256xf32>
    %dot_general3A_240 = tpu.matmul %dot_general3A_226, %get3A_238, %dot_general3A_239 {dimension_numbers = #tpu.dot_dimension_numbers<[1], [0], [0], [1], [0, 0, 1, 1], [], []>, transpose_lhs_hint = false} : vector<64x128xf32>, vector<128x256xf32>, vector<64x256xf32> -> vector<64x256xf32>
    %get3A_241 = arith.constant 0 : index
    %get3A_242 = arith.constant 0 : index
    %get3A_243 = vector.load %arg11[%get3A_241, %get3A_242] : memref<1x256xf32, #tpu.memory_space<vmem>>, vector<1x256xf32>
    %add3A_244 = vector.broadcast %get3A_243 : vector<1x256xf32> to vector<64x256xf32>
    %add3A_245 = arith.addf %dot_general3A_240, %add3A_244 : vector<64x256xf32>
    %swap3A_246 = arith.constant 2 : index
    %swap3A_247 = arith.constant 0 : index
    %swap3A_248 = arith.constant 0 : index
    %swap3A_249 = vector.load %arg12[%swap3A_246, %swap3A_247, %swap3A_248] : memref<3x64x256xf32, #tpu.memory_space<vmem>>, vector<1x64x256xf32>
    %swap3A_250 = vector.shape_cast %swap3A_249 : vector<1x64x256xf32> to vector<64x256xf32>
    %swap3A_251 = vector.shape_cast %add3A_245 : vector<64x256xf32> to vector<1x64x256xf32>
    tpu.vector_store %arg12[%swap3A_246, %swap3A_247, %swap3A_248], %swap3A_251 {strides = array<i32>} : memref<3x64x256xf32, #tpu.memory_space<vmem>>, vector<1x64x256xf32>,
    %reshape3A_252 = vector.shape_cast %argmin3A_218 : vector<64xi32> to vector<1x64xi32>
    %swap3A_253 = arith.constant 2 : index
    %swap3A_254 = arith.constant 0 : index
    %swap3A_255 = vector.load %arg13[%swap3A_253, %swap3A_254] : memref<3x64xi32, #tpu.memory_space<vmem>>, vector<1x64xi32>
    tpu.vector_store %arg13[%swap3A_253, %swap3A_254], %reshape3A_252 {strides = array<i32>} : memref<3x64xi32, #tpu.memory_space<vmem>>, vector<1x64xi32>,
    %reshape3A_256 = vector.broadcast %div3A_235 : f32 to vector<1x1xf32>
    %swap3A_257 = arith.constant 2 : index
    %swap3A_258 = arith.constant 0 : index
    %swap3A_259 = vector.load %arg14[%swap3A_257, %swap3A_258] : memref<3x1xf32, #tpu.memory_space<vmem>>, vector<1x1xf32>
    tpu.vector_store %arg14[%swap3A_257, %swap3A_258], %reshape3A_256 {strides = array<i32>} : memref<3x1xf32, #tpu.memory_space<vmem>>, vector<1x1xf32>,
    return
  }
}

</mosaic_0001>

<sc_bundles>
// kernel: kernel.11.cloned.1.call-start
scs
__scs_entry_jumppad:
0x0: {  	(pc) =	sbr.rel $0x88, $3  }
0x1: {  	(tag) =	ssettag $0x0;
	lr =	simm.s32 $0x1  }
0x2: {  	[smem:$0x3F8F] =	sst lr;
	_ =	strace $0xD0000000  }
0x3: {  	_ = 	snop  }
0x4: {  	_ = 	snop  }
0x5: {  	_ = 	snop  }
0x6: {  	_ = 	snop  }
0x7: {  	_ = 	snop  }
__scs_overlays_trampoline_lowered:
0x8: {  	[smem:$0x3F9E] =	sst s0  }
0x9: {  	[smem:$0x3F9F] =	sst s1  }
0xa: {  	[smem:$0x3FA0] =	sst s2  }
0xb: {  	[smem:$0x3FA1] =	sst s3  }
0xc: {  	[smem:$0x3FA2] =	sst s4  }
0xd: {  	[smem:$0x3FA3] =	sst s5  }
0xe: {  	[smem:$0x3FA4] =	sst s6  }
0xf: {  	[smem:$0x3FA5] =	sst s7  }
0x10: {  	[smem:$0x3FA6] =	sst s8  }
0x11: {  	[smem:$0x3FA7] =	sst s9;
	s0 =	simm.s32 @!p0 $0x0  }
0x12: {  	s1 =	sld [smem:$0x3F8D];
	s0 =	simm.s32 @p0 $0x1  }
0x13: {  	[smem:$0x3FA8] =	sst s0;
	s0 =	simm.s32 @!p1 $0x0  }
0x14: {  	s2 =	sld [smem:$0x3F8C];
	s0 =	simm.s32 @p1 $0x1  }
0x15: {  	[smem:$0x3FA9] =	sst s0;
	s0 =	simm.s32 @!p2 $0x0  }
0x16: {  	s3 =	sld [smem:$0x3FDB];
	s0 =	simm.s32 @p2 $0x1  }
0x17: {  	s4 =	simm.s32 $0x1BF5;
	[smem:$0x3FAB] =	sst s0  }
0x18: {  	s0 =	sld [smem:$0x3F8E];
	_ =	swait.ge [sflag:s4], $0x0  }
0x19: {  	s7 =	sld [smem:$0x3F8F]  }
0x1a: {  	s8 =	sadd.s32 $0xFFFFE003, lr  }
0x1b: {  	s9 =	sadd.s32 $0xFFFFFEF7, lr;
	s5 =	simm.s32 $0xFFFFFFFF;
	p2 =	slt.u32 s8, $0xFFFFF086  }
0x1c: {  	p1 =	slt.u32 s9, $0xF7A;
	s5 =	simm.s32 @!p2 $0x0  }
0x1d: {  	s5 =	simm.s32 @p1 $0x1;
	p0 =	seq.s32 s7, s2  }
0x1e: {  	s7 =	smul.u32 @!p0 $0xF7A, s2;
	p2 =	seq.s32 @!p0 s5, $0x0  }
0x1f: {  	s9 =	smul.u32 $0xF7A, s1;
	s8 =	simm.s32 @!p0 $0x1BF5;
	p2 =	por !p2, p0  }
0x20: {  	[sflag:s8] =	ssyncset.s32 @!p0 $0xFFFFF086;
	s6 =	sadd.s32 @!p0 s3, s7;
	s7 =	simm.s32 @!p0 $0x108  }
0x21: {  	s3 =	sadd.s32 s3, s9;
	s6 =	sadd.s32 @!p0 $0x88, s6;
	s7 =	simm.s32 @p2 $0x1082  }
0x22: {  	[simem:s7], [sflag:s8] =	dma.local @!p0 [hbm:s6], $0xF7A  }
0x23: {  	s9 =	sor.u32 $0xD0000000, s2;
	s6 =	simm.s32 $0x108;
	_ =	swait.ge @!p0 [sflag:s8], $0x0  }
0x24: {  	s3 =	sadd.s32 $0x88, s3;
	s6 =	simm.s32 @!p1 $0x1082;
	[sflag:s4] =	ssyncset.s32 $0xFFFFF086  }
0x25: {  	[simem:s6], [sflag:s4] =	dma.local [hbm:s3], $0xF7A  }
0x26: {  	[smem:$0x3F8F] =	sst s1;
	(tag) =	ssettag s2;
	_ =	strace s9  }
0x27: {  	s1 =	sld [smem:$0x3F9F]  }
0x28: {  	s2 =	sld [smem:$0x3FA0]  }
0x29: {  	s4 =	sld [smem:$0x3FA2]  }
0x2a: {  	p0 =	seq.s32 s5, $0x0;
	s5 =	sld [smem:$0x3FA3]  }
0x2b: {  	s6 =	sld [smem:$0x3FA4]  }
0x2c: {  	s7 =	sld [smem:$0x3FA5]  }
0x2d: {  	s3 =	simm.s32 $0x108;
	s8 =	sld [smem:$0x3FA6]  }
0x2e: {  	s3 =	simm.s32 @!p0 $0x1082;
	s9 =	sld [smem:$0x3FA7]  }
0x2f: {  	lr =	sadd.s32 s0, s3;
	s0 =	sld [smem:$0x3F9E]  }
0x30: {  	s3 =	sld [smem:$0x3FA1]  }
0x31: {  	[smem:$0x3FAA] =	sst s10  }
0x32: {  	s10 =	sld [smem:$0x3FA8];
	_ =	sdelay $0x3  }
0x33: {  	p0 =	seq.s32 s10, $0x1;
	s10 =	sld [smem:$0x3FAA];
	_ =	sdelay $0x3  }
0x34: {  	[smem:$0x3FAA] =	sst s10  }
0x35: {  	s10 =	sld [smem:$0x3FA9];
	_ =	sdelay $0x3  }
0x36: {  	p1 =	seq.s32 s10, $0x1;
	s10 =	sld [smem:$0x3FAA];
	_ =	sdelay $0x3  }
0x37: {  	[smem:$0x3FAA] =	sst s10  }
0x38: {  	s10 =	sld [smem:$0x3FAB]  }
0x39: {  	_ = 	snop;
	(pc) =	sbr.ind lr, $3  }
0x3a: {  	_ = 	snop  }
0x3b: {  	_ = 	snop  }
0x3c: {  	p2 =	seq.s32 s10, $0x1;
	s10 =	sld [smem:$0x3FAA]  }
0x3d: {  	_ =	shalt  }
0x3e: {  	_ =	shalt  }
0x3f: {  	_ =	shalt  }
0x40: {  	_ =	shalt  }
0x41: {  	_ =	shalt  }
0x42: {  	_ =	shalt  }
0x43: {  	_ =	shalt  }
0x44: {  	_ =	shalt  }
0x45: {  	_ =	shalt  }
0x46: {  	_ =	shalt  }
0x47: {  	_ =	shalt  }
0x48: {  	_ =	shalt  }
0x49: {  	_ =	shalt  }
0x4a: {  	_ =	shalt  }
0x4b: {  	_ =	shalt  }
0x4c: {  	_ =	shalt  }
0x4d: {  	_ =	shalt  }
0x4e: {  	_ =	shalt  }
0x4f: {  	_ =	shalt  }
0x50: {  	_ =	shalt  }
0x51: {  	_ =	shalt  }
0x52: {  	_ =	shalt  }
0x53: {  	_ =	shalt  }
0x54: {  	_ =	shalt  }
0x55: {  	_ =	shalt  }
0x56: {  	_ =	shalt  }
0x57: {  	_ =	shalt  }
0x58: {  	_ =	shalt  }
0x59: {  	_ =	shalt  }
0x5a: {  	_ =	shalt  }
0x5b: {  	_ =	shalt  }
0x5c: {  	_ =	shalt  }
0x5d: {  	_ =	shalt  }
0x5e: {  	_ =	shalt  }
0x5f: {  	_ =	shalt  }
0x60: {  	_ =	shalt  }
0x61: {  	_ =	shalt  }
0x62: {  	_ =	shalt  }
0x63: {  	_ =	shalt  }
0x64: {  	_ =	shalt  }
0x65: {  	_ =	shalt  }
0x66: {  	_ =	shalt  }
0x67: {  	_ =	shalt  }
0x68: {  	_ =	shalt  }
0x69: {  	_ =	shalt  }
0x6a: {  	_ =	shalt  }
0x6b: {  	_ =	shalt  }
0x6c: {  	_ =	shalt  }
0x6d: {  	_ =	shalt  }
0x6e: {  	_ =	shalt  }
0x6f: {  	_ =	shalt  }
0x70: {  	_ =	shalt  }
0x71: {  	_ =	shalt  }
0x72: {  	_ =	shalt  }
0x73: {  	_ =	shalt  }
0x74: {  	_ =	shalt  }
0x75: {  	_ =	shalt  }
0x76: {  	_ =	shalt  }
0x77: {  	_ =	shalt  }
0x78: {  	_ =	shalt  }
0x79: {  	_ =	shalt  }
0x7a: {  	_ =	shalt  }
0x7b: {  	_ =	shalt  }
0x7c: {  	_ =	shalt  }
0x7d: {  	_ =	shalt  }
0x7e: {  	_ =	shalt  }
0x7f: {  	_ =	shalt  }
0x80: {  	_ =	shalt  }
0x81: {  	_ =	shalt  }
0x82: {  	_ =	shalt  }
0x83: {  	_ =	shalt  }
0x84: {  	_ =	shalt  }
0x85: {  	_ =	shalt  }
0x86: {  	_ =	shalt  }
0x87: {  	_ =	shalt  }
.Lfunc_end0:
.L_simem_size_0:
called_computation.2_lowered:
.L_overlay_start_0:
0x88: {  	s2 =	sld [smem:$0x3FD9]  }
0x89: {  	s3 =	sld [smem:$0x3FFE];
	_ =	sdelay $0x1  }
0x8a: {  	s1 =	srdreg.scid  }
0x8b: {  	s0 =	sand.u32 $0x1, s1  }
0x8c: {  	s17 =	sshll.u32 s0, $0xA;
	s2 =	sadd.s32 s3, s2  }
0x8d: {  	s2 =	sadd.s32 s2, s17  }
0x8e: {  	[smem:$0x3FB6] =	sst s2  }
0x8f: {  	_ = 	snop  }
0x90: {  	s2 =	sld [smem:$0x3FC0];
	(tm) =	ssettm $0x1  }
0x91: {  	s18 =	sld [smem:$0x3FFB];
	_ =	sdelay $0x3  }
0x92: {  	_ =	strace s18  }
0x93: {  	s3 =	sld [smem:$0x3FFC];
	_ =	sdelay $0x3  }
0x94: {  	_ =	strace s3  }
0x95: {  	s3 =	sld [smem:$0x3FFD];
	_ =	sdelay $0x3  }
0x96: {  	_ =	strace s3  }
0x97: {  	_ =	strace $0x8FFFFFFF  }
0x98: {  	s19 =	sld [smem:$0x3FDB];
	_ =	sdelay $0x1  }
0x99: {  	s4 =	simm.s32 $_scs_section_size  }
0x9a: {  	s5 =	simm.s32 $_size__tile_overlayer_lowered;
	s6 =	simm.s32 $_tile_overlayer_lowered  }
0x9b: {  	s22 =	simm.s32 $0x1BFF;
	s21 =	sshll.u32 s6, $0x1;
	s3 =	sadd.s32 s4, s19  }
0x9c: {  	s7 =	simm.s32 $0x0;
	s20 =	sshll.u32 s5, $0x1;
	s5 =	sadd.s32 s21, s3  }
0x9d: {  	[timem:s7], [sflag:s22] =	dma.local [hbm:s5], s20  }
0x9e: {  	_ =	swait.ge [sflag:s22], s20  }
0x9f: {  	s4 =	ssub.s32 $0x0, s20;
	[sflag:s22] =	ssyncset.done $0x0  }
0xa0: {  	[sflag:s22] =	ssyncadd.s32 s4;
	_ =	sdelay $0x1  }
0xa1: {  	s23 =	simm.s32 $0x1B8B  }
0xa2: {  	_ =	swait.ge [sflag:s23], $0x1  }
0xa3: {  	[sflag:s23] =	ssyncset.done $0x0  }
0xa4: {  	s25 =	simm.s32 $0x1B8E;
	s24 =	sld [smem:$0x3FFE];
	[sflag:s23] =	ssyncadd.s32 $0xFFFFFFFF  }
0xa5: {  	s26 =	simm.s32 $execute0_lowered;
	[smem:$0x3FD2] =	sst s25  }
0xa6: {  	s5 =	sshll.u32 s26, $0x1;
	_ =	strace $0x80000046;
	[dreg:$0x1] =	wrdreg $0xFFFFFFFF  }
0xa7: {  	s28 =	simm.s32 $_size_execute0_lowered;
	s3 =	sadd.s32 s3, s5;
	[dreg:$0x0] =	wrdreg $0x0  }
0xa8: {  	s5 =	sshll.u32 s28, $0x1;
	[dreg:$0x2] =	wrdreg s3  }
0xa9: {  	[dreg:$0x3] =	wrdreg s5  }
0xaa: {  	[dreg:$0x4] =	wrdreg $0xC0  }
0xab: {  	_ =	task [dreg:s7], $0x5FFFF  }
0xac: {  	[dreg:$0x1] =	wrdreg $0xFFFFFFFF  }
0xad: {  	[dreg:$0x0] =	wrdreg $0x60  }
0xae: {  	[dreg:$0x2] =	wrdreg s24  }
0xaf: {  	[dreg:$0x3] =	wrdreg s2  }
0xb0: {  	[dreg:$0x4] =	wrdreg $0xA  }
0xb1: {  	_ =	task.clear_ibuf [dreg:s7], $0x5FFFF;
	_ =	strace $0x90000046  }
0xb2: {  	s29 =	simm.s32 $0xA;
	_ =	strace $0x80000048  }
0xb3: {  	_ =	swait.ge [sflag:s29], $0x1  }
0xb4: {  	[sflag:s29] =	ssyncadd.s32 $0xFFFFFFFF  }
0xb5: {  	_ =	strace $0x90000048  }
0xb6: {  	_ =	sfence  }
0xb7: {  	s30 =	sld [smem:$0x0];
	_ =	sdelay $0x2  }
0xb8: {  	s31 =	sshll.u32 s1, $0xD;
	s1 =	sshrl.u32 s1, $0x2  }
0xb9: {  	s3 =	sand.u32 $0x4000, s31;
	s1 =	sadd.s32 s1, s30  }
0xba: {  	s0 =	sor.u32 s3, s0;
	s1 =	sshll.u32 s1, $0x11  }
0xbb: {  	s0 =	sor.u32 s1, s0  }
0xbc: {  	s0 =	sadd.s32 $0x8F2B, s0  }
0xbd: {  	[sflag:s0] =	ssyncadd.remote.s32 $0x1  }
0xbe: {  	_ =	sfence.sel $0xFFFF  }
0xbf: {  	[dreg:$0x0] =	wrdreg $0xFFFFFFFF;
	(pc) =	sbr.abs _section_cstart, $3  }
0xc0: {  	[dreg:$0x1] =	wrdreg $0xFFFFFFFF  }
0xc1: {  	_ =	task.clear_ibuf [dreg:s7], $0x2FFFF;
	_ =	strace $0x9FFFFFFF  }
0xc2: {  	(tm) =	ssettm $0x7FFFFFFF  }
0xc3: {  	_ =	shalt  }
tec
execute0_lowered:
.L_overlay_start_1:
0x0: {  	(tag) =	ssettag $0x1  }
0x1: {  	s0 =	rddreg [dreg:$0x0];
	s3 =	simm.s32 $0x0  }
0x2: {  	s1 =	srdreg.scid;
	s12 =	stileid.u32;
	s15 =	simm.s32 $0x11880  }
0x3: {  	s16 =	simm.s32 $0x2;
	s17 =	simm.s32 $0x80;
	s18 =	simm.s32 $0x100  }
0x4: {  	s19 =	simm.s32 $0x4100;
	s20 =	simm.s32 $0x1;
	s21 =	simm.s32 $0x8100  }
0x5: {  	s22 =	simm.s32 $0xC100;
	s23 =	simm.s32 $0xC900;
	s24 =	simm.s32 $0xC980  }
0x6: {  	v0 =	vlaneseq.u32;
	s25 =	simm.s32 $0xF100;
	s26 =	simm.s32 $0x0;
	s28 =	simm.s32 $0x0  }
0x7: {  	s31 =	simm.s32 $0x0;
	[smem:$0x7FF] =	sst s3;
	s1 =	sand.u32 $0x1, s1;
	v1 =	vand.u32 $0x7, v0;
	v0 =	vmul.u32 $0x10, v0  }
0x8: {  	v18 =	vimm.f32 $-5.000000000e-01;
	vm0 =	vmmov $0x1;
	s2 =	sshll.u32 s12, $0x1;
	s4 =	sadd.s32 $0x9DBA00, s0;
	s5 =	sadd.s32 $0xA02C00, s0  }
0x9: {  	s6 =	sadd.s32 $0x4F9A00, s0;
	s7 =	sadd.s32 $0x3E00, s0;
	s2 =	sor.u32 s1, s2;
	v2 =	vmul.u32 $0x10, v1;
	v1 =	vimm.f32 $0.0e+00;
	v3 =	vor.u32 $0x1, v0  }
0xa: {  	s8 =	sadd.s32 $0xDC00, s0;
	s9 =	sadd.s32 $0xA3DA00, s0;
	s10 =	smul.u32 $0x4E2, s2;
	v4 =	vor.u32 $0x2, v0;
	v5 =	vor.u32 $0x3, v0;
	v6 =	vor.u32 $0x4, v0  }
0xb: {  	p0 =	slt.u32 s12, $0x2;
	_ =	strace $0x80000047;
	s1 =	ssub.s32 $0x2, s1;
	v7 =	vor.u32 $0x5, v0;
	v8 =	vor.u32 $0x6, v0;
	v9 =	vor.u32 $0x7, v0  }
0xc: {  	s11 =	sshrl.u32 s1, $0x1;
	v11 =	vor.u32 $0x9, v0;
	v12 =	vor.u32 $0xA, v0;
	v13 =	vor.u32 $0xB, v0;
	s0 =	sadd.s32 s10, s0;
	s10 =	simm.s32 $0x4F  }
0xd: {  	v14 =	vor.u32 $0xC, v0;
	v15 =	vor.u32 $0xD, v0;
	v16 =	vor.u32 $0xE, v0;
	s1 =	ssub.s32 s1, s11;
	s11 =	sshll.u32 s2, $0x7;
	s10 =	simm.s32 @!p0 $0x4E  }
0xe: {  	v10 =	vor.u32 $0x8, v0;
	v17 =	vor.u32 $0xF, v0;
	v2 =	vor.u32 $0xFFFFFF80, v2;
	s14 =	smax.u32 s1, $0x1;
	s12 =	sadd.s32 $0xA29E00, s0;
	s13 =	sadd.s32 $0xA33C00, s0  }
.LBB2_1:
0xf: {  	s0 =	simm.s32 $0x40;
	s1 =	simm.s32 $0x0  }
.LBB2_2:
0x10: {  	p0 =	sne.s32 s0, $0x9C40;
	[tilespmem:s1+$0xC980] =	vst v1;
	s2 =	smov.u32 s0;
	s0 =	sadd.s32 $0x40, s0  }
.Ltmp0:
0x11: {  	[tilespmem:s1+$0xF100] =	vst v1;
	(pc) =	sbr.rel @p0 .LBB2_2-.Ltmp0, $2  }
0x12: {  	_ =	sdelay $0x2  }
0x13: {  	s1 =	sshra.s32 s2, $0x2  }
0x14: {  	[tilespmem:s1+$0xC980] =	vst v1  }
0x15: {  	[tilespmem:s1+$0xF100] =	vst v1;
	s0 =	rddreg [dreg:$0x1]  }
0x16: {  	[tilespmem:s15], [sflag:$0x2] =	stream.linear.gather [hbm4b:s0+s28], $0x80, $0x38;
	[tilespmem:$0x11900] =	vst v63  }
0x17: {  	_ =	swait.ge [sflag:s16], $0x80  }
0x18: {  	[sflag:s16] =	ssyncset.done $0x0  }
0x19: {  	[sflag:s16] =	ssyncadd.s32 $0xFFFFFF80  }
0x1a: {  	v19 =	vld [tilespmem:$0x11880]  }
0x1b: {  	v20 =	vld [tilespmem:$0x11890]  }
0x1c: {  	v21 =	vld [tilespmem:$0x118A0]  }
0x1d: {  	v22 =	vld [tilespmem:$0x118B0]  }
0x1e: {  	v23 =	vld [tilespmem:$0x118C0]  }
0x1f: {  	v24 =	vld [tilespmem:$0x118D0]  }
0x20: {  	v25 =	vld [tilespmem:$0x118E0]  }
0x21: {  	s29 =	simm.s32 $0x0;
	v26 =	vld [tilespmem:$0x118F0]  }
.LBB2_4:
0x22: {  	s0 =	sshll.u32 s29, $0xC  }
0x23: {  	s0 =	sor.u32 s11, s0  }
0x24: {  	s30 =	sshrl.u32 s0, $0x3  }
0x25: {  	s1 =	sadd.s32 s7, s30  }
0x26: {  	[tilespmem:s28], [sflag:$0x2] =	stream.linear.gather [hbm4b:s1+s28], $0x80, $0x38;
	[tilespmem:$0x11900] =	vst v63  }
0x27: {  	_ =	swait.ge [sflag:s16], $0x80  }
0x28: {  	[sflag:s16] =	ssyncset.done $0x0  }
0x29: {  	s2 =	sadd.s32 s8, s30;
	[sflag:s16] =	ssyncadd.s32 $0xFFFFFF80  }
0x2a: {  	[tilespmem:s17], [sflag:$0x2] =	stream.linear.gather [hbm4b:s2+s28], $0x80, $0x38;
	[tilespmem:$0x11900] =	vst v63  }
0x2b: {  	_ =	swait.ge [sflag:s16], $0x80  }
0x2c: {  	s0 =	sshll.u32 s0, $0x4;
	[sflag:s16] =	ssyncset.done $0x0  }
0x2d: {  	s0 =	sadd.s32 s6, s0;
	[sflag:s16] =	ssyncadd.s32 $0xFFFFFF80  }
0x2e: {  	[tilespmem:s18], [sflag:$0x2] =	stream.linear.gather [hbm4b:s0+s28], $0x4000, $0x38;
	[tilespmem:$0x11900] =	vst v63  }
0x2f: {  	_ =	swait.ge [sflag:s16], $0x4000  }
0x30: {  	[sflag:s16] =	ssyncset.done $0x0  }
0x31: {  	[sflag:s16] =	ssyncadd.s32 $0xFFFFC000  }
0x32: {  	[tilespmem:s19], [sflag:$0x1] =	stream.indirect.gather [hbm4b:s4+s17], $0x80, s28, s17, $0xb8;
	[tilespmem:$0x11900] =	vst v63  }
0x33: {  	_ =	swait.ge [sflag:s20], $0x4000  }
0x34: {  	[sflag:s20] =	ssyncset.done $0x0  }
0x35: {  	[sflag:s20] =	ssyncadd.s32 $0xFFFFC000  }
0x36: {  	[tilespmem:s21], [sflag:$0x1] =	stream.indirect.gather [hbm4b:s5+s17], $0x80, s17, s17, $0xb8;
	[tilespmem:$0x11900] =	vst v63  }
0x37: {  	_ =	swait.ge [sflag:s20], $0x4000  }
0x38: {  	[sflag:s20] =	ssyncset.done $0x0  }
0x39: {  	s2 =	simm.s32 $0x0;
	[sflag:s20] =	ssyncadd.s32 $0xFFFFC000  }
0x3a: {  	v27 =	vld [tilespmem:s2+$0x4170]  }
0x3b: {  	v28 =	vld [tilespmem:s2+$0x4160]  }
0x3c: {  	v29 =	vld [tilespmem:s2+$0x130]  }
0x3d: {  	v30 =	vld [tilespmem:s2+$0x4140]  }
0x3e: {  	v31 =	vld [tilespmem:s2+$0x4130]  }
0x3f: {  	v32 =	vld [tilespmem:s2+$0x100]  }
0x40: {  	v33 =	vld [tilespmem:s2+$0x4120]  }
0x41: {  	v34 =	vld [tilespmem:s2+$0x8100]  }
0x42: {  	v35 =	vld [tilespmem:s2+$0x4100]  }
0x43: {  	v36 =	vld [tilespmem:s2+$0x4110]  }
0x44: {  	v37 =	vld [tilespmem:s2+$0x8110]  }
0x45: {  	v38 =	vld [tilespmem:s2+$0x8120]  }
0x46: {  	v39 =	vld [tilespmem:s2+$0x110]  }
0x47: {  	v40 =	vld [tilespmem:s2+$0x8130]  }
0x48: {  	v41 =	vld [tilespmem:s2+$0x120]  }
0x49: {  	v48 =	vld [tilespmem:s2+$0x8140];
	v34 =	vadd.f32 v34, v35;
	v47 =	vadd.f32 v37, v36  }
0x4a: {  	v49 =	vld [tilespmem:s2+$0x4150];
	v33 =	vadd.f32 v38, v33  }
0x4b: {  	v51 =	vld [tilespmem:s2+$0x8150];
	v32 =	vadd.f32 v32, v34;
	v50 =	vadd.f32 v39, v47  }
0x4c: {  	v52 =	vld [tilespmem:s2+$0x140];
	v31 =	vadd.f32 v40, v31  }
0x4d: {  	v55 =	vld [tilespmem:s2+$0x8160];
	v33 =	vadd.f32 v41, v33;
	v53 =	vmul.f32 $2.000000030e-01, v32;
	v54 =	vmul.f32 $2.000000030e-01, v50  }
0x4e: {  	v30 =	vadd.f32 v48, v30;
	v29 =	vadd.f32 v29, v31;
	v31 =	vld [tilespmem:s2+$0x150]  }
0x4f: {  	v57 =	vld [tilespmem:s2+$0x8170];
	v56 =	vmul.f32 $2.000000030e-01, v33;
	v32 =	vmax.f32 v32, v53;
	v34 =	vmax.f32 v50, v54  }
0x50: {  	v58 =	vld [tilespmem:s2+$0x160];
	v35 =	vadd.f32 v51, v49;
	v32 =	vmul.f32 v32, v19;
	v34 =	vmul.f32 v34, v20  }
0x51: {  	v30 =	vadd.f32 v52, v30;
	v59 =	vmul.f32 $2.000000030e-01, v29;
	v33 =	vmax.f32 v33, v56  }
0x52: {  	v60 =	vld [tilespmem:s2+$0x170];
	v28 =	vadd.f32 v55, v28;
	v33 =	vmul.f32 v33, v21;
	v32 =	vadd.f32 v34, v32  }
0x53: {  	v61 =	vmul.f32 $2.000000030e-01, v30;
	v29 =	vmax.f32 v29, v59;
	v31 =	vadd.f32 v31, v35  }
0x54: {  	v27 =	vadd.f32 v57, v27;
	v29 =	vmul.f32 v29, v22;
	v32 =	vadd.f32 v33, v32  }
0x55: {  	v28 =	vadd.f32 v58, v28;
	v30 =	vmax.f32 v30, v61;
	v62 =	vmul.f32 $2.000000030e-01, v31  }
0x56: {  	v30 =	vmul.f32 v30, v23;
	v29 =	vadd.f32 v29, v32  }
0x57: {  	v27 =	vadd.f32 v60, v27;
	v63 =	vmul.f32 $2.000000030e-01, v28;
	v31 =	vmax.f32 v31, v62  }
0x58: {  	v29 =	vadd.f32 v30, v29;
	v30 =	vmul.f32 v31, v24  }
0x59: {  	v28 =	vmax.f32 v28, v63;
	v31 =	vmul.f32 $2.000000030e-01, v27  }
0x5a: {  	v28 =	vmul.f32 v28, v25;
	v29 =	vadd.f32 v30, v29  }
0x5b: {  	v27 =	vmax.f32 v27, v31  }
0x5c: {  	v27 =	vmul.f32 v27, v26;
	v28 =	vadd.f32 v28, v29;
	_ =	sdelay $0x1  }
0x5d: {  	v27 =	vadd.f32 v27, v28  }
0x5e: {  	s0 =	simm.s32 $0xC100  }
0x5f: {  	s1 =	simm.s32 $0x80;
	[tilespmem:s0+$0x0] =	vst v27  }
0x60: {  	v27 =	vld [tilespmem:s1+$0x4170]  }
0x61: {  	v28 =	vld [tilespmem:s1+$0x4160]  }
0x62: {  	v29 =	vld [tilespmem:s1+$0x130]  }
0x63: {  	v30 =	vld [tilespmem:s1+$0x4140]  }
0x64: {  	v31 =	vld [tilespmem:s1+$0x4130]  }
0x65: {  	v32 =	vld [tilespmem:s1+$0x100]  }
0x66: {  	v33 =	vld [tilespmem:s1+$0x4120]  }
0x67: {  	v34 =	vld [tilespmem:s1+$0x8100]  }
0x68: {  	v35 =	vld [tilespmem:s1+$0x4100]  }
0x69: {  	s2 =	simm.s32 $0x400;
	v36 =	vld [tilespmem:s1+$0x4110]  }
.LBB2_5:
0x6a: {  	p0 =	sne.s32 s2, $0xFE00;
	v37 =	vld [tilespmem:s1+$0x8110]  }
0x6b: {  	v38 =	vld [tilespmem:s1+$0x8120]  }
0x6c: {  	v39 =	vld [tilespmem:s1+$0x110]  }
0x6d: {  	v40 =	vld [tilespmem:s1+$0x8130]  }
0x6e: {  	v41 =	vld [tilespmem:s1+$0x120]  }
0x6f: {  	v34 =	vadd.f32 v34, v35;
	v35 =	vadd.f32 v37, v36;
	v36 =	vld [tilespmem:s1+$0x8140]  }
0x70: {  	v33 =	vadd.f32 v38, v33;
	v37 =	vld [tilespmem:s1+$0x4150]  }
0x71: {  	v32 =	vadd.f32 v32, v34;
	v34 =	vadd.f32 v39, v35;
	v35 =	vld [tilespmem:s1+$0x8150]  }
0x72: {  	v31 =	vadd.f32 v40, v31;
	v38 =	vld [tilespmem:s1+$0x140]  }
0x73: {  	v39 =	vmul.f32 $2.000000030e-01, v32;
	v40 =	vmul.f32 $2.000000030e-01, v34;
	v33 =	vadd.f32 v41, v33;
	v41 =	vld [tilespmem:s1+$0x8160]  }
0x74: {  	v29 =	vadd.f32 v29, v31;
	v30 =	vadd.f32 v36, v30;
	v31 =	vld [tilespmem:s1+$0x150]  }
0x75: {  	v32 =	vmax.f32 v32, v39;
	v34 =	vmax.f32 v34, v40;
	v36 =	vmul.f32 $2.000000030e-01, v33;
	v39 =	vld [tilespmem:s1+$0x8170]  }
0x76: {  	v32 =	vmul.f32 v32, v19;
	v34 =	vmul.f32 v34, v20;
	v35 =	vadd.f32 v35, v37;
	v37 =	vld [tilespmem:s1+$0x160]  }
0x77: {  	v33 =	vmax.f32 v33, v36;
	v36 =	vmul.f32 $2.000000030e-01, v29;
	v30 =	vadd.f32 v38, v30  }
0x78: {  	v32 =	vadd.f32 v34, v32;
	v33 =	vmul.f32 v33, v21;
	v28 =	vadd.f32 v41, v28;
	v34 =	vld [tilespmem:s1+$0x170]  }
0x79: {  	v29 =	vmax.f32 v29, v36;
	v36 =	vmul.f32 $2.000000030e-01, v30;
	v31 =	vadd.f32 v31, v35  }
0x7a: {  	v32 =	vadd.f32 v33, v32;
	v29 =	vmul.f32 v29, v22;
	v27 =	vadd.f32 v39, v27  }
0x7b: {  	v30 =	vmax.f32 v30, v36;
	v33 =	vmul.f32 $2.000000030e-01, v31;
	v28 =	vadd.f32 v37, v28  }
0x7c: {  	v29 =	vadd.f32 v29, v32;
	v30 =	vmul.f32 v30, v23  }
0x7d: {  	v31 =	vmax.f32 v31, v33;
	v32 =	vmul.f32 $2.000000030e-01, v28;
	v27 =	vadd.f32 v34, v27  }
0x7e: {  	v29 =	vadd.f32 v30, v29;
	v30 =	vmul.f32 v31, v24  }
0x7f: {  	v28 =	vmax.f32 v28, v32;
	v31 =	vmul.f32 $2.000000030e-01, v27  }
0x80: {  	v29 =	vadd.f32 v30, v29;
	v28 =	vmul.f32 v28, v25  }
0x81: {  	v27 =	vmax.f32 v27, v31  }
0x82: {  	v28 =	vadd.f32 v28, v29;
	v27 =	vmul.f32 v27, v26;
	_ =	sdelay $0x1  }
0x83: {  	v27 =	vadd.f32 v27, v28  }
0x84: {  	s0 =	sadd.s32 $0x10, s0  }
0x85: {  	s1 =	sshra.s32 s2, $0x2;
	[tilespmem:s0+$0x0] =	vst v27  }
0x86: {  	v27 =	vld [tilespmem:s1+$0x4170]  }
0x87: {  	v28 =	vld [tilespmem:s1+$0x4160]  }
0x88: {  	v29 =	vld [tilespmem:s1+$0x130]  }
0x89: {  	v30 =	vld [tilespmem:s1+$0x4140]  }
0x8a: {  	v31 =	vld [tilespmem:s1+$0x4130]  }
.Ltmp1:
0x8b: {  	v32 =	vld [tilespmem:s1+$0x100];
	(pc) =	sbr.rel @p0 .LBB2_5-.Ltmp1, $4  }
0x8c: {  	v33 =	vld [tilespmem:s1+$0x4120]  }
0x8d: {  	v34 =	vld [tilespmem:s1+$0x8100]  }
0x8e: {  	v35 =	vld [tilespmem:s1+$0x4100]  }
0x8f: {  	s2 =	sadd.s32 $0x200, s2;
	v36 =	vld [tilespmem:s1+$0x4110]  }
0x90: {  	v37 =	vld [tilespmem:s1+$0x8110]  }
0x91: {  	v38 =	vld [tilespmem:s1+$0x8120]  }
0x92: {  	v39 =	vld [tilespmem:s1+$0x110]  }
0x93: {  	v40 =	vld [tilespmem:s1+$0x8130]  }
0x94: {  	v41 =	vld [tilespmem:s1+$0x120]  }
0x95: {  	v54 =	vld [tilespmem:s1+$0x8140];
	v34 =	vadd.f32 v34, v35;
	v53 =	vadd.f32 v37, v36  }
0x96: {  	v55 =	vld [tilespmem:s1+$0x4150];
	v33 =	vadd.f32 v38, v33  }
0x97: {  	v57 =	vld [tilespmem:s1+$0x8150];
	v32 =	vadd.f32 v32, v34;
	v56 =	vadd.f32 v39, v53  }
0x98: {  	v58 =	vld [tilespmem:s1+$0x140];
	v31 =	vadd.f32 v40, v31  }
0x99: {  	v61 =	vld [tilespmem:s1+$0x8160];
	v59 =	vmul.f32 $2.000000030e-01, v32;
	v33 =	vadd.f32 v41, v33;
	v60 =	vmul.f32 $2.000000030e-01, v56  }
0x9a: {  	v30 =	vadd.f32 v54, v30;
	v29 =	vadd.f32 v29, v31;
	v31 =	vld [tilespmem:s1+$0x150]  }
0x9b: {  	v42 =	vld [tilespmem:s1+$0x8170];
	v32 =	vmax.f32 v32, v59;
	v62 =	vmul.f32 $2.000000030e-01, v33;
	v34 =	vmax.f32 v56, v60  }
0x9c: {  	v63 =	vld [tilespmem:s1+$0x160];
	v35 =	vadd.f32 v57, v55;
	v32 =	vmul.f32 v32, v19;
	v34 =	vmul.f32 v34, v20  }
0x9d: {  	v30 =	vadd.f32 v58, v30;
	v43 =	vmul.f32 $2.000000030e-01, v29;
	v33 =	vmax.f32 v33, v62  }
0x9e: {  	v44 =	vld [tilespmem:s1+$0x170];
	v28 =	vadd.f32 v61, v28;
	v33 =	vmul.f32 v33, v21;
	v32 =	vadd.f32 v34, v32  }
0x9f: {  	v45 =	vmul.f32 $2.000000030e-01, v30;
	v29 =	vmax.f32 v29, v43;
	v31 =	vadd.f32 v31, v35  }
0xa0: {  	v27 =	vadd.f32 v42, v27;
	v29 =	vmul.f32 v29, v22;
	v32 =	vadd.f32 v33, v32  }
0xa1: {  	v28 =	vadd.f32 v63, v28;
	v30 =	vmax.f32 v30, v45;
	v46 =	vmul.f32 $2.000000030e-01, v31  }
0xa2: {  	v30 =	vmul.f32 v30, v23;
	v29 =	vadd.f32 v29, v32  }
0xa3: {  	v27 =	vadd.f32 v44, v27;
	v47 =	vmul.f32 $2.000000030e-01, v28;
	v31 =	vmax.f32 v31, v46  }
0xa4: {  	v29 =	vadd.f32 v30, v29;
	v30 =	vmul.f32 v31, v24  }
0xa5: {  	v28 =	vmax.f32 v28, v47;
	v31 =	vmul.f32 $2.000000030e-01, v27  }
0xa6: {  	v28 =	vmul.f32 v28, v25;
	v29 =	vadd.f32 v30, v29  }
0xa7: {  	v27 =	vmax.f32 v27, v31;
	v30 =	vor.u32 s31, v0  }
0xa8: {  	v27 =	vmul.f32 v27, v26;
	v28 =	vadd.f32 v28, v29;
	v29 =	vor.u32 s31, v3  }
0xa9: {  	v30 =	vand.u32 v2, v30  }
0xaa: {  	v27 =	vadd.f32 v27, v28  }
0xab: {  	s0 =	sadd.s32 $0x10, s0;
	v28 =	vor.u32 s31, v4  }
0xac: {  	[tilespmem:s0+$0x0] =	vst v27  }
0xad: {  	v27 =	vld.idx.msk [tilespmem:v29+s22+$0x0], $0xffff;
	v29 =	vor.u32 s31, v5  }
0xae: {  	v30 =	vld.idx.msk [tilespmem:v30+s22+$0x0], $0xffff  }
0xaf: {  	v31 =	vor.u32 s31, v6  }
0xb0: {  	v28 =	vld.idx.msk [tilespmem:v28+s22+$0x0], $0xffff  }
0xb1: {  	v48 =	vor.u32 s31, v7  }
0xb2: {  	v29 =	vld.idx.msk [tilespmem:v29+s22+$0x0], $0xffff  }
0xb3: {  	v49 =	vor.u32 s31, v8;
	v27 =	vadd.f32 v27, v30  }
0xb4: {  	v30 =	vld.idx.msk [tilespmem:v31+s22+$0x0], $0xffff  }
0xb5: {  	v31 =	vor.u32 s31, v9;
	v27 =	vadd.f32 v28, v27  }
0xb6: {  	v28 =	vld.idx.msk [tilespmem:v48+s22+$0x0], $0xffff  }
0xb7: {  	v50 =	vor.u32 s31, v10;
	v27 =	vadd.f32 v29, v27  }
0xb8: {  	v29 =	vld.idx.msk [tilespmem:v49+s22+$0x0], $0xffff  }
0xb9: {  	v51 =	vor.u32 s31, v11;
	v27 =	vadd.f32 v30, v27  }
0xba: {  	v30 =	vld.idx.msk [tilespmem:v31+s22+$0x0], $0xffff  }
0xbb: {  	v31 =	vor.u32 s31, v12;
	v27 =	vadd.f32 v28, v27  }
0xbc: {  	v28 =	vld.idx.msk [tilespmem:v50+s22+$0x0], $0xffff  }
0xbd: {  	v52 =	vor.u32 s31, v13;
	v27 =	vadd.f32 v29, v27  }
0xbe: {  	v29 =	vld.idx.msk [tilespmem:v51+s22+$0x0], $0xffff  }
0xbf: {  	v53 =	vor.u32 s31, v14;
	v27 =	vadd.f32 v30, v27  }
0xc0: {  	v30 =	vld.idx.msk [tilespmem:v31+s22+$0x0], $0xffff  }
0xc1: {  	v31 =	vor.u32 s31, v15;
	v27 =	vadd.f32 v28, v27  }
0xc2: {  	v28 =	vld.idx.msk [tilespmem:v52+s22+$0x0], $0xffff  }
0xc3: {  	v54 =	vor.u32 s31, v16;
	v27 =	vadd.f32 v29, v27  }
0xc4: {  	v29 =	vld.idx.msk [tilespmem:v53+s22+$0x0], $0xffff  }
0xc5: {  	v55 =	vor.u32 s31, v17;
	v27 =	vadd.f32 v30, v27  }
0xc6: {  	v30 =	vld.idx.msk [tilespmem:v31+s22+$0x0], $0xffff  }
0xc7: {  	v27 =	vadd.f32 v28, v27  }
0xc8: {  	v28 =	vld.idx.msk [tilespmem:v54+s22+$0x0], $0xffff  }
0xc9: {  	v27 =	vadd.f32 v29, v27  }
0xca: {  	v29 =	vld.idx.msk [tilespmem:v55+s22+$0x0], $0xffff  }
0xcb: {  	v27 =	vadd.f32 v30, v27;
	_ =	sdelay $0x1  }
0xcc: {  	v27 =	vadd.f32 v28, v27;
	_ =	sdelay $0x1  }
0xcd: {  	v27 =	vadd.f32 v29, v27;
	_ =	sdelay $0x1  }
0xce: {  	v28 =	vmul.f32 $1.442695020e+00, v27;
	_ =	sdelay $0x1  }
0xcf: {  	vm1 =	vge.f32 v28, $0.0e+00  }
0xd0: {  	v29 =	vsel vm1, $0x3F000000, v18  }
0xd1: {  	v28 =	vadd.f32 v29, v28;
	_ =	sdelay $0x1  }
0xd2: {  	v28 =	vtrunc.f32 v28  }
0xd3: {  	v28 =	vcvt.f32.s32 v28;
	_ =	sdelay $0x1  }
0xd4: {  	v29 =	vcvt.s32.f32 v28;
	_ =	sdelay $0x1  }
0xd5: {  	v30 =	vmul.f32 $-6.933593750e-01, v29;
	_ =	sdelay $0x1  }
0xd6: {  	v29 =	vmul.f32 $2.121944420e-04, v29;
	v27 =	vadd.f32 v30, v27;
	_ =	sdelay $0x1  }
0xd7: {  	v27 =	vadd.f32 v29, v27;
	_ =	sdelay $0x1  }
0xd8: {  	v29 =	vmul.f32 $1.388888920e-03, v27;
	_ =	sdelay $0x1  }
0xd9: {  	v29 =	vadd.f32 $8.333333770e-03, v29;
	_ =	sdelay $0x1  }
0xda: {  	v29 =	vmul.f32 v29, v27;
	_ =	sdelay $0x1  }
0xdb: {  	v29 =	vadd.f32 $4.166666790e-02, v29;
	_ =	sdelay $0x1  }
0xdc: {  	v29 =	vmul.f32 v29, v27;
	_ =	sdelay $0x1  }
0xdd: {  	v29 =	vadd.f32 $1.666666720e-01, v29;
	_ =	sdelay $0x1  }
0xde: {  	v29 =	vmul.f32 v29, v27;
	_ =	sdelay $0x1  }
0xdf: {  	v29 =	vadd.f32 $5.000000000e-01, v29;
	_ =	sdelay $0x1  }
0xe0: {  	v29 =	vmul.f32 v29, v27;
	_ =	sdelay $0x1  }
0xe1: {  	v29 =	vadd.f32 $1.000000000e+00, v29;
	_ =	sdelay $0x1  }
0xe2: {  	v27 =	vmul.f32 v29, v27  }
0xe3: {  	s2 =	simm.s32 $0x100;
	v28 =	vshll.u32 v28, $0x17  }
0xe4: {  	v30 =	vor.u32 s2, v0;
	v29 =	vor.u32 s2, v3;
	v27 =	vadd.f32 $1.000000000e+00, v27  }
0xe5: {  	v28 =	vadd.s32 $0x3F800000, v28;
	v30 =	vand.u32 v2, v30  }
0xe6: {  	v27 =	vmul.f32 v28, v27  }
0xe7: {  	s0 =	simm.s32 $0xC900;
	v28 =	vor.u32 s2, v4  }
0xe8: {  	[tilespmem:s0+$0x0] =	vst v27  }
0xe9: {  	v27 =	vld.idx.msk [tilespmem:v29+s22+$0x0], $0xffff;
	v29 =	vor.u32 s2, v5  }
0xea: {  	v30 =	vld.idx.msk [tilespmem:v30+s22+$0x0], $0xffff  }
0xeb: {  	v31 =	vor.u32 s2, v6  }
0xec: {  	v28 =	vld.idx.msk [tilespmem:v28+s22+$0x0], $0xffff  }
0xed: {  	v56 =	vor.u32 s2, v7  }
0xee: {  	v29 =	vld.idx.msk [tilespmem:v29+s22+$0x0], $0xffff  }
0xef: {  	v57 =	vor.u32 s2, v8;
	v27 =	vadd.f32 v27, v30  }
0xf0: {  	v30 =	vld.idx.msk [tilespmem:v31+s22+$0x0], $0xffff  }
0xf1: {  	v31 =	vor.u32 s2, v9;
	v27 =	vadd.f32 v28, v27  }
0xf2: {  	v28 =	vld.idx.msk [tilespmem:v56+s22+$0x0], $0xffff  }
0xf3: {  	v58 =	vor.u32 s2, v10;
	v27 =	vadd.f32 v29, v27  }
0xf4: {  	v29 =	vld.idx.msk [tilespmem:v57+s22+$0x0], $0xffff  }
0xf5: {  	v59 =	vor.u32 s2, v11;
	v27 =	vadd.f32 v30, v27  }
0xf6: {  	v30 =	vld.idx.msk [tilespmem:v31+s22+$0x0], $0xffff  }
0xf7: {  	v31 =	vor.u32 s2, v12;
	v27 =	vadd.f32 v28, v27  }
0xf8: {  	v28 =	vld.idx.msk [tilespmem:v58+s22+$0x0], $0xffff  }
0xf9: {  	v60 =	vor.u32 s2, v13;
	v27 =	vadd.f32 v29, v27  }
0xfa: {  	v29 =	vld.idx.msk [tilespmem:v59+s22+$0x0], $0xffff  }
0xfb: {  	v61 =	vor.u32 s2, v14;
	v27 =	vadd.f32 v30, v27  }
0xfc: {  	v30 =	vld.idx.msk [tilespmem:v31+s22+$0x0], $0xffff  }
0xfd: {  	v31 =	vor.u32 s2, v15;
	v27 =	vadd.f32 v28, v27  }
0xfe: {  	v28 =	vld.idx.msk [tilespmem:v60+s22+$0x0], $0xffff  }
0xff: {  	v62 =	vor.u32 s2, v16;
	v27 =	vadd.f32 v29, v27  }
0x100: {  	v29 =	vld.idx.msk [tilespmem:v61+s22+$0x0], $0xffff  }
0x101: {  	v63 =	vor.u32 s2, v17;
	v27 =	vadd.f32 v30, v27  }
0x102: {  	v30 =	vld.idx.msk [tilespmem:v31+s22+$0x0], $0xffff  }
0x103: {  	v27 =	vadd.f32 v28, v27  }
0x104: {  	v28 =	vld.idx.msk [tilespmem:v62+s22+$0x0], $0xffff  }
0x105: {  	v27 =	vadd.f32 v29, v27  }
0x106: {  	v29 =	vld.idx.msk [tilespmem:v63+s22+$0x0], $0xffff  }
0x107: {  	v27 =	vadd.f32 v30, v27;
	_ =	sdelay $0x1  }
0x108: {  	v27 =	vadd.f32 v28, v27;
	_ =	sdelay $0x1  }
0x109: {  	v27 =	vadd.f32 v29, v27;
	_ =	sdelay $0x1  }
0x10a: {  	v28 =	vmul.f32 $1.442695020e+00, v27;
	_ =	sdelay $0x1  }
0x10b: {  	vm1 =	vge.f32 v28, $0.0e+00  }
0x10c: {  	v29 =	vsel vm1, $0x3F000000, v18  }
0x10d: {  	v28 =	vadd.f32 v29, v28;
	_ =	sdelay $0x1  }
0x10e: {  	v28 =	vtrunc.f32 v28  }
0x10f: {  	v30 =	vcvt.f32.s32 v28;
	_ =	sdelay $0x1  }
0x110: {  	v28 =	vcvt.s32.f32 v30;
	_ =	sdelay $0x1  }
0x111: {  	v29 =	vmul.f32 $-6.933593750e-01, v28;
	_ =	sdelay $0x1  }
0x112: {  	v28 =	vmul.f32 $2.121944420e-04, v28;
	v27 =	vadd.f32 v29, v27;
	_ =	sdelay $0x1  }
0x113: {  	v27 =	vadd.f32 v28, v27;
	_ =	sdelay $0x1  }
0x114: {  	v28 =	vmul.f32 $1.388888920e-03, v27;
	_ =	sdelay $0x1  }
0x115: {  	v28 =	vadd.f32 $8.333333770e-03, v28;
	_ =	sdelay $0x1  }
0x116: {  	v28 =	vmul.f32 v28, v27;
	_ =	sdelay $0x1  }
0x117: {  	v28 =	vadd.f32 $4.166666790e-02, v28;
	_ =	sdelay $0x1  }
0x118: {  	v28 =	vmul.f32 v28, v27;
	_ =	sdelay $0x1  }
0x119: {  	v28 =	vadd.f32 $1.666666720e-01, v28;
	_ =	sdelay $0x1  }
0x11a: {  	v28 =	vmul.f32 v28, v27;
	_ =	sdelay $0x1  }
0x11b: {  	v28 =	vadd.f32 $5.000000000e-01, v28;
	_ =	sdelay $0x1  }
0x11c: {  	v28 =	vmul.f32 v28, v27;
	_ =	sdelay $0x1  }
0x11d: {  	v28 =	vadd.f32 $1.000000000e+00, v28;
	_ =	sdelay $0x1  }
0x11e: {  	v28 =	vmul.f32 v28, v27  }
0x11f: {  	s1 =	simm.s32 $0x200;
	v30 =	vshll.u32 v30, $0x17  }
0x120: {  	s2 =	simm.s32 $0x300;
	v29 =	vor.u32 s1, v0;
	v27 =	vor.u32 s1, v3;
	v28 =	vadd.f32 $1.000000000e+00, v28  }
.LBB2_7:
0x121: {  	p0 =	sne.s32 s2, $0x700;
	v29 =	vand.u32 v2, v29;
	v30 =	vadd.s32 $0x3F800000, v30  }
0x122: {  	v28 =	vmul.f32 v30, v28  }
0x123: {  	s0 =	sadd.s32 $0x10, s0;
	v30 =	vor.u32 s1, v4  }
0x124: {  	[tilespmem:s0+$0x0] =	vst v28  }
0x125: {  	v28 =	vor.u32 s1, v5;
	v27 =	vld.idx.msk [tilespmem:v27+s22+$0x0], $0xffff  }
0x126: {  	v29 =	vld.idx.msk [tilespmem:v29+s22+$0x0], $0xffff  }
0x127: {  	v31 =	vor.u32 s1, v6  }
0x128: {  	v30 =	vld.idx.msk [tilespmem:v30+s22+$0x0], $0xffff  }
0x129: {  	v32 =	vor.u32 s1, v7  }
0x12a: {  	v28 =	vld.idx.msk [tilespmem:v28+s22+$0x0], $0xffff  }
0x12b: {  	v33 =	vor.u32 s1, v8  }
0x12c: {  	v27 =	vadd.f32 v27, v29;
	v29 =	vld.idx.msk [tilespmem:v31+s22+$0x0], $0xffff  }
0x12d: {  	v31 =	vor.u32 s1, v9  }
0x12e: {  	v27 =	vadd.f32 v30, v27;
	v30 =	vld.idx.msk [tilespmem:v32+s22+$0x0], $0xffff  }
0x12f: {  	v32 =	vor.u32 s1, v10  }
0x130: {  	v27 =	vadd.f32 v28, v27;
	v28 =	vld.idx.msk [tilespmem:v33+s22+$0x0], $0xffff  }
0x131: {  	v33 =	vor.u32 s1, v11  }
0x132: {  	v27 =	vadd.f32 v29, v27;
	v29 =	vld.idx.msk [tilespmem:v31+s22+$0x0], $0xffff  }
0x133: {  	v31 =	vor.u32 s1, v12  }
0x134: {  	v27 =	vadd.f32 v30, v27;
	v30 =	vld.idx.msk [tilespmem:v32+s22+$0x0], $0xffff  }
0x135: {  	v32 =	vor.u32 s1, v13  }
0x136: {  	v27 =	vadd.f32 v28, v27;
	v28 =	vld.idx.msk [tilespmem:v33+s22+$0x0], $0xffff  }
0x137: {  	v33 =	vor.u32 s1, v14  }
0x138: {  	v27 =	vadd.f32 v29, v27;
	v29 =	vld.idx.msk [tilespmem:v31+s22+$0x0], $0xffff  }
0x139: {  	v31 =	vor.u32 s1, v15  }
0x13a: {  	v27 =	vadd.f32 v30, v27;
	v30 =	vld.idx.msk [tilespmem:v32+s22+$0x0], $0xffff  }
0x13b: {  	v32 =	vor.u32 s1, v16  }
0x13c: {  	v27 =	vadd.f32 v28, v27;
	v28 =	vld.idx.msk [tilespmem:v33+s22+$0x0], $0xffff  }
0x13d: {  	v33 =	vor.u32 s1, v17;
	s1 =	smov.u32 s2  }
0x13e: {  	v27 =	vadd.f32 v29, v27;
	v29 =	vld.idx.msk [tilespmem:v31+s22+$0x0], $0xffff;
	_ =	sdelay $0x1  }
0x13f: {  	v27 =	vadd.f32 v30, v27;
	v30 =	vld.idx.msk [tilespmem:v32+s22+$0x0], $0xffff;
	_ =	sdelay $0x1  }
0x140: {  	v27 =	vadd.f32 v28, v27;
	v28 =	vld.idx.msk [tilespmem:v33+s22+$0x0], $0xffff;
	_ =	sdelay $0x1  }
0x141: {  	v27 =	vadd.f32 v29, v27;
	_ =	sdelay $0x1  }
0x142: {  	v27 =	vadd.f32 v30, v27;
	_ =	sdelay $0x1  }
0x143: {  	v27 =	vadd.f32 v28, v27;
	_ =	sdelay $0x1  }
0x144: {  	v28 =	vmul.f32 $1.442695020e+00, v27;
	_ =	sdelay $0x1  }
0x145: {  	vm1 =	vge.f32 v28, $0.0e+00  }
0x146: {  	v29 =	vsel vm1, $0x3F000000, v18  }
0x147: {  	v28 =	vadd.f32 v29, v28;
	_ =	sdelay $0x1  }
0x148: {  	v28 =	vtrunc.f32 v28  }
0x149: {  	v30 =	vcvt.f32.s32 v28;
	_ =	sdelay $0x1  }
0x14a: {  	v28 =	vcvt.s32.f32 v30;
	_ =	sdelay $0x1  }
0x14b: {  	v29 =	vmul.f32 $-6.933593750e-01, v28;
	_ =	sdelay $0x1  }
0x14c: {  	v28 =	vmul.f32 $2.121944420e-04, v28;
	v27 =	vadd.f32 v29, v27;
	_ =	sdelay $0x1  }
0x14d: {  	v27 =	vadd.f32 v28, v27;
	_ =	sdelay $0x1  }
0x14e: {  	v28 =	vmul.f32 $1.388888920e-03, v27;
	_ =	sdelay $0x1  }
0x14f: {  	v28 =	vadd.f32 $8.333333770e-03, v28;
	_ =	sdelay $0x1  }
0x150: {  	v28 =	vmul.f32 v28, v27;
	_ =	sdelay $0x1  }
0x151: {  	v28 =	vadd.f32 $4.166666790e-02, v28;
	_ =	sdelay $0x1  }
0x152: {  	v28 =	vmul.f32 v28, v27;
	_ =	sdelay $0x1  }
0x153: {  	v28 =	vadd.f32 $1.666666720e-01, v28;
	_ =	sdelay $0x1  }
0x154: {  	v28 =	vmul.f32 v28, v27;
	_ =	sdelay $0x1  }
0x155: {  	v28 =	vadd.f32 $5.000000000e-01, v28;
	_ =	sdelay $0x1  }
0x156: {  	v28 =	vmul.f32 v28, v27;
	_ =	sdelay $0x1  }
.Ltmp2:
0x157: {  	v28 =	vadd.f32 $1.000000000e+00, v28;
	(pc) =	sbr.rel @p0 .LBB2_7-.Ltmp2, $4  }
0x158: {  	_ = 	snop  }
0x159: {  	v28 =	vmul.f32 v28, v27  }
0x15a: {  	v27 =	vor.u32 s2, v3  }
0x15b: {  	v30 =	vshll.u32 v30, $0x17;
	v29 =	vor.u32 s1, v0;
	s2 =	sadd.s32 $0x100, s2;
	v28 =	vadd.f32 $1.000000000e+00, v28  }
0x15c: {  	v29 =	vand.u32 v2, v29;
	v30 =	vadd.s32 $0x3F800000, v30  }
0x15d: {  	v28 =	vmul.f32 v30, v28  }
0x15e: {  	s0 =	sadd.s32 $0x10, s0;
	v30 =	vor.u32 s1, v4  }
0x15f: {  	[tilespmem:s0+$0x0] =	vst v28  }
0x160: {  	v28 =	vor.u32 s1, v5;
	v27 =	vld.idx.msk [tilespmem:v27+s22+$0x0], $0xffff  }
0x161: {  	v29 =	vld.idx.msk [tilespmem:v29+s22+$0x0], $0xffff  }
0x162: {  	v31 =	vor.u32 s1, v6  }
0x163: {  	v30 =	vld.idx.msk [tilespmem:v30+s22+$0x0], $0xffff  }
0x164: {  	v32 =	vor.u32 s1, v7  }
0x165: {  	v28 =	vld.idx.msk [tilespmem:v28+s22+$0x0], $0xffff  }
0x166: {  	v33 =	vor.u32 s1, v8;
	v27 =	vadd.f32 v27, v29  }
0x167: {  	v29 =	vld.idx.msk [tilespmem:v31+s22+$0x0], $0xffff  }
0x168: {  	v31 =	vor.u32 s1, v9;
	v27 =	vadd.f32 v30, v27  }
0x169: {  	v30 =	vld.idx.msk [tilespmem:v32+s22+$0x0], $0xffff  }
0x16a: {  	v58 =	vor.u32 s1, v10;
	v27 =	vadd.f32 v28, v27  }
0x16b: {  	v28 =	vld.idx.msk [tilespmem:v33+s22+$0x0], $0xffff  }
0x16c: {  	v59 =	vor.u32 s1, v11;
	v27 =	vadd.f32 v29, v27  }
0x16d: {  	v29 =	vld.idx.msk [tilespmem:v31+s22+$0x0], $0xffff  }
0x16e: {  	v31 =	vor.u32 s1, v12;
	v27 =	vadd.f32 v30, v27  }
0x16f: {  	v30 =	vld.idx.msk [tilespmem:v58+s22+$0x0], $0xffff  }
0x170: {  	v60 =	vor.u32 s1, v13;
	v27 =	vadd.f32 v28, v27  }
0x171: {  	v28 =	vld.idx.msk [tilespmem:v59+s22+$0x0], $0xffff  }
0x172: {  	v61 =	vor.u32 s1, v14;
	v27 =	vadd.f32 v29, v27  }
0x173: {  	v29 =	vld.idx.msk [tilespmem:v31+s22+$0x0], $0xffff  }
0x174: {  	v31 =	vor.u32 s1, v15;
	v27 =	vadd.f32 v30, v27  }
0x175: {  	v30 =	vld.idx.msk [tilespmem:v60+s22+$0x0], $0xffff  }
0x176: {  	v62 =	vor.u32 s1, v16;
	v27 =	vadd.f32 v28, v27  }
0x177: {  	v28 =	vld.idx.msk [tilespmem:v61+s22+$0x0], $0xffff  }
0x178: {  	v63 =	vor.u32 s1, v17;
	v27 =	vadd.f32 v29, v27  }
0x179: {  	v29 =	vld.idx.msk [tilespmem:v31+s22+$0x0], $0xffff  }
0x17a: {  	v27 =	vadd.f32 v30, v27  }
0x17b: {  	v30 =	vld.idx.msk [tilespmem:v62+s22+$0x0], $0xffff  }
0x17c: {  	v27 =	vadd.f32 v28, v27  }
0x17d: {  	v28 =	vld.idx.msk [tilespmem:v63+s22+$0x0], $0xffff  }
0x17e: {  	v27 =	vadd.f32 v29, v27;
	_ =	sdelay $0x1  }
0x17f: {  	v27 =	vadd.f32 v30, v27;
	_ =	sdelay $0x1  }
0x180: {  	v27 =	vadd.f32 v28, v27;
	_ =	sdelay $0x1  }
0x181: {  	v28 =	vmul.f32 $1.442695020e+00, v27;
	_ =	sdelay $0x1  }
0x182: {  	vm1 =	vge.f32 v28, $0.0e+00  }
0x183: {  	v29 =	vsel vm1, $0x3F000000, v18  }
0x184: {  	v28 =	vadd.f32 v29, v28;
	_ =	sdelay $0x1  }
0x185: {  	v28 =	vtrunc.f32 v28  }
0x186: {  	v28 =	vcvt.f32.s32 v28;
	_ =	sdelay $0x1  }
0x187: {  	v29 =	vcvt.s32.f32 v28;
	_ =	sdelay $0x1  }
0x188: {  	v30 =	vmul.f32 $-6.933593750e-01, v29;
	_ =	sdelay $0x1  }
0x189: {  	v29 =	vmul.f32 $2.121944420e-04, v29;
	v27 =	vadd.f32 v30, v27;
	_ =	sdelay $0x1  }
0x18a: {  	v27 =	vadd.f32 v29, v27;
	_ =	sdelay $0x1  }
0x18b: {  	v29 =	vmul.f32 $1.388888920e-03, v27;
	_ =	sdelay $0x1  }
0x18c: {  	v29 =	vadd.f32 $8.333333770e-03, v29;
	_ =	sdelay $0x1  }
0x18d: {  	v29 =	vmul.f32 v29, v27;
	_ =	sdelay $0x1  }
0x18e: {  	v29 =	vadd.f32 $4.166666790e-02, v29;
	_ =	sdelay $0x1  }
0x18f: {  	v29 =	vmul.f32 v29, v27;
	_ =	sdelay $0x1  }
0x190: {  	v29 =	vadd.f32 $1.666666720e-01, v29;
	_ =	sdelay $0x1  }
0x191: {  	v29 =	vmul.f32 v29, v27;
	_ =	sdelay $0x1  }
0x192: {  	v29 =	vadd.f32 $5.000000000e-01, v29;
	_ =	sdelay $0x1  }
0x193: {  	v29 =	vmul.f32 v29, v27;
	_ =	sdelay $0x1  }
0x194: {  	v29 =	vadd.f32 $1.000000000e+00, v29;
	_ =	sdelay $0x1  }
0x195: {  	v27 =	vmul.f32 v29, v27;
	_ =	sdelay $0x1  }
0x196: {  	v28 =	vshll.u32 v28, $0x17;
	v29 =	vmov s31;
	v27 =	vadd.f32 $1.000000000e+00, v27  }
0x197: {  	v28 =	vadd.s32 $0x3F800000, v28  }
0x198: {  	v27 =	vmul.f32 v28, v27  }
0x199: {  	s0 =	sadd.s32 $0x10, s0  }
0x19a: {  	[tilespmem:s0+$0x0] =	vst v27  }
0x19b: {  	v27 =	vld.idx.msk [tilespmem:v29+s17+$0x0], $0xffff;
	_ =	sdelay $0x4  }
0x19c: {  	v27 =	vnsel vm0, $0x2710, v27;
	_ =	sdelay $0x3  }
0x19d: {  	v28 =	vld.idx.msk [tilespmem:v29+s23+$0x0], $0xffff  }
0x19e: {  	v29 =	vld.idx.msk [tilespmem:v27+s24+$0x0], $0xffff;
	_ =	sdelay $0x4  }
0x19f: {  	v28 =	vadd.f32 v29, v28;
	_ =	sdelay $0x1  }
0x1a0: {  	[tilespmem:v27+s24+$0x0] =	vst.idx.msk $0xffff, v28  }
0x1a1: {  	v29 =	vld.idx.msk [tilespmem:v27+s25+$0x0], $0xffff;
	_ =	sdelay $0x1  }
0x1a2: {  	s2 =	simm.s32 $0x1  }
0x1a3: {  	v28 =	vmov s2;
	_ =	sdelay $0x1  }
0x1a4: {  	s0 =	simm.s32 $0x2;
	v29 =	vadd.f32 $1.000000000e+00, v29  }
.LBB2_9:
0x1a5: {  	_ = 	snop  }
0x1a6: {  	p0 =	sne.s32 s0, $0x7F;
	s1 =	smov.u32 s0;
	s0 =	sadd.s32 $0x1, s0;
	[tilespmem:v27+s25+$0x0] =	vst.idx.msk $0xffff, v29  }
0x1a7: {  	v27 =	vld.idx.msk [tilespmem:v28+s17+$0x0], $0xffff;
	_ =	sdelay $0x5  }
0x1a8: {  	v27 =	vnsel vm0, $0x2710, v27;
	_ =	sdelay $0x3  }
0x1a9: {  	v28 =	vld.idx.msk [tilespmem:v28+s23+$0x0], $0xffff  }
0x1aa: {  	v29 =	vld.idx.msk [tilespmem:v27+s24+$0x0], $0xffff;
	_ =	sdelay $0x5  }
0x1ab: {  	v28 =	vadd.f32 v29, v28;
	_ =	sdelay $0x1  }
0x1ac: {  	[tilespmem:v27+s24+$0x0] =	vst.idx.msk $0xffff, v28  }
0x1ad: {  	v29 =	vld.idx.msk [tilespmem:v27+s25+$0x0], $0xffff;
	_ =	sdelay $0x1  }
.Ltmp3:
0x1ae: {  	(pc) =	sbr.rel @p0 .LBB2_9-.Ltmp3, $3  }
0x1af: {  	_ = 	snop  }
0x1b0: {  	v28 =	vmov s1;
	_ =	sdelay $0x1  }
0x1b1: {  	v29 =	vadd.f32 $1.000000000e+00, v29  }
0x1b2: {  	_ =	sdelay $0x3  }
0x1b3: {  	[tilespmem:v27+s25+$0x0] =	vst.idx.msk $0xffff, v29  }
0x1b4: {  	v27 =	vld.idx.msk [tilespmem:v28+s17+$0x0], $0xffff;
	_ =	sdelay $0x4  }
0x1b5: {  	v27 =	vnsel vm0, $0x2710, v27;
	_ =	sdelay $0x3  }
0x1b6: {  	v63 =	vld.idx.msk [tilespmem:v28+s23+$0x0], $0xffff  }
0x1b7: {  	v29 =	vld.idx.msk [tilespmem:v27+s24+$0x0], $0xffff;
	_ =	sdelay $0x4  }
0x1b8: {  	v28 =	vadd.f32 v29, v63;
	_ =	sdelay $0x1  }
0x1b9: {  	[tilespmem:v27+s24+$0x0] =	vst.idx.msk $0xffff, v28  }
0x1ba: {  	v28 =	vld.idx.msk [tilespmem:v27+s25+$0x0], $0xffff;
	_ =	sdelay $0x4  }
0x1bb: {  	s29 =	sadd.s32 $0x1, s29;
	v28 =	vadd.f32 $1.000000000e+00, v28  }
0x1bc: {  	p0 =	sne.s32 s29, s10  }
.Ltmp4:
0x1bd: {  	s0 =	sadd.s32 s9, s30;
	[tilespmem:v27+s25+$0x0] =	vst.idx.msk $0xffff, v28;
	(pc) =	sbr.rel @p0 .LBB2_4-.Ltmp4, $4  }
0x1be: {  	[hbm4b:s0+s3] =	stream.linear.scatter [tilespmem:s23], [sflag:$0x2], $0x80, $0x38;
	[tilespmem:$0x11900] =	vst v63  }
0x1bf: {  	_ =	swait.ge [sflag:s16], $0x80  }
0x1c0: {  	[sflag:s16] =	ssyncset.done $0x0  }
0x1c1: {  	[sflag:s16] =	ssyncadd.s32 $0xFFFFFF80  }
0x1c2: {  	[hbm4b:s12+s3] =	stream.linear.scatter [tilespmem:s24], [sflag:$0x2], $0x2710, $0x38;
	[tilespmem:$0x11900] =	vst v63  }
0x1c3: {  	s26 =	sadd.s32 $0x1, s26;
	_ =	swait.ge [sflag:s16], $0x2710  }
0x1c4: {  	p0 =	sne.s32 s26, s14;
	[sflag:s16] =	ssyncset.done $0x0  }
.Ltmp5:
0x1c5: {  	[sflag:s16] =	ssyncadd.s32 $0xFFFFD8F0;
	(pc) =	sbr.rel @p0 .LBB2_1-.Ltmp5, $4  }
0x1c6: {  	[hbm4b:s13+s3] =	stream.linear.scatter [tilespmem:s25], [sflag:$0x2], $0x2710, $0x38;
	[tilespmem:$0x11900] =	vst v63  }
0x1c7: {  	_ =	swait.ge [sflag:s16], $0x2710  }
0x1c8: {  	[sflag:s16] =	ssyncset.done $0x0  }
0x1c9: {  	[sflag:s16] =	ssyncadd.s32 $0xFFFFD8F0  }
0x1ca: {  	_ =	sfence.sel $0x180000  }
0x1cb: {  	[bflag:$0x0] =	sbarrier.arrive $0xFFFF  }
0x1cc: {  	_ =	strace $0x90000047  }
0x1cd: {  	s0 =	stileid.u32;
	[bflag:$0x2] =	sbarrier.arrive $0xFFFF  }
0x1ce: {  	p0 =	sne.s32 s0, $0x0;
	s0 =	rddreg [dreg:$0x2]  }
0x1cf: {  	s0 =	sadd.s32 @!p0 $0x100000, s0  }
0x1d0: {  	[sflag:s0] =	ssyncadd.tile.s32 @!p0 $0x1;
	_ =	shalt  }
.Lfunc_end2:
_tile_overlayer_lowered:
.L_overlay_start_2:
0x1d1: {  	(tag) =	ssettag $0x2  }
0x1d2: {  	s0 =	rddreg [dreg:$0x0];
	s2 =	stileid.u32  }
0x1d3: {  	s1 =	rddreg [dreg:$0x1];
	p0 =	sne.s32 s2, $0x0  }
0x1d4: {  	s3 =	rddreg [dreg:$0x2];
	[bflag:$0x3] =	sbarrier.arrive $0xFFFF;
	s2 =	simm.s32 @!p0 $0x1C02  }
0x1d5: {  	[timem:s3], [sflag:s2] =	dma.local @!p0 [hbm:s0], s1  }
0x1d6: {  	s0 =	simm.s32 @!p0 $0x2  }
0x1d7: {  	_ =	swait.ge @!p0 [sflag:s0], s1  }
0x1d8: {  	s1 =	ssub.s32 @!p0 $0x0, s1;
	[sflag:s0] =	ssyncset.done @!p0 $0x0  }
0x1d9: {  	[sflag:s0] =	ssyncadd.s32 @!p0 s1  }
0x1da: {  	[bflag:$0x3] =	sbarrier.arrive $0xFFFF  }
0x1db: {  	_ =	shalt  }

// kernel: kernel.8.cloned.1.call-start
scs
__scs_entry_jumppad:
0x0: {  	(pc) =	sbr.rel $0x88, $3  }
0x1: {  	(tag) =	ssettag $0x0;
	lr =	simm.s32 $0x1  }
0x2: {  	[smem:$0x3F8F] =	sst lr;
	_ =	strace $0xD0000000  }
0x3: {  	_ = 	snop  }
0x4: {  	_ = 	snop  }
0x5: {  	_ = 	snop  }
0x6: {  	_ = 	snop  }
0x7: {  	_ = 	snop  }
__scs_overlays_trampoline_lowered:
0x8: {  	[smem:$0x3F9E] =	sst s0  }
0x9: {  	[smem:$0x3F9F] =	sst s1  }
0xa: {  	[smem:$0x3FA0] =	sst s2  }
0xb: {  	[smem:$0x3FA1] =	sst s3  }
0xc: {  	[smem:$0x3FA2] =	sst s4  }
0xd: {  	[smem:$0x3FA3] =	sst s5  }
0xe: {  	[smem:$0x3FA4] =	sst s6  }
0xf: {  	[smem:$0x3FA5] =	sst s7  }
0x10: {  	[smem:$0x3FA6] =	sst s8  }
0x11: {  	[smem:$0x3FA7] =	sst s9;
	s0 =	simm.s32 @!p0 $0x0  }
0x12: {  	s1 =	sld [smem:$0x3F8D];
	s0 =	simm.s32 @p0 $0x1  }
0x13: {  	[smem:$0x3FA8] =	sst s0;
	s0 =	simm.s32 @!p1 $0x0  }
0x14: {  	s2 =	sld [smem:$0x3F8C];
	s0 =	simm.s32 @p1 $0x1  }
0x15: {  	[smem:$0x3FA9] =	sst s0;
	s0 =	simm.s32 @!p2 $0x0  }
0x16: {  	s3 =	sld [smem:$0x3FDB];
	s0 =	simm.s32 @p2 $0x1  }
0x17: {  	s4 =	simm.s32 $0x1BF5;
	[smem:$0x3FAB] =	sst s0  }
0x18: {  	s0 =	sld [smem:$0x3F8E];
	_ =	swait.ge [sflag:s4], $0x0  }
0x19: {  	s7 =	sld [smem:$0x3F8F]  }
0x1a: {  	s8 =	sadd.s32 $0xFFFFE003, lr  }
0x1b: {  	s9 =	sadd.s32 $0xFFFFFEF7, lr;
	s5 =	simm.s32 $0xFFFFFFFF;
	p2 =	slt.u32 s8, $0xFFFFF086  }
0x1c: {  	p1 =	slt.u32 s9, $0xF7A;
	s5 =	simm.s32 @!p2 $0x0  }
0x1d: {  	s5 =	simm.s32 @p1 $0x1;
	p0 =	seq.s32 s7, s2  }
0x1e: {  	s7 =	smul.u32 @!p0 $0xF7A, s2;
	p2 =	seq.s32 @!p0 s5, $0x0  }
0x1f: {  	s9 =	smul.u32 $0xF7A, s1;
	s8 =	simm.s32 @!p0 $0x1BF5;
	p2 =	por !p2, p0  }
0x20: {  	[sflag:s8] =	ssyncset.s32 @!p0 $0xFFFFF086;
	s6 =	sadd.s32 @!p0 s3, s7;
	s7 =	simm.s32 @!p0 $0x108  }
0x21: {  	s3 =	sadd.s32 s3, s9;
	s6 =	sadd.s32 @!p0 $0x88, s6;
	s7 =	simm.s32 @p2 $0x1082  }
0x22: {  	[simem:s7], [sflag:s8] =	dma.local @!p0 [hbm:s6], $0xF7A  }
0x23: {  	s9 =	sor.u32 $0xD0000000, s2;
	s6 =	simm.s32 $0x108;
	_ =	swait.ge @!p0 [sflag:s8], $0x0  }
0x24: {  	s3 =	sadd.s32 $0x88, s3;
	s6 =	simm.s32 @!p1 $0x1082;
	[sflag:s4] =	ssyncset.s32 $0xFFFFF086  }
0x25: {  	[simem:s6], [sflag:s4] =	dma.local [hbm:s3], $0xF7A  }
0x26: {  	[smem:$0x3F8F] =	sst s1;
	(tag) =	ssettag s2;
	_ =	strace s9  }
0x27: {  	s1 =	sld [smem:$0x3F9F]  }
0x28: {  	s2 =	sld [smem:$0x3FA0]  }
0x29: {  	s4 =	sld [smem:$0x3FA2]  }
0x2a: {  	p0 =	seq.s32 s5, $0x0;
	s5 =	sld [smem:$0x3FA3]  }
0x2b: {  	s6 =	sld [smem:$0x3FA4]  }
0x2c: {  	s7 =	sld [smem:$0x3FA5]  }
0x2d: {  	s3 =	simm.s32 $0x108;
	s8 =	sld [smem:$0x3FA6]  }
0x2e: {  	s3 =	simm.s32 @!p0 $0x1082;
	s9 =	sld [smem:$0x3FA7]  }
0x2f: {  	lr =	sadd.s32 s0, s3;
	s0 =	sld [smem:$0x3F9E]  }
0x30: {  	s3 =	sld [smem:$0x3FA1]  }
0x31: {  	[smem:$0x3FAA] =	sst s10  }
0x32: {  	s10 =	sld [smem:$0x3FA8];
	_ =	sdelay $0x3  }
0x33: {  	p0 =	seq.s32 s10, $0x1;
	s10 =	sld [smem:$0x3FAA];
	_ =	sdelay $0x3  }
0x34: {  	[smem:$0x3FAA] =	sst s10  }
0x35: {  	s10 =	sld [smem:$0x3FA9];
	_ =	sdelay $0x3  }
0x36: {  	p1 =	seq.s32 s10, $0x1;
	s10 =	sld [smem:$0x3FAA];
	_ =	sdelay $0x3  }
0x37: {  	[smem:$0x3FAA] =	sst s10  }
0x38: {  	s10 =	sld [smem:$0x3FAB]  }
0x39: {  	_ = 	snop;
	(pc) =	sbr.ind lr, $3  }
0x3a: {  	_ = 	snop  }
0x3b: {  	_ = 	snop  }
0x3c: {  	p2 =	seq.s32 s10, $0x1;
	s10 =	sld [smem:$0x3FAA]  }
0x3d: {  	_ =	shalt  }
0x3e: {  	_ =	shalt  }
0x3f: {  	_ =	shalt  }
0x40: {  	_ =	shalt  }
0x41: {  	_ =	shalt  }
0x42: {  	_ =	shalt  }
0x43: {  	_ =	shalt  }
0x44: {  	_ =	shalt  }
0x45: {  	_ =	shalt  }
0x46: {  	_ =	shalt  }
0x47: {  	_ =	shalt  }
0x48: {  	_ =	shalt  }
0x49: {  	_ =	shalt  }
0x4a: {  	_ =	shalt  }
0x4b: {  	_ =	shalt  }
0x4c: {  	_ =	shalt  }
0x4d: {  	_ =	shalt  }
0x4e: {  	_ =	shalt  }
0x4f: {  	_ =	shalt  }
0x50: {  	_ =	shalt  }
0x51: {  	_ =	shalt  }
0x52: {  	_ =	shalt  }
0x53: {  	_ =	shalt  }
0x54: {  	_ =	shalt  }
0x55: {  	_ =	shalt  }
0x56: {  	_ =	shalt  }
0x57: {  	_ =	shalt  }
0x58: {  	_ =	shalt  }
0x59: {  	_ =	shalt  }
0x5a: {  	_ =	shalt  }
0x5b: {  	_ =	shalt  }
0x5c: {  	_ =	shalt  }
0x5d: {  	_ =	shalt  }
0x5e: {  	_ =	shalt  }
0x5f: {  	_ =	shalt  }
0x60: {  	_ =	shalt  }
0x61: {  	_ =	shalt  }
0x62: {  	_ =	shalt  }
0x63: {  	_ =	shalt  }
0x64: {  	_ =	shalt  }
0x65: {  	_ =	shalt  }
0x66: {  	_ =	shalt  }
0x67: {  	_ =	shalt  }
0x68: {  	_ =	shalt  }
0x69: {  	_ =	shalt  }
0x6a: {  	_ =	shalt  }
0x6b: {  	_ =	shalt  }
0x6c: {  	_ =	shalt  }
0x6d: {  	_ =	shalt  }
0x6e: {  	_ =	shalt  }
0x6f: {  	_ =	shalt  }
0x70: {  	_ =	shalt  }
0x71: {  	_ =	shalt  }
0x72: {  	_ =	shalt  }
0x73: {  	_ =	shalt  }
0x74: {  	_ =	shalt  }
0x75: {  	_ =	shalt  }
0x76: {  	_ =	shalt  }
0x77: {  	_ =	shalt  }
0x78: {  	_ =	shalt  }
0x79: {  	_ =	shalt  }
0x7a: {  	_ =	shalt  }
0x7b: {  	_ =	shalt  }
0x7c: {  	_ =	shalt  }
0x7d: {  	_ =	shalt  }
0x7e: {  	_ =	shalt  }
0x7f: {  	_ =	shalt  }
0x80: {  	_ =	shalt  }
0x81: {  	_ =	shalt  }
0x82: {  	_ =	shalt  }
0x83: {  	_ =	shalt  }
0x84: {  	_ =	shalt  }
0x85: {  	_ =	shalt  }
0x86: {  	_ =	shalt  }
0x87: {  	_ =	shalt  }
.Lfunc_end0:
.L_simem_size_0:
called_computation.1_lowered:
.L_overlay_start_0:
0x88: {  	s2 =	sld [smem:$0x3FD9]  }
0x89: {  	s3 =	sld [smem:$0x3FFE];
	_ =	sdelay $0x1  }
0x8a: {  	s1 =	srdreg.scid  }
0x8b: {  	s0 =	sand.u32 $0x1, s1  }
0x8c: {  	s17 =	sshll.u32 s0, $0xA;
	s2 =	sadd.s32 s3, s2  }
0x8d: {  	s2 =	sadd.s32 s2, s17  }
0x8e: {  	[smem:$0x3FB6] =	sst s2  }
0x8f: {  	_ = 	snop  }
0x90: {  	(tm) =	ssettm $0x1  }
0x91: {  	s18 =	sld [smem:$0x3FFB];
	_ =	sdelay $0x3  }
0x92: {  	_ =	strace s18  }
0x93: {  	s2 =	sld [smem:$0x3FFC];
	_ =	sdelay $0x3  }
0x94: {  	_ =	strace s2  }
0x95: {  	s2 =	sld [smem:$0x3FFD];
	_ =	sdelay $0x3  }
0x96: {  	_ =	strace s2  }
0x97: {  	_ =	strace $0x8FFFFFFF  }
0x98: {  	s19 =	sld [smem:$0x3FDB];
	_ =	sdelay $0x1  }
0x99: {  	s20 =	simm.s32 $_scs_section_size  }
0x9a: {  	s4 =	simm.s32 $_size__tile_overlayer_lowered;
	s5 =	simm.s32 $_tile_overlayer_lowered  }
0x9b: {  	s6 =	simm.s32 $0x1BFF;
	s21 =	sshll.u32 s5, $0x1;
	s3 =	sadd.s32 s20, s19  }
0x9c: {  	s22 =	simm.s32 $0x0;
	s4 =	sshll.u32 s4, $0x1;
	s5 =	sadd.s32 s21, s3  }
0x9d: {  	[timem:s22], [sflag:s6] =	dma.local [hbm:s5], s4  }
0x9e: {  	_ =	swait.ge [sflag:s6], s4  }
0x9f: {  	s4 =	ssub.s32 $0x0, s4;
	[sflag:s6] =	ssyncset.done $0x0  }
0xa0: {  	[sflag:s6] =	ssyncadd.s32 s4;
	_ =	sdelay $0x1  }
0xa1: {  	s23 =	simm.s32 $0x1B8B  }
0xa2: {  	_ =	swait.ge [sflag:s23], $0x1  }
0xa3: {  	[sflag:s23] =	ssyncset.done $0x0  }
0xa4: {  	[sflag:s23] =	ssyncadd.s32 $0xFFFFFFFF  }
0xa5: {  	s4 =	sld [smem:$0x0]  }
0xa6: {  	s5 =	sand.u32 $0xFFFFFFFE, s1  }
0xa7: {  	p0 =	sne.s32 s1, s5  }
0xa8: {  	s5 =	sshll.u32 @p0 s5, $0xE  }
0xa9: {  	s5 =	sadd.s32 @p0 $0x11B8D, s5;
	s6 =	sshll.u32 @p0 s4, $0x11  }
0xaa: {  	s5 =	sor.u32 @p0 s6, s5  }
0xab: {  	[sflag:s5] =	ssyncadd.remote.s32 @p0 $0x1;
	_ =	sdelay $0x1  }
0xac: {  	s5 =	simm.s32 @p0 $0x1B8D  }
0xad: {  	_ =	swait.eq @p0 [sflag:s5], $0x1  }
0xae: {  	[sflag:s5] =	ssyncadd.s32 @p0 $0xFFFFFFFF  }
0xaf: {  	s6 =	sshll.u32 @!p0 s1, $0xE  }
0xb0: {  	s6 =	sor.u32 @!p0 $0x4000, s6;
	s5 =	simm.s32 @!p0 $0x1B8D  }
0xb1: {  	s4 =	sshll.u32 @!p0 s4, $0x11;
	s6 =	sadd.s32 @!p0 $0x11B8D, s6;
	_ =	swait.eq @!p0 [sflag:s5], $0x1  }
0xb2: {  	s4 =	sor.u32 @!p0 s4, s6;
	[sflag:s5] =	ssyncadd.s32 @!p0 $0xFFFFFFFF  }
0xb3: {  	s25 =	simm.s32 $0x1B8E;
	s24 =	sld [smem:$0x3FFE];
	[sflag:s4] =	ssyncadd.remote.s32 @!p0 $0x1  }
0xb4: {  	s26 =	simm.s32 $execute0_lowered;
	[smem:$0x3FD2] =	sst s25  }
0xb5: {  	s5 =	sshll.u32 s26, $0x1;
	_ =	strace $0x80000049;
	[dreg:$0x1] =	wrdreg $0xFFFFFFFF  }
0xb6: {  	s28 =	simm.s32 $_size_execute0_lowered;
	s3 =	sadd.s32 s3, s5;
	[dreg:$0x0] =	wrdreg $0x0  }
0xb7: {  	s5 =	sshll.u32 s28, $0x1;
	[dreg:$0x2] =	wrdreg s3  }
0xb8: {  	[dreg:$0x3] =	wrdreg s5  }
0xb9: {  	[dreg:$0x4] =	wrdreg $0xC0  }
0xba: {  	_ =	task [dreg:s22], $0x5FFFF  }
0xbb: {  	[dreg:$0x1] =	wrdreg $0xFFFFFFFF  }
0xbc: {  	[dreg:$0x0] =	wrdreg $0x60  }
0xbd: {  	[dreg:$0x2] =	wrdreg s24  }
0xbe: {  	[dreg:$0x3] =	wrdreg $0x9  }
0xbf: {  	_ =	task.clear_ibuf [dreg:s22], $0x4FFFF;
	_ =	strace $0x90000049  }
0xc0: {  	s29 =	simm.s32 $0x9;
	_ =	strace $0x8000004B  }
0xc1: {  	_ =	swait.ge [sflag:s29], $0x1  }
0xc2: {  	[sflag:s29] =	ssyncadd.s32 $0xFFFFFFFF  }
0xc3: {  	_ =	strace $0x9000004B  }
0xc4: {  	_ =	sfence  }
0xc5: {  	s30 =	sld [smem:$0x0];
	_ =	sdelay $0x2  }
0xc6: {  	s31 =	sshll.u32 s1, $0xD;
	s1 =	sshrl.u32 s1, $0x2  }
0xc7: {  	s4 =	sand.u32 $0x4000, s31;
	s1 =	sadd.s32 s1, s30  }
0xc8: {  	s0 =	sor.u32 s4, s0;
	s1 =	sshll.u32 s1, $0x11  }
0xc9: {  	s0 =	sor.u32 s1, s0  }
0xca: {  	s0 =	sadd.s32 $0x8F2B, s0  }
0xcb: {  	[sflag:s0] =	ssyncadd.remote.s32 $0x1  }
0xcc: {  	_ =	sfence.sel $0xFFFF  }
0xcd: {  	[dreg:$0x0] =	wrdreg $0xFFFFFFFF;
	(pc) =	sbr.abs _section_cstart, $3  }
0xce: {  	[dreg:$0x1] =	wrdreg $0xFFFFFFFF  }
0xcf: {  	_ =	task.clear_ibuf [dreg:s22], $0x2FFFF;
	_ =	strace $0x9FFFFFFF  }
0xd0: {  	(tm) =	ssettm $0x7FFFFFFF  }
0xd1: {  	_ =	shalt  }
tec
execute0_lowered:
.L_overlay_start_1:
0x0: {  	(tag) =	ssettag $0x1  }
0x1: {  	s5 =	rddreg [dreg:$0x0]  }
0x2: {  	s0 =	rddreg [dreg:$0x1];
	s2 =	simm.s32 $0x0  }
0x3: {  	s3 =	srdreg.scid;
	s1 =	stileid.u32;
	s12 =	simm.s32 $0x0  }
0x4: {  	[smem:$0x7FF] =	sst s2;
	s4 =	sand.u32 $0x1, s3;
	s6 =	sshll.u32 s1, $0x1  }
0x5: {  	s3 =	sadd.s32 $0xDC00, s5;
	s10 =	sadd.s32 $0xA47800, s5;
	p0 =	slt.u32 s1, $0x2  }
0x6: {  	_ =	strace $0x8000004A;
	s7 =	ssub.s32 $0x2, s4;
	s6 =	sor.u32 s4, s6  }
0x7: {  	s4 =	sadd.s32 $0x17A00, s5;
	s5 =	simm.s32 $0x4F;
	s9 =	smul.u32 $0x27100, s6  }
0x8: {  	s8 =	sshrl.u32 s7, $0x1;
	s30 =	smul.u32 $0x4E20, s6;
	s5 =	simm.s32 @!p0 $0x4E  }
0x9: {  	s6 =	sshll.u32 s6, $0x7;
	s11 =	ssub.s32 s7, s8;
	s31 =	sshrl.u32 s9, $0x3  }
0xa: {  	v0 =	vlaneseq.u32;
	s7 =	sadd.s32 s10, s30;
	s9 =	smax.u32 s11, $0x1;
	s8 =	sadd.s32 s10, s31  }
0xb: {  	v1 =	vimm.f32 $0.0e+00;
	v2 =	vor.u32 $0xFFFEC780, v0;
	v3 =	vor.u32 $0x13880, v0;
	s11 =	simm.s32 $0x4080;
	s10 =	simm.s32 $0x1;
	s8 =	sadd.s32 $0x2710, s8  }
.LBB2_1:
0xc: {  	s13 =	simm.s32 $0x40;
	s14 =	simm.s32 $0x0  }
.LBB2_2:
0xd: {  	p0 =	sne.s32 s13, $0x4E200;
	[tilespmem:s14+$0x4080] =	vst v1;
	s14 =	smov.u32 s13;
	s13 =	sadd.s32 $0x40, s13  }
.Ltmp0:
0xe: {  	(pc) =	sbr.rel @p0 .LBB2_2-.Ltmp0, $2  }
0xf: {  	_ =	sdelay $0x2  }
0x10: {  	s14 =	sshra.s32 s14, $0x2  }
0x11: {  	[tilespmem:s14+$0x4080] =	vst v1;
	s13 =	simm.s32 $0x0;
	s14 =	simm.s32 $0x0  }
.LBB2_4:
0x12: {  	s15 =	sshll.u32 s14, $0xC  }
0x13: {  	s15 =	sor.u32 s6, s15  }
0x14: {  	s16 =	sshrl.u32 s15, $0x3  }
0x15: {  	s16 =	sadd.s32 s3, s16  }
0x16: {  	[tilespmem:s13], [sflag:$0x1] =	stream.linear.gather [hbm4b:s16+s13], $0x80, $0x38;
	[tilespmem:$0x17980] =	vst v63  }
0x17: {  	_ =	swait.ge [sflag:s10], $0x80  }
0x18: {  	s15 =	sshll.u32 s15, $0x4;
	[sflag:s10] =	ssyncset.done $0x0  }
0x19: {  	v4 =	vmov s13;
	s30 =	sadd.s32 s4, s15;
	s15 =	simm.s32 $0x80;
	[sflag:s10] =	ssyncadd.s32 $0xFFFFFF80  }
0x1a: {  	[tilespmem:s15], [sflag:$0x1] =	stream.linear.gather [hbm4b:s30+s13], $0x4000, $0x38;
	[tilespmem:$0x17980] =	vst v63  }
0x1b: {  	_ =	swait.ge [sflag:s10], $0x4000  }
0x1c: {  	[sflag:s10] =	ssyncset.done $0x0  }
0x1d: {  	[sflag:s10] =	ssyncadd.s32 $0xFFFFC000  }
0x1e: {  	v4 =	vld.idx.msk [tilespmem:v4+s2+$0x0], $0xffff;
	_ =	sdelay $0x4  }
0x1f: {  	v4 =	vmin.u32 v4, $0x1388  }
0x20: {  	v4 =	vshll.u32 v4, $0x4  }
0x21: {  	v4 =	vor.u32 v0, v4;
	_ =	sdelay $0x3  }
0x22: {  	v7 =	vld [tilespmem:s15+$0x0]  }
0x23: {  	v5 =	vld.idx.msk [tilespmem:v4+s11+$0x0], $0xffff;
	_ =	sdelay $0x1  }
0x24: {  	s31 =	simm.s32 $0x1  }
0x25: {  	v6 =	vmov s31;
	s16 =	simm.s32 $0x2  }
.LBB2_5:
0x26: {  	p0 =	sne.s32 s16, $0x7F  }
0x27: {  	v5 =	vadd.f32 v7, v5;
	_ =	sdelay $0x1  }
0x28: {  	[tilespmem:v4+s11+$0x0] =	vst.idx.msk $0xffff, v5  }
0x29: {  	v4 =	vld.idx.msk [tilespmem:v6+s2+$0x0], $0xffff;
	_ =	sdelay $0x5  }
0x2a: {  	v4 =	vmin.u32 v4, $0x1388  }
0x2b: {  	v4 =	vshll.u32 v4, $0x4  }
0x2c: {  	v4 =	vor.u32 v0, v4;
	_ =	sdelay $0x4  }
.Ltmp1:
0x2d: {  	s15 =	sadd.s32 $0x80, s15;
	v5 =	vld.idx.msk [tilespmem:v4+s11+$0x0], $0xffff;
	(pc) =	sbr.rel @p0 .LBB2_5-.Ltmp1, $2  }
0x2e: {  	v7 =	vld [tilespmem:s15+$0x0];
	_ =	sdelay $0x2  }
0x2f: {  	v6 =	vmov s16;
	s16 =	sadd.s32 $0x1, s16  }
0x30: {  	_ =	sdelay $0x1  }
0x31: {  	v5 =	vadd.f32 v7, v5;
	_ =	sdelay $0x1  }
0x32: {  	[tilespmem:v4+s11+$0x0] =	vst.idx.msk $0xffff, v5  }
0x33: {  	v4 =	vld.idx.msk [tilespmem:v6+s2+$0x0], $0xffff;
	_ =	sdelay $0x4  }
0x34: {  	v4 =	vmin.u32 v4, $0x1388  }
0x35: {  	v4 =	vshll.u32 v4, $0x4  }
0x36: {  	v4 =	vor.u32 v0, v4;
	_ =	sdelay $0x2  }
0x37: {  	s15 =	sadd.s32 $0x80, s15  }
0x38: {  	v63 =	vld [tilespmem:s15+$0x0]  }
0x39: {  	v5 =	vld.idx.msk [tilespmem:v4+s11+$0x0], $0xffff  }
0x3a: {  	s14 =	sadd.s32 $0x1, s14  }
0x3b: {  	p0 =	sne.s32 s14, s5  }
.Ltmp2:
0x3c: {  	_ = 	snop;
	(pc) =	sbr.rel @p0 .LBB2_4-.Ltmp2, $3  }
0x3d: {  	_ = 	snop  }
0x3e: {  	v5 =	vadd.f32 v63, v5;
	_ =	sdelay $0x1  }
0x3f: {  	[tilespmem:v4+s11+$0x0] =	vst.idx.msk $0xffff, v5  }
0x40: {  	s13 =	simm.s32 $0x0  }
0x41: {  	[hbm4b:s7+s13] =	stream.linear.scatter [tilespmem:s11], [sflag:$0x1], $0x13880, $0x38;
	[tilespmem:$0x17980] =	vst v63  }
0x42: {  	_ =	swait.ge [sflag:s10], $0x13880  }
0x43: {  	[sflag:s10] =	ssyncset.done $0x0  }
0x44: {  	s14 =	simm.s32 $0x40;
	s15 =	simm.s32 $0x0;
	[sflag:s10] =	ssyncadd.s32 $0xFFFEC780  }
.LBB2_8:
0x45: {  	p0 =	sne.s32 s14, $0x4E200;
	[tilespmem:s15+$0x4080] =	vst v1;
	s15 =	smov.u32 s14;
	s14 =	sadd.s32 $0x40, s14  }
.Ltmp3:
0x46: {  	(pc) =	sbr.rel @p0 .LBB2_8-.Ltmp3, $2  }
0x47: {  	_ =	sdelay $0x2  }
0x48: {  	s15 =	sshra.s32 s15, $0x2  }
0x49: {  	[tilespmem:s15+$0x4080] =	vst v1  }
.LBB2_10:
0x4a: {  	s14 =	sshll.u32 s13, $0xC  }
0x4b: {  	s14 =	sor.u32 s6, s14  }
0x4c: {  	s15 =	sshrl.u32 s14, $0x3  }
0x4d: {  	s16 =	simm.s32 $0x0;
	s15 =	sadd.s32 s3, s15  }
0x4e: {  	[tilespmem:s16], [sflag:$0x1] =	stream.linear.gather [hbm4b:s15+s16], $0x80, $0x38;
	[tilespmem:$0x17980] =	vst v63  }
0x4f: {  	_ =	swait.ge [sflag:s10], $0x80  }
0x50: {  	s14 =	sshll.u32 s14, $0x4;
	[sflag:s10] =	ssyncset.done $0x0  }
0x51: {  	v4 =	vmov s16;
	s30 =	sadd.s32 s4, s14;
	s14 =	simm.s32 $0x80;
	[sflag:s10] =	ssyncadd.s32 $0xFFFFFF80  }
0x52: {  	[tilespmem:s14], [sflag:$0x1] =	stream.linear.gather [hbm4b:s30+s16], $0x4000, $0x38;
	[tilespmem:$0x17980] =	vst v63  }
0x53: {  	_ =	swait.ge [sflag:s10], $0x4000  }
0x54: {  	[sflag:s10] =	ssyncset.done $0x0  }
0x55: {  	[sflag:s10] =	ssyncadd.s32 $0xFFFFC000  }
0x56: {  	v4 =	vld.idx.msk [tilespmem:v4+s2+$0x0], $0xffff;
	_ =	sdelay $0x4  }
0x57: {  	v5 =	vadd.s32 $0xFFFFEC78, v4;
	v4 =	vshll.u32 v4, $0x4  }
0x58: {  	vm0 =	vlt.u32 v5, $0x1388;
	v4 =	vadd.s32 v2, v4  }
0x59: {  	v4 =	vsel vm0, v4, v3;
	_ =	sdelay $0x3  }
0x5a: {  	v7 =	vld [tilespmem:s14+$0x0]  }
0x5b: {  	v5 =	vld.idx.msk [tilespmem:v4+s11+$0x0], $0xffff;
	_ =	sdelay $0x1  }
0x5c: {  	s31 =	simm.s32 $0x1  }
0x5d: {  	v6 =	vmov s31;
	s15 =	simm.s32 $0x2  }
.LBB2_11:
0x5e: {  	p0 =	sne.s32 s15, $0x7F  }
0x5f: {  	v5 =	vadd.f32 v7, v5;
	_ =	sdelay $0x1  }
0x60: {  	[tilespmem:v4+s11+$0x0] =	vst.idx.msk $0xffff, v5  }
0x61: {  	v4 =	vld.idx.msk [tilespmem:v6+s2+$0x0], $0xffff;
	_ =	sdelay $0x5  }
0x62: {  	v5 =	vadd.s32 $0xFFFFEC78, v4;
	v4 =	vshll.u32 v4, $0x4  }
0x63: {  	vm0 =	vlt.u32 v5, $0x1388;
	v4 =	vadd.s32 v2, v4  }
0x64: {  	v4 =	vsel vm0, v4, v3;
	_ =	sdelay $0x4  }
.Ltmp4:
0x65: {  	s14 =	sadd.s32 $0x80, s14;
	v5 =	vld.idx.msk [tilespmem:v4+s11+$0x0], $0xffff;
	(pc) =	sbr.rel @p0 .LBB2_11-.Ltmp4, $2  }
0x66: {  	v7 =	vld [tilespmem:s14+$0x0];
	_ =	sdelay $0x2  }
0x67: {  	v6 =	vmov s15;
	s15 =	sadd.s32 $0x1, s15  }
0x68: {  	_ =	sdelay $0x1  }
0x69: {  	v5 =	vadd.f32 v7, v5;
	_ =	sdelay $0x1  }
0x6a: {  	[tilespmem:v4+s11+$0x0] =	vst.idx.msk $0xffff, v5  }
0x6b: {  	v4 =	vld.idx.msk [tilespmem:v6+s2+$0x0], $0xffff;
	_ =	sdelay $0x4  }
0x6c: {  	v5 =	vadd.s32 $0xFFFFEC78, v4;
	v4 =	vshll.u32 v4, $0x4  }
0x6d: {  	vm0 =	vlt.u32 v5, $0x1388;
	v4 =	vadd.s32 v2, v4  }
0x6e: {  	v4 =	vsel vm0, v4, v3;
	_ =	sdelay $0x2  }
0x6f: {  	s14 =	sadd.s32 $0x80, s14  }
0x70: {  	v63 =	vld [tilespmem:s14+$0x0]  }
0x71: {  	v5 =	vld.idx.msk [tilespmem:v4+s11+$0x0], $0xffff  }
0x72: {  	s13 =	sadd.s32 $0x1, s13  }
0x73: {  	p0 =	sne.s32 s13, s5  }
.Ltmp5:
0x74: {  	_ = 	snop;
	(pc) =	sbr.rel @p0 .LBB2_10-.Ltmp5, $3  }
0x75: {  	_ = 	snop  }
0x76: {  	v5 =	vadd.f32 v63, v5;
	_ =	sdelay $0x1  }
0x77: {  	[tilespmem:v4+s11+$0x0] =	vst.idx.msk $0xffff, v5  }
0x78: {  	s12 =	sadd.s32 $0x1, s12  }
0x79: {  	p0 =	sne.s32 s12, s9  }
.Ltmp6:
0x7a: {  	_ = 	snop;
	(pc) =	sbr.rel @p0 .LBB2_1-.Ltmp6, $4  }
0x7b: {  	[hbm4b:s8+s2] =	stream.linear.scatter [tilespmem:s11], [sflag:$0x1], $0x13880, $0x38;
	[tilespmem:$0x17980] =	vst v63  }
0x7c: {  	_ =	swait.ge [sflag:s10], $0x13880  }
0x7d: {  	[sflag:s10] =	ssyncset.done $0x0  }
0x7e: {  	[sflag:s10] =	ssyncadd.s32 $0xFFFEC780  }
0x7f: {  	_ =	sfence.sel $0x180000  }
0x80: {  	[bflag:$0x0] =	sbarrier.arrive $0xFFFF  }
0x81: {  	p0 =	sne.s32 s1, $0x0;
	_ =	strace $0x9000004A  }
0x82: {  	s0 =	sadd.s32 @!p0 $0x100000, s0;
	[bflag:$0x2] =	sbarrier.arrive $0xFFFF  }
0x83: {  	[sflag:s0] =	ssyncadd.tile.s32 @!p0 $0x1;
	_ =	shalt  }
.Lfunc_end2:
_tile_overlayer_lowered:
.L_overlay_start_2:
0x84: {  	(tag) =	ssettag $0x2  }
0x85: {  	s0 =	rddreg [dreg:$0x0];
	s2 =	stileid.u32  }
0x86: {  	s1 =	rddreg [dreg:$0x1];
	p0 =	sne.s32 s2, $0x0  }
0x87: {  	s3 =	rddreg [dreg:$0x2];
	[bflag:$0x3] =	sbarrier.arrive $0xFFFF;
	s2 =	simm.s32 @!p0 $0x1C01  }
0x88: {  	[timem:s3], [sflag:s2] =	dma.local @!p0 [hbm:s0], s1  }
0x89: {  	s0 =	simm.s32 @!p0 $0x1  }
0x8a: {  	_ =	swait.ge @!p0 [sflag:s0], s1  }
0x8b: {  	s1 =	ssub.s32 @!p0 $0x0, s1;
	[sflag:s0] =	ssyncset.done @!p0 $0x0  }
0x8c: {  	[sflag:s0] =	ssyncadd.s32 @!p0 s1  }
0x8d: {  	[bflag:$0x3] =	sbarrier.arrive $0xFFFF  }
0x8e: {  	_ =	shalt  }

// kernel: scatter_offload_async_start
scs
__scs_entry_jumppad:
0x0: {  	(pc) =	sbr.rel $0x88, $3  }
0x1: {  	(tag) =	ssettag $0x0;
	lr =	simm.s32 $0x1  }
0x2: {  	[smem:$0x3F8F] =	sst lr;
	_ =	strace $0xD0000000  }
0x3: {  	_ = 	snop  }
0x4: {  	_ = 	snop  }
0x5: {  	_ = 	snop  }
0x6: {  	_ = 	snop  }
0x7: {  	_ = 	snop  }
__scs_overlays_trampoline_lowered:
0x8: {  	[smem:$0x3F9E] =	sst s0  }
0x9: {  	[smem:$0x3F9F] =	sst s1  }
0xa: {  	[smem:$0x3FA0] =	sst s2  }
0xb: {  	[smem:$0x3FA1] =	sst s3  }
0xc: {  	[smem:$0x3FA2] =	sst s4  }
0xd: {  	[smem:$0x3FA3] =	sst s5  }
0xe: {  	[smem:$0x3FA4] =	sst s6  }
0xf: {  	[smem:$0x3FA5] =	sst s7  }
0x10: {  	[smem:$0x3FA6] =	sst s8  }
0x11: {  	[smem:$0x3FA7] =	sst s9;
	s0 =	simm.s32 @!p0 $0x0  }
0x12: {  	s1 =	sld [smem:$0x3F8D];
	s0 =	simm.s32 @p0 $0x1  }
0x13: {  	[smem:$0x3FA8] =	sst s0;
	s0 =	simm.s32 @!p1 $0x0  }
0x14: {  	s2 =	sld [smem:$0x3F8C];
	s0 =	simm.s32 @p1 $0x1  }
0x15: {  	[smem:$0x3FA9] =	sst s0;
	s0 =	simm.s32 @!p2 $0x0  }
0x16: {  	s3 =	sld [smem:$0x3FDB];
	s0 =	simm.s32 @p2 $0x1  }
0x17: {  	s4 =	simm.s32 $0x1BF5;
	[smem:$0x3FAB] =	sst s0  }
0x18: {  	s0 =	sld [smem:$0x3F8E];
	_ =	swait.ge [sflag:s4], $0x0  }
0x19: {  	s7 =	sld [smem:$0x3F8F]  }
0x1a: {  	s8 =	sadd.s32 $0xFFFFE003, lr  }
0x1b: {  	s9 =	sadd.s32 $0xFFFFFEF7, lr;
	s5 =	simm.s32 $0xFFFFFFFF;
	p2 =	slt.u32 s8, $0xFFFFF086  }
0x1c: {  	p1 =	slt.u32 s9, $0xF7A;
	s5 =	simm.s32 @!p2 $0x0  }
0x1d: {  	s5 =	simm.s32 @p1 $0x1;
	p0 =	seq.s32 s7, s2  }
0x1e: {  	s7 =	smul.u32 @!p0 $0xF7A, s2;
	p2 =	seq.s32 @!p0 s5, $0x0  }
0x1f: {  	s9 =	smul.u32 $0xF7A, s1;
	s8 =	simm.s32 @!p0 $0x1BF5;
	p2 =	por !p2, p0  }
0x20: {  	[sflag:s8] =	ssyncset.s32 @!p0 $0xFFFFF086;
	s6 =	sadd.s32 @!p0 s3, s7;
	s7 =	simm.s32 @!p0 $0x108  }
0x21: {  	s3 =	sadd.s32 s3, s9;
	s6 =	sadd.s32 @!p0 $0x88, s6;
	s7 =	simm.s32 @p2 $0x1082  }
0x22: {  	[simem:s7], [sflag:s8] =	dma.local @!p0 [hbm:s6], $0xF7A  }
0x23: {  	s9 =	sor.u32 $0xD0000000, s2;
	s6 =	simm.s32 $0x108;
	_ =	swait.ge @!p0 [sflag:s8], $0x0  }
0x24: {  	s3 =	sadd.s32 $0x88, s3;
	s6 =	simm.s32 @!p1 $0x1082;
	[sflag:s4] =	ssyncset.s32 $0xFFFFF086  }
0x25: {  	[simem:s6], [sflag:s4] =	dma.local [hbm:s3], $0xF7A  }
0x26: {  	[smem:$0x3F8F] =	sst s1;
	(tag) =	ssettag s2;
	_ =	strace s9  }
0x27: {  	s1 =	sld [smem:$0x3F9F]  }
0x28: {  	s2 =	sld [smem:$0x3FA0]  }
0x29: {  	s4 =	sld [smem:$0x3FA2]  }
0x2a: {  	p0 =	seq.s32 s5, $0x0;
	s5 =	sld [smem:$0x3FA3]  }
0x2b: {  	s6 =	sld [smem:$0x3FA4]  }
0x2c: {  	s7 =	sld [smem:$0x3FA5]  }
0x2d: {  	s3 =	simm.s32 $0x108;
	s8 =	sld [smem:$0x3FA6]  }
0x2e: {  	s3 =	simm.s32 @!p0 $0x1082;
	s9 =	sld [smem:$0x3FA7]  }
0x2f: {  	lr =	sadd.s32 s0, s3;
	s0 =	sld [smem:$0x3F9E]  }
0x30: {  	s3 =	sld [smem:$0x3FA1]  }
0x31: {  	[smem:$0x3FAA] =	sst s10  }
0x32: {  	s10 =	sld [smem:$0x3FA8];
	_ =	sdelay $0x3  }
0x33: {  	p0 =	seq.s32 s10, $0x1;
	s10 =	sld [smem:$0x3FAA];
	_ =	sdelay $0x3  }
0x34: {  	[smem:$0x3FAA] =	sst s10  }
0x35: {  	s10 =	sld [smem:$0x3FA9];
	_ =	sdelay $0x3  }
0x36: {  	p1 =	seq.s32 s10, $0x1;
	s10 =	sld [smem:$0x3FAA];
	_ =	sdelay $0x3  }
0x37: {  	[smem:$0x3FAA] =	sst s10  }
0x38: {  	s10 =	sld [smem:$0x3FAB]  }
0x39: {  	_ = 	snop;
	(pc) =	sbr.ind lr, $3  }
0x3a: {  	_ = 	snop  }
0x3b: {  	_ = 	snop  }
0x3c: {  	p2 =	seq.s32 s10, $0x1;
	s10 =	sld [smem:$0x3FAA]  }
0x3d: {  	_ =	shalt  }
0x3e: {  	_ =	shalt  }
0x3f: {  	_ =	shalt  }
0x40: {  	_ =	shalt  }
0x41: {  	_ =	shalt  }
0x42: {  	_ =	shalt  }
0x43: {  	_ =	shalt  }
0x44: {  	_ =	shalt  }
0x45: {  	_ =	shalt  }
0x46: {  	_ =	shalt  }
0x47: {  	_ =	shalt  }
0x48: {  	_ =	shalt  }
0x49: {  	_ =	shalt  }
0x4a: {  	_ =	shalt  }
0x4b: {  	_ =	shalt  }
0x4c: {  	_ =	shalt  }
0x4d: {  	_ =	shalt  }
0x4e: {  	_ =	shalt  }
0x4f: {  	_ =	shalt  }
0x50: {  	_ =	shalt  }
0x51: {  	_ =	shalt  }
0x52: {  	_ =	shalt  }
0x53: {  	_ =	shalt  }
0x54: {  	_ =	shalt  }
0x55: {  	_ =	shalt  }
0x56: {  	_ =	shalt  }
0x57: {  	_ =	shalt  }
0x58: {  	_ =	shalt  }
0x59: {  	_ =	shalt  }
0x5a: {  	_ =	shalt  }
0x5b: {  	_ =	shalt  }
0x5c: {  	_ =	shalt  }
0x5d: {  	_ =	shalt  }
0x5e: {  	_ =	shalt  }
0x5f: {  	_ =	shalt  }
0x60: {  	_ =	shalt  }
0x61: {  	_ =	shalt  }
0x62: {  	_ =	shalt  }
0x63: {  	_ =	shalt  }
0x64: {  	_ =	shalt  }
0x65: {  	_ =	shalt  }
0x66: {  	_ =	shalt  }
0x67: {  	_ =	shalt  }
0x68: {  	_ =	shalt  }
0x69: {  	_ =	shalt  }
0x6a: {  	_ =	shalt  }
0x6b: {  	_ =	shalt  }
0x6c: {  	_ =	shalt  }
0x6d: {  	_ =	shalt  }
0x6e: {  	_ =	shalt  }
0x6f: {  	_ =	shalt  }
0x70: {  	_ =	shalt  }
0x71: {  	_ =	shalt  }
0x72: {  	_ =	shalt  }
0x73: {  	_ =	shalt  }
0x74: {  	_ =	shalt  }
0x75: {  	_ =	shalt  }
0x76: {  	_ =	shalt  }
0x77: {  	_ =	shalt  }
0x78: {  	_ =	shalt  }
0x79: {  	_ =	shalt  }
0x7a: {  	_ =	shalt  }
0x7b: {  	_ =	shalt  }
0x7c: {  	_ =	shalt  }
0x7d: {  	_ =	shalt  }
0x7e: {  	_ =	shalt  }
0x7f: {  	_ =	shalt  }
0x80: {  	_ =	shalt  }
0x81: {  	_ =	shalt  }
0x82: {  	_ =	shalt  }
0x83: {  	_ =	shalt  }
0x84: {  	_ =	shalt  }
0x85: {  	_ =	shalt  }
0x86: {  	_ =	shalt  }
0x87: {  	_ =	shalt  }
.Lfunc_end0:
.L_simem_size_0:
called_computation_lowered:
.L_overlay_start_0:
0x88: {  	s0 =	sld [smem:$0x3FD9]  }
0x89: {  	s1 =	sld [smem:$0x3FFE];
	_ =	sdelay $0x3  }
0x8a: {  	s0 =	sadd.s32 s1, s0  }
0x8b: {  	[smem:$0x3FB6] =	sst s0  }
0x8c: {  	_ = 	snop  }
0x8d: {  	(tm) =	ssettm $0x1  }
0x8e: {  	s15 =	sld [smem:$0x3FFB];
	_ =	sdelay $0x3  }
0x8f: {  	_ =	strace s15  }
0x90: {  	s0 =	sld [smem:$0x3FFC];
	_ =	sdelay $0x3  }
0x91: {  	_ =	strace s0  }
0x92: {  	s0 =	sld [smem:$0x3FFD];
	_ =	sdelay $0x3  }
0x93: {  	_ =	strace s0  }
0x94: {  	_ =	strace $0x8FFFFFFF  }
0x95: {  	s16 =	sld [smem:$0x3FDB];
	_ =	sdelay $0x1  }
0x96: {  	s17 =	simm.s32 $_scs_section_size  }
0x97: {  	s2 =	simm.s32 $_size__tile_overlayer_lowered;
	s3 =	simm.s32 $_tile_overlayer_lowered  }
0x98: {  	s20 =	simm.s32 $0x1BFF;
	s19 =	sshll.u32 s3, $0x1;
	s0 =	sadd.s32 s17, s16  }
0x99: {  	s4 =	simm.s32 $0x0;
	s18 =	sshll.u32 s2, $0x1;
	s2 =	sadd.s32 s19, s0  }
0x9a: {  	[timem:s4], [sflag:s20] =	dma.local [hbm:s2], s18  }
0x9b: {  	_ =	swait.ge [sflag:s20], s18  }
0x9c: {  	s1 =	ssub.s32 $0x0, s18;
	[sflag:s20] =	ssyncset.done $0x0  }
0x9d: {  	[sflag:s20] =	ssyncadd.s32 s1;
	_ =	sdelay $0x1  }
0x9e: {  	s21 =	simm.s32 $0x1B8B  }
0x9f: {  	_ =	swait.ge [sflag:s21], $0x1  }
0xa0: {  	[sflag:s21] =	ssyncset.done $0x0  }
0xa1: {  	s23 =	simm.s32 $0x1B8E;
	s22 =	sld [smem:$0x3FFE];
	[sflag:s21] =	ssyncadd.s32 $0xFFFFFFFF  }
0xa2: {  	s24 =	simm.s32 $execute0_lowered;
	[smem:$0x3FD2] =	sst s23  }
0xa3: {  	s2 =	sshll.u32 s24, $0x1;
	_ =	strace $0x8000004C;
	[dreg:$0x1] =	wrdreg $0xFFFFFFFF  }
0xa4: {  	s25 =	simm.s32 $_size_execute0_lowered;
	s0 =	sadd.s32 s0, s2;
	[dreg:$0x0] =	wrdreg $0x0  }
0xa5: {  	s2 =	sshll.u32 s25, $0x1;
	[dreg:$0x2] =	wrdreg s0  }
0xa6: {  	[dreg:$0x3] =	wrdreg s2  }
0xa7: {  	[dreg:$0x4] =	wrdreg $0xC0  }
0xa8: {  	_ =	task [dreg:s4], $0x5FFFF  }
0xa9: {  	[dreg:$0x1] =	wrdreg $0xFFFFFFFF  }
0xaa: {  	[dreg:$0x0] =	wrdreg $0x60  }
0xab: {  	[dreg:$0x2] =	wrdreg s22  }
0xac: {  	[dreg:$0x3] =	wrdreg $0x9  }
0xad: {  	_ =	task.clear_ibuf [dreg:s4], $0x4FFFF;
	_ =	strace $0x9000004C  }
0xae: {  	s26 =	simm.s32 $0x9;
	_ =	strace $0x8000004E  }
0xaf: {  	_ =	swait.ge [sflag:s26], $0x1  }
0xb0: {  	[sflag:s26] =	ssyncadd.s32 $0xFFFFFFFF  }
0xb1: {  	_ =	strace $0x9000004E  }
0xb2: {  	_ =	sfence  }
0xb3: {  	s28 =	sld [smem:$0x0];
	_ =	sdelay $0x1  }
0xb4: {  	s29 =	srdreg.scid  }
0xb5: {  	s30 =	sshll.u32 s29, $0xD;
	s31 =	sshrl.u32 s29, $0x2  }
0xb6: {  	s1 =	sand.u32 $0x1, s29;
	s2 =	sand.u32 $0x4000, s30;
	s0 =	sadd.s32 s31, s28  }
0xb7: {  	s1 =	sor.u32 s2, s1;
	s0 =	sshll.u32 s0, $0x11  }
0xb8: {  	s0 =	sor.u32 s0, s1  }
0xb9: {  	s0 =	sadd.s32 $0x8F2B, s0  }
0xba: {  	[sflag:s0] =	ssyncadd.remote.s32 $0x1  }
0xbb: {  	_ =	sfence.sel $0xFFFF  }
0xbc: {  	[dreg:$0x0] =	wrdreg $0xFFFFFFFF;
	(pc) =	sbr.abs _section_cstart, $3  }
0xbd: {  	[dreg:$0x1] =	wrdreg $0xFFFFFFFF  }
0xbe: {  	_ =	task.clear_ibuf [dreg:s4], $0x2FFFF;
	_ =	strace $0x9FFFFFFF  }
0xbf: {  	(tm) =	ssettm $0x7FFFFFFF  }
tec
execute0_lowered:
.L_overlay_start_1:
0x0: {  	(tag) =	ssettag $0x1  }
0x1: {  	s0 =	rddreg [dreg:$0x0];
	_ =	strace $0x8000004D;
	s15 =	stileid.u32  }
0x2: {  	s2 =	simm.s32 $0x1;
	s1 =	smin.u32 s15, $0x8;
	s3 =	sshll.u32 s15, $0x1  }
0x3: {  	v1 =	vimm.s32 $0xFFFFFFFF;
	[sflag:s2] =	ssyncpa.u1 $0x0;
	s1 =	sadd.s32 s1, s3  }
0x4: {  	p0 =	slt.u32 s15, $0x8;
	[tilespmem:$0x10] =	vst v1;
	s4 =	smul.u32 $0x1F40, s1;
	s1 =	simm.s32 $0x5DC0  }
0x5: {  	v0 =	vimm.f32 $0.0e+00;
	[tilespmem:$0x20] =	vst v1;
	s1 =	simm.s32 @!p0 $0x3E80  }
0x6: {  	[tilespmem:$0x30] =	vst v0;
	s1 =	sadd.s32 s1, s4  }
0x7: {  	[tilespmem:$0x40] =	vst v0;
	s5 =	smin.u32 s1, $0x4E200  }
0x8: {  	s7 =	simm.s32 $0x2;
	s8 =	simm.s32 $0x8;
	[tilespmem:$0x50] =	vst v0;
	s9 =	ssub.s32 s5, s4  }
0x9: {  	s31 =	simm.s32 $0x9;
	s16 =	simm.s32 $0x0;
	[tilespmem:$0x60] =	vst v1;
	p0 =	sgt.s32 s9, $0x0  }
0xa: {  	s17 =	simm.s32 $0xF0;
	s18 =	simm.s32 $0xFFFFFFFF;
	[tilespmem:$0x70] =	vst v1;
	s9 =	simm.s32 @!p0 $0x0  }
0xb: {  	s19 =	simm.s32 $0xFFFFC280;
	s20 =	simm.s32 $0xFFFFFFFE;
	[tilespmem:$0x80] =	vst v1;
	s30 =	smulhi.u32 $0x10624DD3, s9  }
0xc: {  	s21 =	simm.s32 $0xF;
	s25 =	simm.s32 $0x0;
	s24 =	simm.s32 $0x0;
	v1 =	vimm.s32 $0x0;
	[tilespmem:$0xB0] =	vst v0  }
0xd: {  	s6 =	sadd.s32 $0xA02C00, s0;
	s15 =	sshllo.u32 s15, $0x1;
	[tilespmem:$0x90] =	vst v1;
	s10 =	sshrl.u32 s30, $0x9  }
0xe: {  	[tilespmem:$0xA0] =	vst v1;
	[sflag:s7] =	ssyncpa.u1 $0x0;
	s7 =	simm.s32 $0x7;
	s11 =	smul.u32 $0x1F40, s10  }
.Ltmp0:
0xf: {  	s13 =	sor.u32 $0x80, s3;
	[sflag:s7] =	ssyncpa.u1 $0x0;
	(pc) =	sbr.rel .LBB2_1-.Ltmp0, $4  }
0x10: {  	s14 =	sor.u32 $0x81, s3;
	[sflag:s8] =	ssyncpa.u1 $0x0;
	p0 =	sne.s32 s9, s11  }
0x11: {  	s23 =	smov.u32 s4;
	s1 =	sadd.s32 $0xA16800, s0;
	s2 =	simm.s32 @!p0 $0x0  }
0x12: {  	vm0 =	vmmov $0xffff;
	v2 =	vlaneseq.u32;
	[sflag:s31] =	ssyncpa.u1 $0x0;
	s9 =	sadd.s32 $0xA0CA00, s0;
	s10 =	sadd.s32 s2, s10  }
0x13: {  	vm1 =	vmxor vm1, vm1;
	vm2 =	vmmov $0x1;
	vm3 =	vcmask $0x3F3C;
	p0 =	por $0x0, $0x0;
	s11 =	sadd.s32 $0x1, s10;
	s12 =	sadd.s32 $0x2, s10  }
.LBB2_9:
0x14: {  	p1 =	slt.u32 s24, $0x3  }
0x15: {  	s0 =	simm.s32 @!p1 $0x2  }
0x16: {  	_ =	swait.ge @!p1 [sflag:s0], $0x1F40  }
0x17: {  	[sflag:s0] =	ssyncset.done @!p1 $0x0  }
0x18: {  	[sflag:s0] =	ssyncadd.s32 @!p1 $0xFFFFE0C0;
	s0 =	simm.s32 @!p1 $0x9  }
0x19: {  	_ =	swait.ge @!p1 [sflag:s0], $0x10  }
0x1a: {  	[sflag:s0] =	ssyncset.done @!p1 $0x0  }
0x1b: {  	[sflag:s0] =	ssyncadd.s32 @!p1 $0xFFFFFFF0;
	p1 =	sne.s32 s24, s12  }
.Ltmp1:
0x1c: {  	s2 =	sadd.s32 $0x1F40, s23;
	(pc) =	sbr.rel @!p1 .LBB2_10-.Ltmp1, $4  }
0x1d: {  	s22 =	smov.u32 s4;
	s31 =	sadd.s32 $0x1, s24;
	s17 =	sadd.s32 $0x1F40, s17  }
0x1e: {  	s18 =	sadd.s32 $0x1, s18;
	s25 =	smov.u32 s23;
	p2 =	slt.s32 s2, s5  }
0x1f: {  	p0 =	por !p0, !p0;
	s19 =	sadd.s32 $0x1F40, s19;
	s22 =	smov.u32 @p2 s2  }
0x20: {  	s20 =	sadd.s32 $0x1, s20;
	s23 =	smov.u32 s22;
	s24 =	smov.u32 s31  }
.LBB2_1:
0x21: {  	p1 =	sge.u32 s24, s10  }
0x22: {  	s0 =	smulhi.u32 @!p1 $0xAAAAAAAB, s24;
	_ =	sdelay $0x1  }
0x23: {  	s0 =	sshrl.u32 @!p1 s0, $0x1  }
0x24: {  	s0 =	smul.u32 @!p1 $0x3, s0;
	_ =	sdelay $0x1  }
0x25: {  	s0 =	ssub.s32 @!p1 s24, s0  }
0x26: {  	s0 =	smul.u32 @!p1 $0x7D00, s0;
	_ =	sdelay $0x1  }
0x27: {  	s2 =	sshrl.u32 @!p1 s23, $0x3;
	s0 =	sshrl.u32 @!p1 s0, $0x2  }
0x28: {  	s22 =	sand.u32 @!p1 $0x7, s23;
	s2 =	sadd.s32 @!p1 s6, s2;
	s0 =	sadd.s32 @!p1 $0x100, s0  }
0x29: {  	[tilespmem:s0], [sflag:$0x7] =	stream.linear.gather @!p1 [hbm4b:s2+s22], $0x1F40, $0x38;
	[tilespmem:$0x11A60] =	vst v63  }
0x2a: {  	s0 =	sadd.s32 $0xFFFFFFFF, s24  }
0x2b: {  	p1 =	sge.u32 s0, s10  }
.Ltmp2:
0x2c: {  	_ = 	snop;
	(pc) =	sbr.rel @p1 .LBB2_5-.Ltmp2, $1  }
0x2d: {  	_ =	sdelay $0x3  }
0x2e: {  	s2 =	smulhi.u32 $0xAAAAAAAB, s0;
	_ =	sdelay $0x1  }
0x2f: {  	s2 =	sshrl.u32 s2, $0x1  }
0x30: {  	s2 =	smul.u32 $0x3, s2;
	_ =	sdelay $0x1  }
0x31: {  	s2 =	ssub.s32 s0, s2  }
0x32: {  	s2 =	smul.u32 $0x7D00, s2  }
0x33: {  	_ =	swait.ge [sflag:s7], $0x1F40  }
0x34: {  	[sflag:s7] =	ssyncset.done $0x0;
	s2 =	sshrl.u32 s2, $0x2  }
0x35: {  	[sflag:s7] =	ssyncadd.s32 $0xFFFFE0C0;
	(ifvalue) =	ssetifvalue $0xFFFFFFFF;
	v3 =	vld.msk [tilespmem:s2+$0x100 ss:$0x1], $0xffff;
	_ =	sdelay $0x2  }
0x36: {  	s30 =	smulhi.u32 $0xAAAAAAAB, s18;
	p1 =	sne.s32 s24, $0x1  }
0x37: {  	v4 =	vimm.s32 @!p1 $0x0  }
0x38: {  	s2 =	sshrl.u32 s30, $0x1;
	v4 =	vperm.xlane @!p1 v3, v4  }
0x39: {  	s22 =	sshll.u32 s24, $0x4;
	s2 =	smul.u32 $0xFFFE8900, s2;
	vm4 =	vlt.u32 v3, $0x9C400  }
0x3a: {  	s22 =	sand.u32 $0x10, s22;
	v3 =	vnsel vm4, $0xFFFFFFFE, v3;
	vm4 =	vlt.u32 @!p1 v4, $0x9C400  }
0x3b: {  	s2 =	sshra.s32 s2, $0x2;
	[tilespmem:s22+$0x60] =	vst v3;
	v3 =	vnsel @!p1 vm4, $0xFFFFFFFE, v4  }
0x3c: {  	s28 =	sadd.s32 s2, s17;
	[tilespmem:$0x80] =	vst @!p1 v3  }
0x3d: {  	v3 =	vld.msk [tilespmem:s28+$0x0 ss:$0x1], $0xffff;
	_ =	sdelay $0x4  }
0x3e: {  	(xrf1) =	vunique.msk.u32 $0xffff, v3;
	_ =	sdelay $0xd  }
0x3f: {  	v4 =	vimm.s32 $0xFFFFFFFF;
	v5, _, _ =	vpop (xrf1)  }
0x40: {  	vm5 =	vne.s32 v3, v4;
	vm4 =	veq.s32 v5, v2  }
0x41: {  	vm6 =	vlt.u32 v3, $0x9C400;
	vm4 =	vmand vm5, vm4  }
0x42: {  	vm4 =	vmand vm6, vm4  }
0x43: {  	v4 =	vnsel vm4, $0xFFFFFFFF, v3  }
0x44: {  	s31 =	sand.u32 $0x1, s0  }
0x45: {  	s0 =	simm.s32 $0x1F40;
	p1 =	seq.s32 s31, $0x1  }
0x46: {  	s0 =	simm.s32 @!p1 $0x0  }
0x47: {  	s26 =	sadd.s32 $0x7DF0, s0;
	(ifvalue) =	ssetifvalue $0xFFFFFFFF  }
0x48: {  	v3 =	vperm.xlane v3, v1;
	[tilespmem:s26], [sflag:$0x8] =	stream.indirect_vreg.gather [hbm4b:s1+s16], $0x1, v4, vm0, $0x4038;
	v4 =	vnsel vm6, $0xFFFFFFFE, v4;
	[tilespmem:$0x11A60] =	vst v63  }
0x49: {  	s2 =	simm.s32 $0x0;
	s22 =	sadd.s32 $0xFFFFFFF0, s28;
	[tilespmem:s28+$0x0] =	vst v4  }
.LBB2_3:
0x4a: {  	v4 =	vld.msk [tilespmem:s22+$0x0 ss:$0x1], $0xffff;
	s2 =	sadd.s32 $0x10, s2;
	v5 =	vmov v3;
	s28 =	smov.u32 s22  }
0x4b: {  	p1 =	slt.u32 s2, $0x1F30;
	_ =	sdelay $0x4  }
0x4c: {  	v3 =	vperm.xlane v4, v1;
	(xrf1) =	vunique.msk.u32 $0xffff, v4;
	_ =	sdelay $0xd  }
0x4d: {  	v6, _, _ =	vpop (xrf1)  }
0x4e: {  	vm5 =	vne.s32 v4, v5;
	vm4 =	veq.s32 v6, v2  }
0x4f: {  	vm6 =	vlt.u32 v4, $0x9C400;
	vm4 =	vmand vm5, vm4  }
0x50: {  	vm4 =	vmand vm6, vm4  }
0x51: {  	v4 =	vnsel vm4, $0xFFFFFFFF, v4  }
.Ltmp3:
0x52: {  	v5 =	vnsel vm6, $0xFFFFFFFE, v4;
	(pc) =	sbr.rel @p1 .LBB2_3-.Ltmp3, $3  }
0x53: {  	_ =	sdelay $0x1  }
0x54: {  	s22 =	sadd.s32 $0xFFFFFFF0, s22;
	s26 =	sadd.s32 $0xFFFFFFF0, s26;
	(ifvalue) =	ssetifvalue $0xFFFFFFFF  }
0x55: {  	[tilespmem:s26], [sflag:$0x8] =	stream.indirect_vreg.gather [hbm4b:s1+s16], $0x1, v4, vm0, $0x4038;
	[tilespmem:s28+$0x0] =	vst v5  }
0x56: {  	s2 =	sshrl.u32 s25, $0x3  }
0x57: {  	s0 =	sadd.s32 $0x9D40, s0;
	s2 =	sadd.s32 s9, s2  }
0x58: {  	[tilespmem:s0], [sflag:$0x8] =	stream.linear.gather [hbm:s2], $0x1F40, $0x38;
	[tilespmem:$0x11A60] =	vst v63  }
.LBB2_5:
0x59: {  	p1 =	slt.u32 s24, $0x2  }
0x5a: {  	p2 =	sge.u32 @!p1 s24, s12  }
0x5b: {  	p1 =	por p1, p2  }
.Ltmp4:
0x5c: {  	_ = 	snop;
	(pc) =	sbr.rel @p1 .LBB2_9-.Ltmp4, $1  }
0x5d: {  	_ =	sdelay $0x3  }
0x5e: {  	s0 =	sadd.s32 $0xFFFFFFFE, s24  }
0x5f: {  	s2 =	smulhi.u32 $0xAAAAAAAB, s0;
	_ =	sdelay $0x1  }
0x60: {  	s2 =	sshrl.u32 s2, $0x1  }
0x61: {  	s2 =	smul.u32 $0x3, s2;
	_ =	sdelay $0x1  }
0x62: {  	s0 =	ssub.s32 s0, s2  }
0x63: {  	_ =	swait.ge [sflag:s8], $0x3E80;
	s0 =	smul.u32 $0x1F40, s0  }
0x64: {  	p1 =	sne.s32 s24, s11;
	[sflag:s8] =	ssyncset.done $0x0  }
0x65: {  	[sflag:s8] =	ssyncadd.s32 $0xFFFFC180;
	s2 =	sadd.s32 @!p1 $0x203F, s0  }
0x66: {  	[spmem:s14] =	stream.linear.scatter @!p1 [tilespmem:s2], [sflag:$0x1], $0x1, $0x38;
	[tilespmem:$0x11A60] =	vst v63  }
0x67: {  	s2 =	simm.s32 @!p1 $0x1  }
0x68: {  	_ =	swait.ge @!p1 [sflag:s2], $0x1  }
0x69: {  	s22 =	sshll.u32 s24, $0x4;
	[sflag:s2] =	ssyncset.done @!p1 $0x0  }
0x6a: {  	s25 =	sand.u32 $0x10, s22;
	[sflag:s2] =	ssyncadd.s32 @!p1 $0xFFFFFFFF  }
0x6b: {  	s2 =	sxor.u32 $0x10, s25;
	v4 =	vld [tilespmem:s25+$0x10]  }
0x6c: {  	v5 =	vld [tilespmem:s2+$0x60]  }
0x6d: {  	v3 =	vld [tilespmem:$0x80];
	_ =	sdelay $0x2  }
0x6e: {  	(v2sf) =	vpush v4, $0x0  }
0x6f: {  	(v2sf) =	vpush v5, $0x0  }
0x70: {  	(v2sf) =	vpush v3, $0x0;
	_ =	sdelay $0xc  }
0x71: {  	s22 =	spop (v2sf)  }
0x72: {  	s26 =	spop (v2sf)  }
0x73: {  	s28 =	spop (v2sf)  }
0x74: {  	p2 =	seq.s32 s22, s26;
	p3 =	seq.s32 s28, s22  }
0x75: {  	p3 =	por p2, p3  }
0x76: {  	s26 =	sand.u32 $0x1, s24;
	v4 =	vpsel p3, $0xFFFFFFFF, v4  }
0x77: {  	s29 =	smul.u32 $0x1F40, s26;
	[tilespmem:s25+$0x10] =	vst.msk $0x1, v4  }
0x78: {  	v4 =	vld [tilespmem:$0x30]  }
0x79: {  	v5 =	vld [tilespmem:s29+$0x9D40]  }
0x7a: {  	v6 =	vld [tilespmem:s25+$0x40];
	_ =	sdelay $0x3  }
0x7b: {  	vm4 =	vmmov vm1;
	v5 =	vadd.f32 v5, v4  }
0x7c: {  	vm5 =	vmmov vm2;
	vm4 =	vmmov @p2 vm2;
	s22 =	sshll.u32 s26, $0x4;
	v4 =	vadd.f32 v6, v4  }
0x7d: {  	s26 =	sor.u32 $0x11A40, s22;
	vm5 =	vmmov @p3 vm1;
	[tilespmem:s29+$0x9D40] =	vst.msk vm4, v5  }
0x7e: {  	[tilespmem:s26+$0x0] =	vst.msk vm5, v4  }
0x7f: {  	v4 =	vld [tilespmem:s29+$0x7DF0];
	_ =	sdelay $0x3  }
0x80: {  	v5 =	vimm.f32 $0.0e+00  }
0x81: {  	v4 =	vshift.insert v4, v5, s21  }
0x82: {  	s22 =	sor.u32 $0x40, s2  }
0x83: {  	[tilespmem:s22+$0x0] =	vst.msk $0x1, v4  }
0x84: {  	[tilespmem:s29+$0x7DFF] =	vst.msk $0x1, v5  }
0x85: {  	v4 =	vld [tilespmem:s0+$0x2030];
	_ =	sdelay $0x1  }
0x86: {  	s22 =	smulhi.u32 $0xAAAAAAAB, s20;
	s0 =	simm.s32 $0x1  }
0x87: {  	s0 =	simm.s32 @!p0 $0x0  }
0x88: {  	s22 =	sshrl.u32 s22, $0x1;
	s0 =	smul.u32 $0x7D00, s0  }
0x89: {  	s22 =	smul.u32 $0xFFFE8900, s22;
	v4 =	vshift.insert v4, v1, s21  }
0x8a: {  	s0 =	sshrl.u32 s0, $0x2  }
0x8b: {  	s22 =	sshra.s32 s22, $0x2;
	s30 =	sadd.s32 $0x9D40, s0;
	[tilespmem:s2+$0x10] =	vst.msk $0x1, v4  }
0x8c: {  	s22 =	sadd.s32 s22, s19;
	v6 =	vld [tilespmem:s30+$0x0]  }
0x8d: {  	v7 =	vld [tilespmem:s22+$0x0];
	_ =	sdelay $0x3  }
0x8e: {  	v5 =	vadd.f32 v6, v5  }
0x8f: {  	vm4 =	vne.s32 v7, $0xFFFFFFFF  }
0x90: {  	(xrf2) =	vadd.seg.scan.f32 vm4, v5;
	_ =	sdelay $0x3  }
0x91: {  	s31 =	sadd.s32 $0x5EC0, s0;
	v5 =	vperm.xlane v4, v1  }
0x92: {  	v6 =	vld [tilespmem:s31+$0x0]  }
0x93: {  	vm5 =	veq.s32 v7, v3;
	vm6 =	veq.s32 v7, v5  }
0x94: {  	vm7 =	vgt.u32 v7, $0xFFFFFFFD;
	vm6 =	vmor vm6, vm5  }
0x95: {  	vm6 =	vmor vm6, vm7  }
0x96: {  	v9 =	vld [tilespmem:$0xA0];
	v7 =	vsel vm6, $0xFFFFFFFF, v7  }
0x97: {  	v10 =	vld [tilespmem:$0x90];
	v6 =	vsel vm5, $0x0, v6;
	v8, _, _ =	vpop (xrf2)  }
0x98: {  	v6 =	vadd.f32 v8, v6  }
0x99: {  	s0 =	sadd.s32 $0xDBC0, s0  }
0x9a: {  	vm4 =	vmand vm4, vm3;
	[tilespmem:s0+$0x0] =	vst v6;
	(ifvalue) =	ssetifvalue $0xFFFFFFFF  }
0x9b: {  	vm6 =	veq.s32 v9, $0x1;
	[hbm4b:s1+s16] =	stream.indirect_vreg.scatter [tilespmem:s0], [sflag:$0x2], $0x1, v7, vm0, $0x4038;
	v7 =	vsel vm4, $0x0, v8;
	[tilespmem:$0x11A60] =	vst v63  }
0x9c: {  	s2 =	simm.s32 $0x0;
	s22 =	sadd.s32 $0x10, s22;
	vm4 =	vmor vm6, vm5;
	v6 =	vsel vm5, v8, v10;
	v7 =	vshift.insert v7, v0, s21  }
.LBB2_7:
0x9d: {  	v8 =	vld [tilespmem:s22+$0x0];
	s30 =	sadd.s32 $0x10, s30  }
0x9e: {  	s31 =	sadd.s32 $0x10, s31;
	v9 =	vld [tilespmem:s30+$0x0]  }
0x9f: {  	s2 =	sadd.s32 $0x10, s2;
	v10 =	vld [tilespmem:s31+$0x0]  }
0xa0: {  	p2 =	slt.u32 s2, $0x1F30;
	_ =	sdelay $0x2  }
0xa1: {  	v7 =	vadd.f32 v9, v7  }
0xa2: {  	vm5 =	vne.s32 v8, $0xFFFFFFFF  }
0xa3: {  	vm6 =	vmand vm5, vm3;
	(xrf2) =	vadd.seg.scan.f32 vm5, v7;
	_ =	sdelay $0x5  }
0xa4: {  	vm7 =	veq.s32 v8, v5;
	vm5 =	veq.s32 v8, v3  }
0xa5: {  	vm8 =	vgt.u32 v8, $0xFFFFFFFD;
	vm4 =	vmor vm4, vm5;
	vm7 =	vmor vm7, vm5  }
0xa6: {  	vm7 =	vmor vm7, vm8  }
0xa7: {  	v8 =	vsel vm7, $0xFFFFFFFF, v8  }
.Ltmp5:
0xa8: {  	v7 =	vsel vm5, $0x0, v10;
	v9, _, _ =	vpop (xrf2);
	(pc) =	sbr.rel @p2 .LBB2_7-.Ltmp5, $4  }
0xa9: {  	v6 =	vsel vm5, v9, v6;
	v10 =	vadd.f32 v9, v7;
	v7 =	vsel vm6, $0x0, v9  }
0xaa: {  	s0 =	sadd.s32 $0x10, s0;
	v7 =	vshift.insert v7, v0, s21  }
0xab: {  	s22 =	sadd.s32 $0x10, s22;
	[tilespmem:s0+$0x0] =	vst v10;
	(ifvalue) =	ssetifvalue $0xFFFFFFFF  }
0xac: {  	[hbm4b:s1+s16] =	stream.indirect_vreg.scatter [tilespmem:s0], [sflag:$0x2], $0x1, v8, vm0, $0x4038;
	[tilespmem:$0x11A60] =	vst v63  }
0xad: {  	v3 =	vld [tilespmem:s29+$0xFAF0];
	_ =	sdelay $0x4  }
0xae: {  	v3 =	vshift.insert v3, v0, s21  }
0xaf: {  	s0 =	simm.s32 $0x30  }
0xb0: {  	[tilespmem:s0+$0x0] =	vst.msk $0x1, v3  }
0xb1: {  	v3 =	vsel vm4, $0x1, v1;
	[tilespmem:$0x90] =	vst v6  }
0xb2: {  	s0 =	sadd.s32 @!p1 $0xFAFF, s29;
	[tilespmem:$0xA0] =	vst v3  }
0xb3: {  	[spmem:s15] =	stream.linear.scatter @!p1 [tilespmem:s0], [sflag:$0x1], $0x1, $0x38;
	[tilespmem:$0x11A60] =	vst v63  }
0xb4: {  	s0 =	simm.s32 @!p1 $0x1  }
0xb5: {  	v3 =	vmctz.xlane @!p1 vm4;
	_ =	swait.ge @!p1 [sflag:s0], $0x1  }
0xb6: {  	(v2sf) =	vpush @!p1 v4, $0x0  }
0xb7: {  	(v2sf) =	vpush @!p1 v3, $0x0;
	_ =	sdelay $0xd  }
0xb8: {  	s2 =	spop @!p1 (v2sf)  }
0xb9: {  	s22 =	spop @!p1 (v2sf)  }
0xba: {  	p2 =	sne.s32 @!p1 s28, s2;
	p3 =	slt.s32 @!p1 s22, $0xF  }
0xbb: {  	[sflag:s0] =	ssyncset.done @!p1 $0x0;
	p2 =	por p2, p1;
	p3 =	por !p3, p1  }
0xbc: {  	[sflag:s0] =	ssyncadd.s32 @!p1 $0xFFFFFFFF;
	v3 =	vimm.s32 @!p2 $0xFFFFFFFF;
	s22 =	simm.s32 @p3 $0xF  }
0xbd: {  	[tilespmem:$0x80] =	vst @!p2 v3;
	s2 =	sadd.s32 @!p1 $0x90, s22  }
0xbe: {  	[spmem:s3] =	stream.linear.scatter @!p1 [tilespmem:s2], [sflag:$0x1], $0x1, $0x38;
	[tilespmem:$0x11A60] =	vst v63  }
0xbf: {  	_ =	swait.ge @!p1 [sflag:s0], $0x1  }
0xc0: {  	[sflag:s0] =	ssyncset.done @!p1 $0x0  }
0xc1: {  	s2 =	simm.s32 @!p1 $0x80;
	[sflag:s0] =	ssyncadd.s32 @!p1 $0xFFFFFFFF  }
0xc2: {  	[spmem:s13] =	stream.linear.scatter @!p1 [tilespmem:s2], [sflag:$0x1], $0x1, $0x38;
	[tilespmem:$0x11A60] =	vst v63  }
0xc3: {  	_ =	swait.ge @!p1 [sflag:s0], $0x1  }
0xc4: {  	[sflag:s0] =	ssyncset.done @!p1 $0x0  }
0xc5: {  	[sflag:s0] =	ssyncadd.s32 @!p1 $0xFFFFFFFF;
	(ifvalue) =	ssetifvalue $0xFFFFFFFF;
	v3 =	vld [tilespmem:s25+$0x10];
	_ =	sdelay $0x3  }
.Ltmp6:
0xc6: {  	_ = 	snop;
	(pc) =	sbr.rel .LBB2_9-.Ltmp6, $3  }
0xc7: {  	_ =	sdelay $0x1  }
0xc8: {  	(ifvalue) =	ssetifvalue $0xFFFFFFFF  }
0xc9: {  	[hbm4b:s1+s16] =	stream.indirect_vreg.scatter [tilespmem:s26], [sflag:$0x9], $0x1, v3, vm0, $0x4038;
	[tilespmem:$0x11A60] =	vst v63  }
.LBB2_10:
0xca: {  	_ =	sfence.sel $0x180000  }
0xcb: {  	s0 =	simm.s32 $0x7;
	[bflag:$0x0] =	sbarrier.arrive $0xFFFF  }
0xcc: {  	s26 =	simm.s32 $0x8;
	[sflag:s0] =	ssyncpa.u1 $0x1  }
0xcd: {  	s28 =	simm.s32 $0x9;
	[sflag:s26] =	ssyncpa.u1 $0x1  }
0xce: {  	[sflag:s28] =	ssyncpa.u1 $0x1  }
0xcf: {  	_ =	sfence.stream.spmem  }
0xd0: {  	s29 =	simm.s32 $0x3;
	[bflag:$0x0] =	sbarrier.arrive $0xFFFF  }
0xd1: {  	s30 =	simm.s32 $0x4;
	[sflag:s29] =	ssyncpa.u1 $0x1  }
0xd2: {  	s31 =	simm.s32 $0x3C;
	s2 =	stileid.u32;
	[sflag:s30] =	ssyncpa.u1 $0x1  }
0xd3: {  	p0 =	sne.s32 s2, $0x0;
	[sflag:s31] =	ssyncpa.u1 $0x1  }
0xd4: {  	s0 =	simm.s32 @p0 $0x1;
	_ =	sfence @p0  }
0xd5: {  	[sflag:s0] =	ssyncpa.u1 @p0 $0x1;
	s0 =	simm.s32 @p0 $0x2  }
0xd6: {  	[sflag:s0] =	ssyncpa.u1 @p0 $0x1  }
0xd7: {  	_ =	strace @p0 $0x9000004D  }
0xd8: {  	[bflag:$0x2] =	sbarrier.arrive @p0 $0xFFFF  }
0xd9: {  	_ =	shalt @p0  }
.LBB2_11:
0xda: {  	_ =	sfence.stream.spmem;
	s0 =	simm.s32 $0x5  }
0xdb: {  	s2 =	simm.s32 $0x80;
	s3 =	simm.s32 $0xC0;
	[sflag:s0] =	ssyncpa.u1 $0x0  }
0xdc: {  	[tilespmem:s3], [sflag:$0x5] =	stream.linear.gather [spmem:s2], $0x20, $0x38;
	[tilespmem:$0x11A60] =	vst v63  }
0xdd: {  	s2 =	simm.s32 $0x0;
	s3 =	simm.s32 $0xE0  }
0xde: {  	[tilespmem:s3], [sflag:$0x5] =	stream.linear.gather [spmem:s2], $0x20, $0x38;
	[tilespmem:$0x11A60] =	vst v63  }
.Ltmp7:
0xdf: {  	_ = 	snop;
	(pc) =	sbr.rel .LBB2_12-.Ltmp7, $4  }
0xe0: {  	_ =	swait.ge [sflag:s0], $0x40  }
0xe1: {  	[sflag:s0] =	ssyncset.done $0x0  }
0xe2: {  	s31 =	simm.s32 $0x6;
	[sflag:s0] =	ssyncadd.s32 $0xFFFFFFC0  }
0xe3: {  	s4 =	simm.s32 $0x0;
	[sflag:s31] =	ssyncpa.u1 $0x0  }
.LBB2_17:
0xe4: {  	p0 =	sgt.u32 s5, $0x9C3FF  }
0xe5: {  	s0 =	sshrl.u32 @!p0 s5, $0x3  }
0xe6: {  	s5 =	sand.u32 @!p0 $0x7, s5;
	s6 =	simm.s32 @!p0 $0xB0;
	s0 =	sadd.s32 @!p0 s1, s0  }
0xe7: {  	[tilespmem:s6], [sflag:$0x6] =	stream.linear.gather @!p0 [hbm4b:s0+s5], $0x1, $0x38;
	[tilespmem:$0x11A60] =	vst v63  }
0xe8: {  	s0 =	simm.s32 @!p0 $0x6  }
0xe9: {  	_ =	swait.ge @!p0 [sflag:s0], $0x1  }
0xea: {  	[sflag:s0] =	ssyncset.done @!p0 $0x0  }
0xeb: {  	[sflag:s0] =	ssyncadd.s32 @!p0 $0xFFFFFFFF  }
0xec: {  	v2 =	vmov @!p0 s4;
	v1 =	vld.msk @!p0 [tilespmem:$0xB0], $0x1;
	_ =	sdelay $0x3  }
0xed: {  	s0 =	simm.s32 @!p0 $0xE0  }
0xee: {  	[tilespmem:v2+s0+$0x0], v1 =	vst.idx.ret.add.f32.msk @!p0 $0x1, v1  }
0xef: {  	[tilespmem:s2+$0xC0] =	vst.msk $0x1, v0  }
0xf0: {  	v0 =	vld.msk [tilespmem:s4+$0xE0], $0x1;
	_ =	sdelay $0x4  }
0xf1: {  	[tilespmem:s2+$0xE0] =	vst.msk $0x1, v0;
	s2 =	sadd.s32 $0x1, s2  }
.LBB2_19:
0xf2: {  	s4 =	sadd.s32 $0x1, s4  }
0xf3: {  	p0 =	sne.s32 s4, $0x20  }
.Ltmp8:
0xf4: {  	_ = 	snop;
	(pc) =	sbr.rel @!p0 .LBB2_20-.Ltmp8, $1  }
0xf5: {  	_ =	sdelay $0x3  }
.LBB2_12:
0xf6: {  	v0 =	vld.msk [tilespmem:s4+$0xC0], $0x1;
	_ =	sdelay $0x4  }
0xf7: {  	(v2sf) =	vpush v0, $0x0;
	_ =	sdelay $0xe  }
0xf8: {  	s5 =	spop (v2sf)  }
0xf9: {  	p0 =	seq.s32 s5, $0xFFFFFFFF  }
.Ltmp9:
0xfa: {  	_ = 	snop;
	(pc) =	sbr.rel @p0 .LBB2_19-.Ltmp9, $1  }
0xfb: {  	_ =	sdelay $0x3  }
0xfc: {  	p0 =	slt.s32 s2, $0x1  }
.Ltmp10:
0xfd: {  	_ = 	snop;
	(pc) =	sbr.rel @p0 .LBB2_17-.Ltmp10, $1  }
0xfe: {  	_ =	sdelay $0x3  }
0xff: {  	s0 =	simm.s32 $0xC0;
	p0 =	por $0x0, $0x0  }
0x100: {  	v1 =	vld.msk @!p0 [tilespmem:s0+$0x0], $0x1;
	_ =	sdelay $0x4  }
0x101: {  	(v2sf) =	vpush @!p0 v1, $0x0;
	_ =	sdelay $0xd  }
0x102: {  	p2 =	sne.s32 s2, $0x1  }
.Ltmp11:
0x103: {  	s6 =	spop @!p0 (v2sf);
	(pc) =	sbr.rel @!p2 .LBB2_16-.Ltmp11, $4  }
0x104: {  	p1 =	seq.s32 @!p0 s5, s6  }
0x105: {  	s6 =	simm.s32 $0x0;
	p1 =	por !p1, p0  }
0x106: {  	s8 =	simm.s32 $0xFFFFFFFF;
	s6 =	simm.s32 @p1 $0xFFFFFFFF  }
0x107: {  	s7 =	simm.s32 $0x1;
	s6 =	smov.u32 @p0 s8  }
.LBB2_15:
0x108: {  	s8 =	smov.u32 s6;
	p0 =	sne.s32 s6, $0xFFFFFFFF  }
0x109: {  	s0 =	sadd.s32 $0x1, s0;
	s6 =	smov.u32 s7;
	s7 =	sadd.s32 $0x1, s7  }
0x10a: {  	p1 =	sne.s32 s2, s7;
	v1 =	vld.msk @!p0 [tilespmem:s0+$0x0], $0x1;
	_ =	sdelay $0x4  }
0x10b: {  	(v2sf) =	vpush @!p0 v1, $0x0;
	_ =	sdelay $0xe  }
.Ltmp12:
0x10c: {  	s9 =	spop @!p0 (v2sf);
	(pc) =	sbr.rel @p1 .LBB2_15-.Ltmp12, $4  }
0x10d: {  	p2 =	seq.s32 @!p0 s5, s9  }
0x10e: {  	p2 =	por !p2, p0  }
0x10f: {  	s6 =	simm.s32 @p2 $0xFFFFFFFF  }
0x110: {  	s6 =	smov.u32 @p0 s8  }
.LBB2_16:
0x111: {  	p0 =	sne.s32 s6, $0xFFFFFFFF  }
.Ltmp13:
0x112: {  	_ = 	snop;
	(pc) =	sbr.rel @!p0 .LBB2_17-.Ltmp13, $1  }
0x113: {  	_ =	sdelay $0x3  }
0x114: {  	v0 =	vld.msk [tilespmem:s4+$0xE0], $0x1;
	v1 =	vmov s6  }
.Ltmp14:
0x115: {  	_ = 	snop;
	(pc) =	sbr.rel .LBB2_19-.Ltmp14, $2  }
0x116: {  	_ =	sdelay $0x2  }
0x117: {  	[tilespmem:v1+s3+$0x0], v0 =	vst.idx.ret.add.f32.msk $0x1, v0  }
.LBB2_20:
0x118: {  	p0 =	slt.s32 s2, $0x1  }
.Ltmp15:
0x119: {  	_ = 	snop;
	(pc) =	sbr.rel @p0 .LBB2_24-.Ltmp15, $3  }
0x11a: {  	_ =	sdelay $0x1  }
0x11b: {  	s0 =	simm.s32 $0x6  }
0x11c: {  	s3 =	simm.s32 $0x0;
	[sflag:s0] =	ssyncpa.u1 $0x1  }
0x11d: {  	s0 =	simm.s32 $0xC0  }
0x11e: {  	v0 =	vld.msk [tilespmem:s0+$0x0], $0x1;
	_ =	sdelay $0x4  }
0x11f: {  	(v2sf) =	vpush v0, $0x0;
	_ =	sdelay $0xe  }
0x120: {  	s2 =	sadd.s32 $0xFFFFFFFF, s2;
	s4 =	spop (v2sf)  }
0x121: {  	p1 =	sne.s32 s2, $0x0;
	p0 =	sgt.u32 s4, $0x9C3FF  }
.Ltmp16:
0x122: {  	s5 =	sshrl.u32 @!p0 s4, $0x3;
	(pc) =	sbr.rel @!p1 .LBB2_23-.Ltmp16, $4  }
0x123: {  	s0 =	simm.s32 $0xE0;
	s4 =	sand.u32 @!p0 $0x7, s4;
	s5 =	sadd.s32 @!p0 s1, s5  }
0x124: {  	[hbm4b:s5+s4] =	stream.linear.scatter @!p0 [tilespmem:s0], [sflag:$0x5], $0x1, $0x38;
	[tilespmem:$0x11A60] =	vst v63  }
0x125: {  	s5 =	simm.s32 $0x0  }
0x126: {  	s4 =	simm.s32 $0xC1;
	s5 =	simm.s32 @!p0 $0x4  }
.LBB2_22:
0x127: {  	v0 =	vld.msk [tilespmem:s4+$0x0], $0x1;
	s2 =	sadd.s32 $0xFFFFFFFF, s2;
	s3 =	sadd.s32 s3, s5  }
0x128: {  	p0 =	sne.s32 s2, $0x0;
	_ =	sdelay $0x3  }
0x129: {  	(v2sf) =	vpush v0, $0x0;
	_ =	sdelay $0xe  }
.Ltmp17:
0x12a: {  	s6 =	spop (v2sf);
	(pc) =	sbr.rel @p0 .LBB2_22-.Ltmp17, $4  }
0x12b: {  	s5 =	simm.s32 $0x0;
	p1 =	sgt.u32 s6, $0x9C3FF  }
0x12c: {  	s0 =	sadd.s32 $0x1, s0;
	s5 =	simm.s32 @!p1 $0x4;
	s7 =	sshrl.u32 @!p1 s6, $0x3  }
0x12d: {  	s4 =	sadd.s32 $0x1, s4;
	s6 =	sand.u32 @!p1 $0x7, s6;
	s7 =	sadd.s32 @!p1 s1, s7  }
0x12e: {  	[hbm4b:s7+s6] =	stream.linear.scatter @!p1 [tilespmem:s0], [sflag:$0x5], $0x1, $0x38;
	[tilespmem:$0x11A60] =	vst v63  }
.LBB2_23:
0x12f: {  	s0 =	sadd.s32 s3, s5  }
0x130: {  	s3 =	sshrl.u32 s0, $0x2  }
.LBB2_24:
0x131: {  	s0 =	simm.s32 $0x5  }
0x132: {  	_ =	swait.ge [sflag:s0], s3  }
0x133: {  	s1 =	ssub.s32 $0x0, s3;
	[sflag:s0] =	ssyncset.done $0x0  }
0x134: {  	[sflag:s0] =	ssyncadd.s32 s1  }
0x135: {  	[sflag:s0] =	ssyncpa.u1 $0x1  }
0x136: {  	s29 =	simm.s32 $0x1;
	_ =	sfence  }
0x137: {  	s30 =	simm.s32 $0x2;
	[sflag:s29] =	ssyncpa.u1 $0x1  }
0x138: {  	[sflag:s30] =	ssyncpa.u1 $0x1  }
0x139: {  	_ =	strace $0x9000004D  }
0x13a: {  	[bflag:$0x2] =	sbarrier.arrive $0xFFFF  }
0x13b: {  	s31 =	rddreg [dreg:$0x1]  }
0x13c: {  	s0 =	sadd.s32 $0x100000, s31  }
0x13d: {  	[sflag:s0] =	ssyncadd.tile.s32 $0x1;
	_ =	shalt  }
.Lfunc_end2:
_tile_overlayer_lowered:
.L_overlay_start_2:
0x13e: {  	(tag) =	ssettag $0x2  }
0x13f: {  	s0 =	rddreg [dreg:$0x0];
	s2 =	stileid.u32  }
0x140: {  	s1 =	rddreg [dreg:$0x1];
	p0 =	sne.s32 s2, $0x0  }
0x141: {  	s3 =	rddreg [dreg:$0x2];
	[bflag:$0x3] =	sbarrier.arrive $0xFFFF;
	s2 =	simm.s32 @!p0 $0x1C01  }
0x142: {  	[timem:s3], [sflag:s2] =	dma.local @!p0 [hbm:s0], s1  }
0x143: {  	s0 =	simm.s32 @!p0 $0x1  }
0x144: {  	_ =	swait.ge @!p0 [sflag:s0], s1  }
0x145: {  	s1 =	ssub.s32 @!p0 $0x0, s1;
	[sflag:s0] =	ssyncset.done @!p0 $0x0  }
0x146: {  	[sflag:s0] =	ssyncadd.s32 @!p0 s1  }
0x147: {  	[bflag:$0x3] =	sbarrier.arrive $0xFFFF  }
0x148: {  	_ =	shalt  }

</sc_bundles>
